<compile_context>
chip_gen: v7x
topology: tpu7x:2x2x1
jax: 0.10.2.dev20260603
libtpu: 0.0.44.dev20260713+nightly
codegen_flags: <defaults>
</compile_context>

<pallas_src>
import functools

import jax
import jax.numpy as jnp
from jax import lax
from jax.experimental import pallas as pl
from jax.experimental.pallas import tpu as pltpu
from jax.experimental.pallas import tpu_sc as plsc

N = 2048
C = 768
F = 64
E = 8
H = 1536
NB = 4
RNK = 8
ALPHA = 16.0
CAP = 1.25
M_FAN = 2
LOSS_COEF = 0.01
GIN = C + F + 2
K = min(max(1, int(N / float(E) * CAP)), N)
SCALE = ALPHA / float(RNK)

BTS = 128
NBLK = (2 * N + E * (BTS - 1) + BTS - 1) // BTS
NSLOT = NBLK * BTS
NW = 32
SPT = NSLOT // NW
TPT = N // NW
LR = NB * RNK

_HI = jax.lax.Precision.HIGHEST
_BF = jnp.bfloat16


def _f32_key(v):
    b = jax.lax.bitcast_convert_type(v, jnp.int32)
    m = jax.lax.shift_right_arithmetic(b, 31)
    return b ^ (m & jnp.int32(0x7FFFFFFF))


def _bdot(a, b):
    return jax.lax.dot_general(a.astype(_BF), b.astype(_BF),
                               (((1,), (0,)), ((), ())),
                               preferred_element_type=jnp.float32)


def _bdot_t(a, b):
    return jax.lax.dot_general(a.astype(_BF), b.astype(_BF),
                               (((1,), (1,)), ((), ())),
                               preferred_element_type=jnp.float32)


def _routing_kernel(x_ref, xp_ref, wext_ref, lngx_ref, lnbx_ref, lngz_ref,
                    lnbz_ref, wgx_ref, wgz_ref, gmisc_ref, tri_ref,
                    gT_ref, loss_ref, s1_ref, s2_ref, w1_ref, w2_ref,
                    bexp_ref):
    x = x_ref[...]

    ad = jnp.abs(x - xp_ref[...])
    meanad = jnp.sum(ad, axis=1, keepdims=True) / C
    dev = ad - meanad
    sdv = jnp.sqrt(jnp.sum(dev * dev, axis=1, keepdims=True) / (C - 1))
    mu = jnp.log1p(meanad)
    sd = jnp.log1p(sdv)

    Z = _bdot(x, wext_ref[...])

    ssum = (jnp.sum(x, axis=1, keepdims=True)
            + jnp.sum(Z, axis=1, keepdims=True) + mu + sd)
    mean = ssum / GIN
    dx = x - mean
    dz = Z - mean
    dmu = mu - mean
    dsd = sd - mean
    var = (jnp.sum(dx * dx, axis=1, keepdims=True)
           + jnp.sum(dz * dz, axis=1, keepdims=True)
           + dmu * dmu + dsd * dsd) / GIN
    denom = jnp.sqrt(var + 1e-5)

    nx = dx / denom * lngx_ref[...] + lnbx_ref[...]
    nz = dz / denom * lngz_ref[...] + lnbz_ref[...]
    g_mu = gmisc_ref[0:1, 0:1]
    b_mu = gmisc_ref[0:1, 1:2]
    g_sd = gmisc_ref[0:1, 2:3]
    b_sd = gmisc_ref[0:1, 3:4]
    nmu = dmu / denom * g_mu + b_mu
    nsd = dsd / denom * g_sd + b_sd

    logitsT = _bdot_t(wgx_ref[...], nx)
    logitsT = logitsT + _bdot_t(wgz_ref[...], nz)
    onesT = jnp.ones((1, 1), jnp.float32)
    nmuT = jax.lax.dot_general(onesT, nmu.astype(_BF).astype(jnp.float32),
                               (((1,), (1,)), ((), ())), precision=_HI)
    nsdT = jax.lax.dot_general(onesT, nsd.astype(_BF).astype(jnp.float32),
                               (((1,), (1,)), ((), ())), precision=_HI)
    wmu = gmisc_ref[1:2, 0:E].T.astype(_BF).astype(jnp.float32)
    wsd = gmisc_ref[2:3, 0:E].T.astype(_BF).astype(jnp.float32)
    bgate = gmisc_ref[3:4, 0:E].T
    logitsT = logitsT + wmu * nmuT + wsd * nsdT + bgate

    keys = _f32_key(logitsT)
    cnt0 = jnp.sum((keys >= 0).astype(jnp.float32), axis=1, keepdims=True)
    T = jnp.where(cnt0 >= K, jnp.int32(0), jnp.int32(-2147483648))
    T = jnp.broadcast_to(T, (E, 1))
    for b in range(30, -1, -1):
        Tp = T | jnp.int32(1 << b)
        cnt = jnp.sum((keys >= Tp).astype(jnp.float32), axis=1, keepdims=True)
        T = jnp.where(cnt >= K, Tp, T)
    dispatch = keys >= T

    erow = jax.lax.broadcasted_iota(jnp.int32, (E, N), 0)
    covered = jnp.any(dispatch, axis=0, keepdims=True)
    colmax = jnp.max(logitsT, axis=0, keepdims=True)
    best = jnp.min(jnp.where(logitsT == colmax, erow, E), axis=0, keepdims=True)
    dispatch = dispatch | ((~covered) & (erow == best))

    NEG = jnp.float32(-jnp.inf)
    masked = jnp.where(dispatch, logitsT, NEG)
    val1 = jnp.max(masked, axis=0, keepdims=True)
    idx1 = jnp.min(jnp.where(masked == val1, erow, E), axis=0, keepdims=True)
    masked2 = jnp.where(erow == idx1, NEG, masked)
    val2 = jnp.max(masked2, axis=0, keepdims=True)
    idx2 = jnp.min(jnp.where((masked2 == val2) & (erow != idx1), erow, E),
                   axis=0, keepdims=True)
    oh1 = (erow == idx1)
    oh2 = (erow == idx2)
    sel1 = jnp.sum(jnp.where(oh1, logitsT, 0.0), axis=0, keepdims=True)
    sel2 = jnp.sum(jnp.where(oh2, logitsT, 0.0), axis=0, keepdims=True)
    m = jnp.maximum(sel1, sel2)
    e1 = jnp.exp(sel1 - m)
    e2 = jnp.exp(sel2 - m)
    s = e1 + e2
    w1 = e1 / s
    w2 = e2 / s
    gT = jnp.where(oh1, w1, 0.0) + jnp.where(oh2, w2, 0.0)
    gT_ref[...] = gT
    w1_ref[...] = w1
    w2_ref[...] = w2

    importance = jnp.sum(gT, axis=1, keepdims=True)
    load = jnp.sum((gT > 0.0).astype(jnp.float32), axis=1, keepdims=True)

    def _cv2(v):
        mn = jnp.mean(v)
        vr = jnp.mean((v - mn) * (v - mn))
        return vr / (mn * mn + 1e-10)

    loss_ref[...] = jnp.reshape((_cv2(importance) + _cv2(load)) * LOSS_COEF,
                                (1, 1))

    sel = jnp.where(oh1 | oh2, 1.0, 0.0)
    cum = jax.lax.dot_general(sel.astype(_BF), tri_ref[...],
                              (((1,), (0,)), ((), ())),
                              preferred_element_type=jnp.float32)
    counts = cum[:, N - 1:N]
    nb = jnp.floor((counts + (BTS - 1)) * (1.0 / BTS))
    pc = nb * BTS
    ei = jax.lax.broadcasted_iota(jnp.int32, (E, E), 0)
    ej = jax.lax.broadcasted_iota(jnp.int32, (E, E), 1)
    tri8 = jnp.where(ej < ei, 1.0, 0.0)
    base = jax.lax.dot_general(tri8, pc, (((1,), (0,)), ((), ())),
                               precision=_HI)
    pos = cum - 1.0
    slot1 = jnp.sum(jnp.where(oh1, base + pos, 0.0), axis=0, keepdims=True)
    slot2 = jnp.sum(jnp.where(oh2, base + pos, 0.0), axis=0, keepdims=True)
    s1_ref[...] = slot1.astype(jnp.int32)
    s2_ref[...] = slot2.astype(jnp.int32)

    cnb = (base + pc) * (1.0 / BTS)
    jrow = jax.lax.broadcasted_iota(jnp.int32, (1, 128), 1).astype(jnp.float32)
    be = jnp.sum(jnp.where(jrow >= cnb, 1.0, 0.0), axis=0, keepdims=True)
    bexp_ref[...] = jnp.minimum(be, 7.0).astype(jnp.int32)


def _expert_kernel(bexp_ref, xs_ref, bws_ref, gates_ref, w1_ref, b1_ref,
                   a1_ref, b1c_ref, w2_ref, b2_ref, a2_ref, b2c_ref, ys_ref):
    xs = xs_ref[...]
    bws = bws_ref[:, :LR]
    h = _bdot(xs, w1_ref[0]) + b1_ref[0]
    xa = _bdot(xs, a1_ref[0])
    h = h + _bdot(xa * bws, b1c_ref[0])
    h = jax.nn.gelu(h)
    out = _bdot(h, w2_ref[0]) + b2_ref[0]
    ha = _bdot(h, a2_ref[0])
    out = out + _bdot(ha * bws, b2c_ref[0])
    ys_ref[...] = out * gates_ref[...]


TSL = N // 16
ZSL = NSLOT // 16
XCH = SPT // 4


def _sc_dispatch(s1_h, s2_h, w1_h, w2_h, x_h, bwr_h,
                 xs_h, bws_h, gates_h,
                 shared_tok, zb, tv_b, sl_b, wv_b, idx_l, idx_a, idx_b,
                 rows_a, rows_b, bwrows_b, sem_a, sem_b, sem_c):
    cid = lax.axis_index("c")
    sid = lax.axis_index("s")
    wid = sid * 2 + cid

    tbase = sid * TSL

    def tv_body(i, _):
        tv_b[pl.ds(i * 16, 16)] = lax.iota(jnp.int32, 16) + (tbase + i * 16)
        zb[pl.ds(i * 16, 16)] = jnp.zeros((16,), jnp.int32)
        return _
    lax.fori_loop(0, TSL // 16, tv_body, None)

    def z_body(i, _):
        zb[pl.ds(TSL + i * 16, 16)] = jnp.zeros((16,), jnp.int32)
        return _
    lax.fori_loop(0, (ZSL - TSL) // 16, z_body, None)
    pltpu.sync_copy(zb, shared_tok.at[pl.ds(sid * ZSL, ZSL)])
    plsc.subcore_barrier()

    pltpu.sync_copy(s1_h.at[pl.ds(tbase, TSL)], sl_b)
    pltpu.sync_copy(tv_b, shared_tok.at[sl_b])

    @pl.when(cid == 0)
    def _():
        pltpu.sync_copy(w1_h.at[pl.ds(tbase, TSL)], wv_b)
        pltpu.sync_copy(wv_b, gates_h.at[sl_b])

    pltpu.sync_copy(s2_h.at[pl.ds(tbase, TSL)], sl_b)
    pltpu.sync_copy(tv_b, shared_tok.at[sl_b])

    @pl.when(cid == 0)
    def _():
        pltpu.sync_copy(w2_h.at[pl.ds(tbase, TSL)], wv_b)
        pltpu.sync_copy(wv_b, gates_h.at[sl_b])

    plsc.subcore_barrier()

    base = wid * SPT
    pltpu.sync_copy(shared_tok.at[pl.ds(base, SPT)], idx_l)
    dbw = pltpu.async_copy(bwr_h.at[idx_l], bwrows_b, sem_c)
    pltpu.sync_copy(shared_tok.at[pl.ds(base, XCH)], idx_a)
    d = pltpu.async_copy(x_h.at[idx_a], rows_a, sem_a)
    for ch in range(4):
        cur_rows = rows_a if ch % 2 == 0 else rows_b
        if ch < 3:
            nxt_idx = idx_b if ch % 2 == 0 else idx_a
            nxt_rows = rows_b if ch % 2 == 0 else rows_a
            nxt_sem = sem_b if ch % 2 == 0 else sem_a
            pltpu.sync_copy(
                shared_tok.at[pl.ds(base + (ch + 1) * XCH, XCH)], nxt_idx)
            dn = pltpu.async_copy(x_h.at[nxt_idx], nxt_rows, nxt_sem)
        d.wait()
        pltpu.sync_copy(cur_rows, xs_h.at[pl.ds(base + ch * XCH, XCH)])
        if ch < 3:
            d = dn
    dbw.wait()
    pltpu.sync_copy(bwrows_b, bws_h.at[pl.ds(base, SPT)])


def _sc_combine(ys_h, s1_h, s2_h, fin_h,
                idx1_l, idx2_l, rows1, rows2, sem):
    cid = lax.axis_index("c")
    sid = lax.axis_index("s")
    wid = sid * 2 + cid
    base = wid * TPT
    pltpu.sync_copy(s1_h.at[pl.ds(base, TPT)], idx1_l)
    pltpu.sync_copy(s2_h.at[pl.ds(base, TPT)], idx2_l)
    pltpu.async_copy(ys_h.at[idx1_l], rows1, sem).wait()
    pltpu.async_copy(ys_h.at[idx2_l], rows2, sem).wait()

    def add_row(r, _):
        def add_chunk(j, __):
            a = rows1[r, pl.ds(j * 16, 16)]
            b = rows2[r, pl.ds(j * 16, 16)]
            rows1[r, pl.ds(j * 16, 16)] = a + b
            return __
        lax.fori_loop(0, C // 16, add_chunk, None)
        return _
    lax.fori_loop(0, TPT, add_row, None)
    pltpu.sync_copy(rows1, fin_h.at[pl.ds(base, TPT)])


def kernel(x, band_weights, x_prev_tokens, W_ext, ln_g, ln_b, W_gate, b_gate,
           W1, b1, A1, B1, W2, b2, A2, B2):
    x = x.astype(jnp.float32)
    xp = x_prev_tokens.astype(jnp.float32)
    lngx = ln_g[None, :C]
    lnbx = ln_b[None, :C]
    lngz = ln_g[None, C:C + F]
    lnbz = ln_b[None, C:C + F]
    wgx = W_gate[:, :C]
    wgz = W_gate[:, C:C + F]
    row0 = jnp.concatenate([ln_g[C + F:C + F + 1], ln_b[C + F:C + F + 1],
                            ln_g[C + F + 1:], ln_b[C + F + 1:],
                            jnp.zeros((E - 4,), jnp.float32)])
    gmisc = jnp.stack([row0, W_gate[:, C + F], W_gate[:, C + F + 1], b_gate],
                      axis=0)
    ti = jax.lax.broadcasted_iota(jnp.int32, (N, N), 0)
    tj = jax.lax.broadcasted_iota(jnp.int32, (N, N), 1)
    tri = jnp.where(ti <= tj, 1.0, 0.0).astype(_BF)

    (gT, loss, s1, s2, w1, w2, bexp) = pl.pallas_call(
        _routing_kernel,
        out_shape=(jax.ShapeDtypeStruct((E, N), jnp.float32),
                   jax.ShapeDtypeStruct((1, 1), jnp.float32),
                   jax.ShapeDtypeStruct((1, N), jnp.int32),
                   jax.ShapeDtypeStruct((1, N), jnp.int32),
                   jax.ShapeDtypeStruct((1, N), jnp.float32),
                   jax.ShapeDtypeStruct((1, N), jnp.float32),
                   jax.ShapeDtypeStruct((1, 128), jnp.int32)),
        in_specs=[
            pl.BlockSpec((N, C), lambda: (0, 0)),
            pl.BlockSpec((N, C), lambda: (0, 0)),
            pl.BlockSpec((C, F), lambda: (0, 0)),
            pl.BlockSpec((1, C), lambda: (0, 0)),
            pl.BlockSpec((1, C), lambda: (0, 0)),
            pl.BlockSpec((1, F), lambda: (0, 0)),
            pl.BlockSpec((1, F), lambda: (0, 0)),
            pl.BlockSpec((E, C), lambda: (0, 0)),
            pl.BlockSpec((E, F), lambda: (0, 0)),
            pl.BlockSpec((4, E), lambda: (0, 0)),
            pl.BlockSpec((N, N), lambda: (0, 0)),
        ],
        out_specs=(pl.BlockSpec((E, N), lambda: (0, 0)),
                   pl.BlockSpec((1, 1), lambda: (0, 0)),
                   pl.BlockSpec((1, N), lambda: (0, 0)),
                   pl.BlockSpec((1, N), lambda: (0, 0)),
                   pl.BlockSpec((1, N), lambda: (0, 0)),
                   pl.BlockSpec((1, N), lambda: (0, 0)),
                   pl.BlockSpec((1, 128), lambda: (0, 0))),
    )(x, xp, W_ext.T, lngx, lnbx, lngz, lnbz, wgx, wgz, gmisc, tri)

    s1f = s1.reshape(N)
    s2f = s2.reshape(N)
    bwrep = jnp.repeat(band_weights * SCALE, RNK, axis=1)
    bwrep = jnp.pad(bwrep, ((0, 0), (0, 128 - LR)))

    mesh = plsc.VectorSubcoreMesh(core_axis_name="c", subcore_axis_name="s")
    xs, bws, gates = pl.kernel(
        _sc_dispatch,
        out_type=(jax.ShapeDtypeStruct((NSLOT, C), jnp.float32),
                  jax.ShapeDtypeStruct((NSLOT, 128), jnp.float32),
                  jax.ShapeDtypeStruct((NSLOT,), jnp.float32)),
        mesh=mesh,
        compiler_params=pltpu.CompilerParams(needs_layout_passes=False),
        scratch_types=[
            pltpu.VMEM_SHARED((NSLOT,), jnp.int32),
            pltpu.VMEM((ZSL,), jnp.int32),
            pltpu.VMEM((TSL,), jnp.int32),
            pltpu.VMEM((TSL,), jnp.int32),
            pltpu.VMEM((TSL,), jnp.float32),
            pltpu.VMEM((SPT,), jnp.int32),
            pltpu.VMEM((XCH,), jnp.int32),
            pltpu.VMEM((XCH,), jnp.int32),
            pltpu.VMEM((XCH, C), jnp.float32),
            pltpu.VMEM((XCH, C), jnp.float32),
            pltpu.VMEM((SPT, 128), jnp.float32),
            pltpu.SemaphoreType.DMA,
            pltpu.SemaphoreType.DMA,
            pltpu.SemaphoreType.DMA,
        ],
    )(s1f, s2f, w1.reshape(N), w2.reshape(N), x, bwrep)

    grid_spec = pltpu.PrefetchScalarGridSpec(
        num_scalar_prefetch=1,
        grid=(NBLK,),
        in_specs=[
            pl.BlockSpec((BTS, C), lambda i, be: (i, 0)),
            pl.BlockSpec((BTS, 128), lambda i, be: (i, 0)),
            pl.BlockSpec((BTS, 1), lambda i, be: (i, 0)),
            pl.BlockSpec((1, C, H), lambda i, be: (be[i], 0, 0)),
            pl.BlockSpec((1, 1, H), lambda i, be: (be[i], 0, 0)),
            pl.BlockSpec((1, C, LR), lambda i, be: (be[i], 0, 0)),
            pl.BlockSpec((1, LR, H), lambda i, be: (be[i], 0, 0)),
            pl.BlockSpec((1, H, C), lambda i, be: (be[i], 0, 0)),
            pl.BlockSpec((1, 1, C), lambda i, be: (be[i], 0, 0)),
            pl.BlockSpec((1, H, LR), lambda i, be: (be[i], 0, 0)),
            pl.BlockSpec((1, LR, C), lambda i, be: (be[i], 0, 0)),
        ],
        out_specs=pl.BlockSpec((BTS, C), lambda i, be: (i, 0)),
    )
    A1c = A1.transpose(0, 2, 1, 3).reshape(E, C, LR)
    B1c = B1.reshape(E, LR, H)
    A2c = A2.transpose(0, 2, 1, 3).reshape(E, H, LR)
    B2c = B2.reshape(E, LR, C)
    ys = pl.pallas_call(
        _expert_kernel,
        grid_spec=grid_spec,
        out_shape=jax.ShapeDtypeStruct((NSLOT, C), jnp.float32),
        compiler_params=pltpu.CompilerParams(
            dimension_semantics=("arbitrary",)),
    )(bexp.reshape(128)[:NBLK], xs, bws, gates.reshape(NSLOT, 1),
      W1, b1.reshape(E, 1, H), A1c, B1c, W2, b2.reshape(E, 1, C), A2c, B2c)

    final = pl.kernel(
        _sc_combine,
        out_type=jax.ShapeDtypeStruct((N, C), jnp.float32),
        mesh=mesh,
        compiler_params=pltpu.CompilerParams(needs_layout_passes=False),
        scratch_types=[
            pltpu.VMEM((TPT,), jnp.int32),
            pltpu.VMEM((TPT,), jnp.int32),
            pltpu.VMEM((TPT, C), jnp.float32),
            pltpu.VMEM((TPT, C), jnp.float32),
            pltpu.SemaphoreType.DMA,
        ],
    )(ys, s1f, s2f)

    return final, loss[0, 0]

# --- scband reference (transcript-rebuilt; emitter-appended) ---
"""Pipeline reference for scband-dis-aware-expert-choice-mo-e-23691039604950 (READ-ONLY COPY).

The authoritative reference and input builder live on the scoring server;
editing this copy changes nothing except your own understanding.
"""

import jax, jax.numpy as jnp
import numpy as np

N = 2048   # tokens (batch=1, seq_len=2048)
C = 768    # input_size == output_size
F = 64     # dct_freq_features
E = 8      # num_experts
H = 1536   # hidden_size
NB = 4     # num_bands
R = 8      # lora_rank
ALPHA = 16.0
CAP = 1.25
M_FAN = 2
LOSS_COEF = 0.01


def _cv_squared(v):
    m = jnp.mean(v)
    var = jnp.var(v)  # correction=0, matches torch var(correction=0)
    return var / (m * m + 1e-10)


def setup_inputs(seed: int = 0) -> dict:
    key = jax.random.key(seed)
    ks = jax.random.split(key, 16)
    gin = C + F + 2
    return {
        'x': jax.random.normal(ks[0], (N, C), dtype=jnp.float32),
        'band_weights': jax.random.uniform(ks[1], (N, NB), dtype=jnp.float32),
        'x_prev_tokens': jax.random.normal(ks[2], (N, C), dtype=jnp.float32),
        'W_ext': jax.random.normal(ks[3], (F, C), dtype=jnp.float32) * 0.02,
        'ln_g': jnp.ones((gin,), dtype=jnp.float32),
        'ln_b': jnp.zeros((gin,), dtype=jnp.float32),
        'W_gate': jax.random.normal(ks[4], (E, gin), dtype=jnp.float32) * 0.02,
        'b_gate': jnp.zeros((E,), dtype=jnp.float32),
        'W1': jax.random.normal(ks[5], (E, C, H), dtype=jnp.float32) * 0.02,
        'b1': jnp.zeros((E, H), dtype=jnp.float32),
        'A1': jax.random.normal(ks[6], (E, NB, C, R), dtype=jnp.float32) * 0.02,
        'B1': jax.random.normal(ks[7], (E, NB, R, H), dtype=jnp.float32) * 0.02,
        'W2': jax.random.normal(ks[8], (E, H, C), dtype=jnp.float32) * 0.02,
        'b2': jnp.zeros((E, C), dtype=jnp.float32),
        'A2': jax.random.normal(ks[9], (E, NB, H, R), dtype=jnp.float32) * 0.02,
        'B2': jax.random.normal(ks[10], (E, NB, R, C), dtype=jnp.float32) * 0.02,
    }


def _forward(x, band_weights, x_prev_tokens, W_ext, ln_g, ln_b, W_gate, b_gate,
             W1, b1, A1, B1, W2, b2, A2, B2):
    x32 = x.astype(jnp.float32)
    # DAFE features (first call: Z_new, EMA initialized from it; training + tick 0 -> grad flows)
    Z = x32 @ W_ext.T
    # residual hint (always detached in torch)
    delta = jax.lax.stop_gradient(x32 - x_prev_tokens.astype(jnp.float32))
    ad = jnp.abs(delta)
    mu = jnp.log1p(jnp.mean(ad, axis=1, keepdims=True))
    sd = jnp.log1p(jnp.std(ad, axis=1, keepdims=True, ddof=1))  # torch std unbiased
    enh = jnp.concatenate([x32, Z, mu, sd], axis=1)
    # LayerNorm
    mean = jnp.mean(enh, axis=-1, keepdims=True)
    var = jnp.var(enh, axis=-1, keepdims=True)
    enh = (enh - mean) / jnp.sqrt(var + 1e-5) * ln_g + ln_b
    # gating logits (fp32), temperature == 1.0
    logits = enh @ W_gate.T + b_gate
    # expert-choice top-k selection
    k = min(max(1, int(N / float(E) * CAP)), N)
    _, topk_idx = jax.lax.top_k(logits.T, k)  # [E, k]
    cols = jnp.broadcast_to(jnp.arange(E)[:, None], (E, k))
    dispatch = jnp.zeros((N, E), dtype=bool).at[topk_idx, cols].set(True)
    # cover uncovered tokens with their argmax expert
    uncovered = ~jnp.any(dispatch, axis=1)
    best = jnp.argmax(logits, axis=1)
    dispatch = dispatch | (uncovered[:, None] & (jnp.arange(E)[None, :] == best[:, None]))
    # per-token top-m over candidates, sparse softmax
    masked = jnp.where(dispatch, logits, -jnp.inf)
    _, topm_idx = jax.lax.top_k(masked, M_FAN)  # [N, m]
    sel_logits = jnp.take_along_axis(logits, topm_idx, axis=1)  # gather from UNMASKED logits (as in torch)
    sel_w = jax.nn.softmax(sel_logits, axis=1)
    gating = jnp.zeros((N, E), dtype=jnp.float32).at[jnp.arange(N)[:, None], topm_idx].set(sel_w)
    # expert computation: dense-equivalent of sparse index_add (gate==0 -> zero contribution)
    scale = ALPHA / float(R)
    final = jnp.zeros((N, C), dtype=jnp.float32)
    for e in range(E):
        xa = jnp.einsum('nc,bcr->nbr', x32, A1[e])
        lh = jnp.einsum('nbr,brh->nbh', xa, B1[e])
        h = x32 @ W1[e] + b1[e] + scale * jnp.einsum('nb,nbh->nh', band_weights, lh)
        h = jax.nn.gelu(h)
        ha = jnp.einsum('nh,bhr->nbr', h, A2[e])
        lo = jnp.einsum('nbr,brc->nbc', ha, B2[e])
        out = h @ W2[e] + b2[e] + scale * jnp.einsum('nb,nbc->nc', band_weights, lo)
        final = final + out * gating[:, e:e + 1]
    importance = gating.sum(0)
    load = (gating > 0).sum(0).astype(jnp.float32)
    loss = (_cv_squared(importance) + _cv_squared(load)) * LOSS_COEF
    return final, loss


def reference(x, band_weights, x_prev_tokens, W_ext, ln_g, ln_b, W_gate, b_gate,
              W1, b1, A1, B1, W2, b2, A2, B2):
    return _forward(x, band_weights, x_prev_tokens, W_ext, ln_g, ln_b, W_gate, b_gate,
                    W1, b1, A1, B1, W2, b2, A2, B2)

if __name__ == "__main__":
    import jax
    _d = setup_inputs()
    print(jax.jit(kernel)(*tuple(_d.values())))

</pallas_src>

<mosaic_0001>
#map = affine_map<(d0, d1) -> (0, 0)>
#map1 = affine_map<(d0, d1) -> (0)>
module attributes {stable_mosaic.version = 14 : i64} {
  func.func @_sc_combine(%arg0: i32, %arg1: i32, %arg2: memref<5120x768xf32, #tpu.memory_space<hbm>>, %arg3: memref<2048xi32, #tpu.memory_space<hbm>>, %arg4: memref<2048xi32, #tpu.memory_space<hbm>>, %arg5: memref<2048x768xf32, #tpu.memory_space<hbm>>, %arg6: memref<64xi32, #tpu.memory_space<vmem>>, %arg7: memref<64xi32, #tpu.memory_space<vmem>>, %arg8: memref<64x768xf32, #tpu.memory_space<vmem>>, %arg9: memref<64x768xf32, #tpu.memory_space<vmem>>, %arg10: memref<!tpu.dma_semaphore, #tpu.memory_space<semaphore_mem>>) attributes {dimension_semantics = [#tpu.dimension_semantics<core_parallel>, #tpu.dimension_semantics<subcore_parallel>], iteration_bounds = array<i64: 2, 16>, scalar_prefetch = 0 : i64, scratch_operands = 5 : i64, tpu.core_type = #tpu.core_type<sc_vector_subcore>, window_params = [{transform_indices = #map}, {transform_indices = #map1}, {transform_indices = #map1}, {transform_indices = #map}]} {
    %mul3A = arith.constant 2 : i32
    %mul3A_0 = arith.muli %arg1, %mul3A : i32
    %add3A = arith.addi %mul3A_0, %arg0 : i32
    %mul3A_1 = arith.constant 64 : i32
    %mul3A_2 = arith.muli %add3A, %mul3A_1 : i32
    "tpu.region"() ({
      %run_scoped3A = tpu.sem_alloc : memref<!tpu.dma_semaphore, #tpu.memory_space<semaphore_mem>>
      %dma_start3A_17 = tpu.memref_slice %arg3[%mul3A_2] : memref<2048xi32, #tpu.memory_space<hbm>> -> memref<64xi32, #tpu.memory_space<hbm>>
      %dma_start3A_18 = tpu.memref_slice %arg3[%mul3A_2] : memref<2048xi32, #tpu.memory_space<hbm>> -> memref<64xi32, #tpu.memory_space<hbm>>
      tpu.enqueue_dma source(%dma_start3A_18 : memref<64xi32, #tpu.memory_space<hbm>>) target(%arg6 : memref<64xi32, #tpu.memory_space<vmem>>) target_semaphore(%run_scoped3A : memref<!tpu.dma_semaphore, #tpu.memory_space<semaphore_mem>>)
      %dma_wait3A_19 = tpu.memref_slice %arg3[%mul3A_2] : memref<2048xi32, #tpu.memory_space<hbm>> -> memref<64xi32, #tpu.memory_space<hbm>>
      %dma_wait3A_20 = tpu.memref_slice %arg3[%mul3A_2] : memref<2048xi32, #tpu.memory_space<hbm>> -> memref<64xi32, #tpu.memory_space<hbm>>
      tpu.wait_dma2 semaphore(%run_scoped3A : memref<!tpu.dma_semaphore, #tpu.memory_space<semaphore_mem>>) src(%dma_wait3A_20 : memref<64xi32, #tpu.memory_space<hbm>>) dst(%arg6 : memref<64xi32, #tpu.memory_space<vmem>>)
      tpu.yield
    }) : () -> ()
    "tpu.region"() ({
      %run_scoped3A = tpu.sem_alloc : memref<!tpu.dma_semaphore, #tpu.memory_space<semaphore_mem>>
      %dma_start3A_17 = tpu.memref_slice %arg4[%mul3A_2] : memref<2048xi32, #tpu.memory_space<hbm>> -> memref<64xi32, #tpu.memory_space<hbm>>
      %dma_start3A_18 = tpu.memref_slice %arg4[%mul3A_2] : memref<2048xi32, #tpu.memory_space<hbm>> -> memref<64xi32, #tpu.memory_space<hbm>>
      tpu.enqueue_dma source(%dma_start3A_18 : memref<64xi32, #tpu.memory_space<hbm>>) target(%arg7 : memref<64xi32, #tpu.memory_space<vmem>>) target_semaphore(%run_scoped3A : memref<!tpu.dma_semaphore, #tpu.memory_space<semaphore_mem>>)
      %dma_wait3A_19 = tpu.memref_slice %arg4[%mul3A_2] : memref<2048xi32, #tpu.memory_space<hbm>> -> memref<64xi32, #tpu.memory_space<hbm>>
      %dma_wait3A_20 = tpu.memref_slice %arg4[%mul3A_2] : memref<2048xi32, #tpu.memory_space<hbm>> -> memref<64xi32, #tpu.memory_space<hbm>>
      tpu.wait_dma2 semaphore(%run_scoped3A : memref<!tpu.dma_semaphore, #tpu.memory_space<semaphore_mem>>) src(%dma_wait3A_20 : memref<64xi32, #tpu.memory_space<hbm>>) dst(%arg7 : memref<64xi32, #tpu.memory_space<vmem>>)
      tpu.yield
    }) : () -> ()
    %dma_start3A = arith.constant 0 : i32
    %dma_start3A_3 = arith.constant 0 : i32
    %dma_start3A_4 = tpu.memref_slice %arg2[%dma_start3A, %dma_start3A_3] : memref<5120x768xf32, #tpu.memory_space<hbm>> -> memref<5120x768xf32, #tpu.memory_space<hbm>>
    tpu.enqueue_indirect_dma source(%dma_start3A_4 : memref<5120x768xf32, #tpu.memory_space<hbm>>) target(%arg8 : memref<64x768xf32, #tpu.memory_space<vmem>>) offsets(%arg6 : memref<64xi32, #tpu.memory_space<vmem>>) semaphore(%arg10 : memref<!tpu.dma_semaphore, #tpu.memory_space<semaphore_mem>>)
    %dma_wait3A = arith.constant 0 : i32
    %dma_wait3A_5 = arith.constant 0 : i32
    %dma_wait3A_6 = tpu.memref_slice %arg2[%dma_wait3A, %dma_wait3A_5] : memref<5120x768xf32, #tpu.memory_space<hbm>> -> memref<5120x768xf32, #tpu.memory_space<hbm>>
    tpu.wait_indirect_dma semaphore(%arg10 : memref<!tpu.dma_semaphore, #tpu.memory_space<semaphore_mem>>) src(%dma_wait3A_6 : memref<5120x768xf32, #tpu.memory_space<hbm>>) dst(%arg8 : memref<64x768xf32, #tpu.memory_space<vmem>>)
    %dma_start3A_7 = arith.constant 0 : i32
    %dma_start3A_8 = arith.constant 0 : i32
    %dma_start3A_9 = tpu.memref_slice %arg2[%dma_start3A_7, %dma_start3A_8] : memref<5120x768xf32, #tpu.memory_space<hbm>> -> memref<5120x768xf32, #tpu.memory_space<hbm>>
    tpu.enqueue_indirect_dma source(%dma_start3A_9 : memref<5120x768xf32, #tpu.memory_space<hbm>>) target(%arg9 : memref<64x768xf32, #tpu.memory_space<vmem>>) offsets(%arg7 : memref<64xi32, #tpu.memory_space<vmem>>) semaphore(%arg10 : memref<!tpu.dma_semaphore, #tpu.memory_space<semaphore_mem>>)
    %dma_wait3A_10 = arith.constant 0 : i32
    %dma_wait3A_11 = arith.constant 0 : i32
    %dma_wait3A_12 = tpu.memref_slice %arg2[%dma_wait3A_10, %dma_wait3A_11] : memref<5120x768xf32, #tpu.memory_space<hbm>> -> memref<5120x768xf32, #tpu.memory_space<hbm>>
    tpu.wait_indirect_dma semaphore(%arg10 : memref<!tpu.dma_semaphore, #tpu.memory_space<semaphore_mem>>) src(%dma_wait3A_12 : memref<5120x768xf32, #tpu.memory_space<hbm>>) dst(%arg9 : memref<64x768xf32, #tpu.memory_space<vmem>>)
    %scan3A = arith.constant 0 : i32
    %scan3A_13 = arith.constant 64 : i32
    %scan3A_14 = arith.addi %scan3A, %scan3A_13 : i32
    %scan3A_15 = arith.constant 1 : i32
    scf.for %scan3A_17 = %scan3A to %scan3A_14 step %scan3A_15  : i32 {
      %scan3A_18 = arith.constant 0 : i32
      %scan3A_19 = arith.constant 48 : i32
      %scan3A_20 = arith.addi %scan3A_18, %scan3A_19 : i32
      %scan3A_21 = arith.constant 1 : i32
      scf.for %scan3A_23 = %scan3A_18 to %scan3A_20 step %scan3A_21  : i32 {
        %mul3A_24 = arith.constant 16 : i32
        %mul3A_25 = arith.muli %scan3A_23, %mul3A_24 : i32
        %get3A = arith.index_cast %scan3A_17 : i32 to index
        %get3A_26 = arith.index_cast %mul3A_25 : i32 to index
        %get3A_27 = tpu.vector_load %arg8[%get3A, %get3A_26] {strides = array<i32>} : memref<64x768xf32, #tpu.memory_space<vmem>>, vector<16xf32>,
        %mul3A_28 = arith.constant 16 : i32
        %mul3A_29 = arith.muli %scan3A_23, %mul3A_28 : i32
        %get3A_30 = arith.index_cast %scan3A_17 : i32 to index
        %get3A_31 = arith.index_cast %mul3A_29 : i32 to index
        %get3A_32 = tpu.vector_load %arg9[%get3A_30, %get3A_31] {strides = array<i32>} : memref<64x768xf32, #tpu.memory_space<vmem>>, vector<16xf32>,
        %add3A_33 = arith.addf %get3A_27, %get3A_32 : vector<16xf32>
        %mul3A_34 = arith.constant 16 : i32
        %mul3A_35 = arith.muli %scan3A_23, %mul3A_34 : i32
        %swap3A = arith.index_cast %scan3A_17 : i32 to index
        %swap3A_36 = arith.index_cast %mul3A_35 : i32 to index
        %swap3A_37 = tpu.vector_load %arg8[%swap3A, %swap3A_36] {strides = array<i32>} : memref<64x768xf32, #tpu.memory_space<vmem>>, vector<16xf32>,
        tpu.vector_store %arg8[%swap3A, %swap3A_36], %add3A_33 {strides = array<i32>} : memref<64x768xf32, #tpu.memory_space<vmem>>, vector<16xf32>,
      }
      %scan3A_22 = arith.constant 48 : i32
    }
    %scan3A_16 = arith.constant 64 : i32
    "tpu.region"() ({
      %run_scoped3A = tpu.sem_alloc : memref<!tpu.dma_semaphore, #tpu.memory_space<semaphore_mem>>
      %dma_start3A_17 = arith.constant 0 : i32
      %dma_start3A_18 = tpu.memref_slice %arg5[%mul3A_2, %dma_start3A_17] : memref<2048x768xf32, #tpu.memory_space<hbm>> -> memref<64x768xf32, #tpu.memory_space<hbm>>
      %dma_start3A_19 = arith.constant 0 : i32
      %dma_start3A_20 = tpu.memref_slice %arg5[%mul3A_2, %dma_start3A_19] : memref<2048x768xf32, #tpu.memory_space<hbm>> -> memref<64x768xf32, #tpu.memory_space<hbm>>
      tpu.enqueue_dma source(%arg8 : memref<64x768xf32, #tpu.memory_space<vmem>>) target(%dma_start3A_20 : memref<64x768xf32, #tpu.memory_space<hbm>>) target_semaphore(%run_scoped3A : memref<!tpu.dma_semaphore, #tpu.memory_space<semaphore_mem>>)
      %dma_wait3A_21 = arith.constant 0 : i32
      %dma_wait3A_22 = tpu.memref_slice %arg5[%mul3A_2, %dma_wait3A_21] : memref<2048x768xf32, #tpu.memory_space<hbm>> -> memref<64x768xf32, #tpu.memory_space<hbm>>
      %dma_wait3A_23 = arith.constant 0 : i32
      %dma_wait3A_24 = tpu.memref_slice %arg5[%mul3A_2, %dma_wait3A_23] : memref<2048x768xf32, #tpu.memory_space<hbm>> -> memref<64x768xf32, #tpu.memory_space<hbm>>
      tpu.wait_dma2 semaphore(%run_scoped3A : memref<!tpu.dma_semaphore, #tpu.memory_space<semaphore_mem>>) src(%arg8 : memref<64x768xf32, #tpu.memory_space<vmem>>) dst(%dma_wait3A_24 : memref<64x768xf32, #tpu.memory_space<hbm>>)
      tpu.yield
    }) : () -> ()
    return
  }
}

#map = affine_map<(d0, d1) -> (0)>
#map1 = affine_map<(d0, d1) -> (0, 0)>
module attributes {stable_mosaic.version = 14 : i64} {
  func.func @_sc_dispatch(%arg0: i32, %arg1: i32, %arg2: memref<2048xi32, #tpu.memory_space<hbm>>, %arg3: memref<2048xi32, #tpu.memory_space<hbm>>, %arg4: memref<2048xf32, #tpu.memory_space<hbm>>, %arg5: memref<2048xf32, #tpu.memory_space<hbm>>, %arg6: memref<2048x768xf32, #tpu.memory_space<hbm>>, %arg7: memref<2048x128xf32, #tpu.memory_space<hbm>>, %arg8: memref<5120x768xf32, #tpu.memory_space<hbm>>, %arg9: memref<5120x128xf32, #tpu.memory_space<hbm>>, %arg10: memref<5120xf32, #tpu.memory_space<hbm>>, %arg11: memref<5120xi32, #tpu.memory_space<vmem_shared>>, %arg12: memref<320xi32, #tpu.memory_space<vmem>>, %arg13: memref<128xi32, #tpu.memory_space<vmem>>, %arg14: memref<128xi32, #tpu.memory_space<vmem>>, %arg15: memref<128xf32, #tpu.memory_space<vmem>>, %arg16: memref<160xi32, #tpu.memory_space<vmem>>, %arg17: memref<40xi32, #tpu.memory_space<vmem>>, %arg18: memref<40xi32, #tpu.memory_space<vmem>>, %arg19: memref<40x768xf32, #tpu.memory_space<vmem>>, %arg20: memref<40x768xf32, #tpu.memory_space<vmem>>, %arg21: memref<160x128xf32, #tpu.memory_space<vmem>>, %arg22: memref<!tpu.dma_semaphore, #tpu.memory_space<semaphore_mem>>, %arg23: memref<!tpu.dma_semaphore, #tpu.memory_space<semaphore_mem>>, %arg24: memref<!tpu.dma_semaphore, #tpu.memory_space<semaphore_mem>>) attributes {dimension_semantics = [#tpu.dimension_semantics<core_parallel>, #tpu.dimension_semantics<subcore_parallel>], iteration_bounds = array<i64: 2, 16>, scalar_prefetch = 0 : i64, scratch_operands = 14 : i64, tpu.core_type = #tpu.core_type<sc_vector_subcore>, window_params = [{transform_indices = #map}, {transform_indices = #map}, {transform_indices = #map}, {transform_indices = #map}, {transform_indices = #map1}, {transform_indices = #map1}, {transform_indices = #map1}, {transform_indices = #map1}, {transform_indices = #map}]} {
    %mul3A = arith.constant 2 : i32
    %mul3A_0 = arith.muli %arg1, %mul3A : i32
    %add3A = arith.addi %mul3A_0, %arg0 : i32
    %mul3A_1 = arith.constant 128 : i32
    %mul3A_2 = arith.muli %arg1, %mul3A_1 : i32
    %scan3A = arith.constant 0 : i32
    %scan3A_3 = arith.constant 8 : i32
    %scan3A_4 = arith.addi %scan3A, %scan3A_3 : i32
    %scan3A_5 = arith.constant 1 : i32
    scf.for %scan3A_66 = %scan3A to %scan3A_4 step %scan3A_5  : i32 {
      %iota3A = tpu.iota {dimensions = array<i32: 0>} : vector<16xi32>
      %mul3A_67 = arith.constant 16 : i32
      %mul3A_68 = arith.muli %scan3A_66, %mul3A_67 : i32
      %add3A_69 = arith.addi %mul3A_2, %mul3A_68 : i32
      %add3A_70 = vector.broadcast %add3A_69 : i32 to vector<16xi32>
      %add3A_71 = arith.addi %iota3A, %add3A_70 : vector<16xi32>
      %mul3A_72 = arith.constant 16 : i32
      %mul3A_73 = arith.muli %scan3A_66, %mul3A_72 : i32
      %swap3A = arith.index_cast %mul3A_73 : i32 to index
      %swap3A_74 = tpu.vector_load %arg13[%swap3A] {strides = array<i32>} : memref<128xi32, #tpu.memory_space<vmem>>, vector<16xi32>,
      tpu.vector_store %arg13[%swap3A], %add3A_71 {strides = array<i32>} : memref<128xi32, #tpu.memory_space<vmem>>, vector<16xi32>,
      %broadcast_in_dim3A = arith.constant 0 : i32
      %broadcast_in_dim3A_75 = vector.broadcast %broadcast_in_dim3A : i32 to vector<16xi32>
      %mul3A_76 = arith.constant 16 : i32
      %mul3A_77 = arith.muli %scan3A_66, %mul3A_76 : i32
      %swap3A_78 = arith.index_cast %mul3A_77 : i32 to index
      %swap3A_79 = tpu.vector_load %arg12[%swap3A_78] {strides = array<i32>} : memref<320xi32, #tpu.memory_space<vmem>>, vector<16xi32>,
      tpu.vector_store %arg12[%swap3A_78], %broadcast_in_dim3A_75 {strides = array<i32>} : memref<320xi32, #tpu.memory_space<vmem>>, vector<16xi32>,
    }
    %scan3A_6 = arith.constant 8 : i32
    %scan3A_7 = arith.constant 0 : i32
    %scan3A_8 = arith.constant 12 : i32
    %scan3A_9 = arith.addi %scan3A_7, %scan3A_8 : i32
    %scan3A_10 = arith.constant 1 : i32
    scf.for %scan3A_66 = %scan3A_7 to %scan3A_9 step %scan3A_10  : i32 {
      %broadcast_in_dim3A = arith.constant 0 : i32
      %broadcast_in_dim3A_67 = vector.broadcast %broadcast_in_dim3A : i32 to vector<16xi32>
      %mul3A_68 = arith.constant 16 : i32
      %mul3A_69 = arith.muli %scan3A_66, %mul3A_68 : i32
      %add3A_70 = arith.constant 128 : i32
      %add3A_71 = arith.addi %add3A_70, %mul3A_69 : i32
      %swap3A = arith.index_cast %add3A_71 : i32 to index
      %swap3A_72 = tpu.vector_load %arg12[%swap3A] {strides = array<i32>} : memref<320xi32, #tpu.memory_space<vmem>>, vector<16xi32>,
      tpu.vector_store %arg12[%swap3A], %broadcast_in_dim3A_67 {strides = array<i32>} : memref<320xi32, #tpu.memory_space<vmem>>, vector<16xi32>,
    }
    %scan3A_11 = arith.constant 12 : i32
    %mul3A_12 = arith.constant 320 : i32
    %mul3A_13 = arith.muli %arg1, %mul3A_12 : i32
    "tpu.region"() ({
      %run_scoped3A = tpu.sem_alloc : memref<!tpu.dma_semaphore, #tpu.memory_space<semaphore_mem>>
      %dma_start3A_66 = tpu.memref_slice %arg11[%mul3A_13] : memref<5120xi32, #tpu.memory_space<vmem_shared>> -> memref<320xi32, #tpu.memory_space<vmem_shared>>
      %dma_start3A_67 = tpu.memref_slice %arg11[%mul3A_13] : memref<5120xi32, #tpu.memory_space<vmem_shared>> -> memref<320xi32, #tpu.memory_space<vmem_shared>>
      tpu.enqueue_dma source(%arg12 : memref<320xi32, #tpu.memory_space<vmem>>) target(%dma_start3A_67 : memref<320xi32, #tpu.memory_space<vmem_shared>>) target_semaphore(%run_scoped3A : memref<!tpu.dma_semaphore, #tpu.memory_space<semaphore_mem>>)
      %dma_wait3A_68 = tpu.memref_slice %arg11[%mul3A_13] : memref<5120xi32, #tpu.memory_space<vmem_shared>> -> memref<320xi32, #tpu.memory_space<vmem_shared>>
      %dma_wait3A_69 = tpu.memref_slice %arg11[%mul3A_13] : memref<5120xi32, #tpu.memory_space<vmem_shared>> -> memref<320xi32, #tpu.memory_space<vmem_shared>>
      tpu.wait_dma2 semaphore(%run_scoped3A : memref<!tpu.dma_semaphore, #tpu.memory_space<semaphore_mem>>) src(%arg12 : memref<320xi32, #tpu.memory_space<vmem>>) dst(%dma_wait3A_69 : memref<320xi32, #tpu.memory_space<vmem_shared>>)
      tpu.yield
    }) : () -> ()
    %barrier3A = arith.constant 0 : index
    tpu.barrier barrier_id(%barrier3A)
    "tpu.region"() ({
      %run_scoped3A = tpu.sem_alloc : memref<!tpu.dma_semaphore, #tpu.memory_space<semaphore_mem>>
      %dma_start3A_66 = tpu.memref_slice %arg2[%mul3A_2] : memref<2048xi32, #tpu.memory_space<hbm>> -> memref<128xi32, #tpu.memory_space<hbm>>
      %dma_start3A_67 = tpu.memref_slice %arg2[%mul3A_2] : memref<2048xi32, #tpu.memory_space<hbm>> -> memref<128xi32, #tpu.memory_space<hbm>>
      tpu.enqueue_dma source(%dma_start3A_67 : memref<128xi32, #tpu.memory_space<hbm>>) target(%arg14 : memref<128xi32, #tpu.memory_space<vmem>>) target_semaphore(%run_scoped3A : memref<!tpu.dma_semaphore, #tpu.memory_space<semaphore_mem>>)
      %dma_wait3A_68 = tpu.memref_slice %arg2[%mul3A_2] : memref<2048xi32, #tpu.memory_space<hbm>> -> memref<128xi32, #tpu.memory_space<hbm>>
      %dma_wait3A_69 = tpu.memref_slice %arg2[%mul3A_2] : memref<2048xi32, #tpu.memory_space<hbm>> -> memref<128xi32, #tpu.memory_space<hbm>>
      tpu.wait_dma2 semaphore(%run_scoped3A : memref<!tpu.dma_semaphore, #tpu.memory_space<semaphore_mem>>) src(%dma_wait3A_69 : memref<128xi32, #tpu.memory_space<hbm>>) dst(%arg14 : memref<128xi32, #tpu.memory_space<vmem>>)
      tpu.yield
    }) : () -> ()
    "tpu.region"() ({
      %run_scoped3A = tpu.sem_alloc : memref<!tpu.dma_semaphore, #tpu.memory_space<semaphore_mem>>
      %dma_start3A_66 = arith.constant 0 : i32
      %dma_start3A_67 = tpu.memref_slice %arg11[%dma_start3A_66] : memref<5120xi32, #tpu.memory_space<vmem_shared>> -> memref<5120xi32, #tpu.memory_space<vmem_shared>>
      tpu.enqueue_indirect_dma source(%arg13 : memref<128xi32, #tpu.memory_space<vmem>>) target(%dma_start3A_67 : memref<5120xi32, #tpu.memory_space<vmem_shared>>) offsets(%arg14 : memref<128xi32, #tpu.memory_space<vmem>>) semaphore(%run_scoped3A : memref<!tpu.dma_semaphore, #tpu.memory_space<semaphore_mem>>)
      %dma_wait3A_68 = arith.constant 0 : i32
      %dma_wait3A_69 = tpu.memref_slice %arg11[%dma_wait3A_68] : memref<5120xi32, #tpu.memory_space<vmem_shared>> -> memref<5120xi32, #tpu.memory_space<vmem_shared>>
      tpu.wait_indirect_dma semaphore(%run_scoped3A : memref<!tpu.dma_semaphore, #tpu.memory_space<semaphore_mem>>) src(%arg13 : memref<128xi32, #tpu.memory_space<vmem>>) dst(%dma_wait3A_69 : memref<5120xi32, #tpu.memory_space<vmem_shared>>)
      tpu.yield
    }) : () -> ()
    %eq3A = arith.constant 0 : i32
    %eq3A_14 = arith.cmpi eq, %arg0, %eq3A : i32
    %convert_element_type3A = arith.extui %eq3A_14 : i1 to i32
    %cond3A = arith.constant 0 : i32
    %cond3A_15 = arith.cmpi ne, %convert_element_type3A, %cond3A : i32
    scf.if %cond3A_15 {
      "tpu.region"() ({
        %run_scoped3A = tpu.sem_alloc : memref<!tpu.dma_semaphore, #tpu.memory_space<semaphore_mem>>
        %dma_start3A_66 = tpu.memref_slice %arg4[%mul3A_2] : memref<2048xf32, #tpu.memory_space<hbm>> -> memref<128xf32, #tpu.memory_space<hbm>>
        %dma_start3A_67 = tpu.memref_slice %arg4[%mul3A_2] : memref<2048xf32, #tpu.memory_space<hbm>> -> memref<128xf32, #tpu.memory_space<hbm>>
        tpu.enqueue_dma source(%dma_start3A_67 : memref<128xf32, #tpu.memory_space<hbm>>) target(%arg15 : memref<128xf32, #tpu.memory_space<vmem>>) target_semaphore(%run_scoped3A : memref<!tpu.dma_semaphore, #tpu.memory_space<semaphore_mem>>)
        %dma_wait3A_68 = tpu.memref_slice %arg4[%mul3A_2] : memref<2048xf32, #tpu.memory_space<hbm>> -> memref<128xf32, #tpu.memory_space<hbm>>
        %dma_wait3A_69 = tpu.memref_slice %arg4[%mul3A_2] : memref<2048xf32, #tpu.memory_space<hbm>> -> memref<128xf32, #tpu.memory_space<hbm>>
        tpu.wait_dma2 semaphore(%run_scoped3A : memref<!tpu.dma_semaphore, #tpu.memory_space<semaphore_mem>>) src(%dma_wait3A_69 : memref<128xf32, #tpu.memory_space<hbm>>) dst(%arg15 : memref<128xf32, #tpu.memory_space<vmem>>)
        tpu.yield
      }) : () -> ()
      "tpu.region"() ({
        %run_scoped3A = tpu.sem_alloc : memref<!tpu.dma_semaphore, #tpu.memory_space<semaphore_mem>>
        %dma_start3A_66 = arith.constant 0 : i32
        %dma_start3A_67 = tpu.memref_slice %arg10[%dma_start3A_66] : memref<5120xf32, #tpu.memory_space<hbm>> -> memref<5120xf32, #tpu.memory_space<hbm>>
        tpu.enqueue_indirect_dma source(%arg15 : memref<128xf32, #tpu.memory_space<vmem>>) target(%dma_start3A_67 : memref<5120xf32, #tpu.memory_space<hbm>>) offsets(%arg14 : memref<128xi32, #tpu.memory_space<vmem>>) semaphore(%run_scoped3A : memref<!tpu.dma_semaphore, #tpu.memory_space<semaphore_mem>>)
        %dma_wait3A_68 = arith.constant 0 : i32
        %dma_wait3A_69 = tpu.memref_slice %arg10[%dma_wait3A_68] : memref<5120xf32, #tpu.memory_space<hbm>> -> memref<5120xf32, #tpu.memory_space<hbm>>
        tpu.wait_indirect_dma semaphore(%run_scoped3A : memref<!tpu.dma_semaphore, #tpu.memory_space<semaphore_mem>>) src(%arg15 : memref<128xf32, #tpu.memory_space<vmem>>) dst(%dma_wait3A_69 : memref<5120xf32, #tpu.memory_space<hbm>>)
        tpu.yield
      }) : () -> ()
    } else {
    }
    "tpu.region"() ({
      %run_scoped3A = tpu.sem_alloc : memref<!tpu.dma_semaphore, #tpu.memory_space<semaphore_mem>>
      %dma_start3A_66 = tpu.memref_slice %arg3[%mul3A_2] : memref<2048xi32, #tpu.memory_space<hbm>> -> memref<128xi32, #tpu.memory_space<hbm>>
      %dma_start3A_67 = tpu.memref_slice %arg3[%mul3A_2] : memref<2048xi32, #tpu.memory_space<hbm>> -> memref<128xi32, #tpu.memory_space<hbm>>
      tpu.enqueue_dma source(%dma_start3A_67 : memref<128xi32, #tpu.memory_space<hbm>>) target(%arg14 : memref<128xi32, #tpu.memory_space<vmem>>) target_semaphore(%run_scoped3A : memref<!tpu.dma_semaphore, #tpu.memory_space<semaphore_mem>>)
      %dma_wait3A_68 = tpu.memref_slice %arg3[%mul3A_2] : memref<2048xi32, #tpu.memory_space<hbm>> -> memref<128xi32, #tpu.memory_space<hbm>>
      %dma_wait3A_69 = tpu.memref_slice %arg3[%mul3A_2] : memref<2048xi32, #tpu.memory_space<hbm>> -> memref<128xi32, #tpu.memory_space<hbm>>
      tpu.wait_dma2 semaphore(%run_scoped3A : memref<!tpu.dma_semaphore, #tpu.memory_space<semaphore_mem>>) src(%dma_wait3A_69 : memref<128xi32, #tpu.memory_space<hbm>>) dst(%arg14 : memref<128xi32, #tpu.memory_space<vmem>>)
      tpu.yield
    }) : () -> ()
    "tpu.region"() ({
      %run_scoped3A = tpu.sem_alloc : memref<!tpu.dma_semaphore, #tpu.memory_space<semaphore_mem>>
      %dma_start3A_66 = arith.constant 0 : i32
      %dma_start3A_67 = tpu.memref_slice %arg11[%dma_start3A_66] : memref<5120xi32, #tpu.memory_space<vmem_shared>> -> memref<5120xi32, #tpu.memory_space<vmem_shared>>
      tpu.enqueue_indirect_dma source(%arg13 : memref<128xi32, #tpu.memory_space<vmem>>) target(%dma_start3A_67 : memref<5120xi32, #tpu.memory_space<vmem_shared>>) offsets(%arg14 : memref<128xi32, #tpu.memory_space<vmem>>) semaphore(%run_scoped3A : memref<!tpu.dma_semaphore, #tpu.memory_space<semaphore_mem>>)
      %dma_wait3A_68 = arith.constant 0 : i32
      %dma_wait3A_69 = tpu.memref_slice %arg11[%dma_wait3A_68] : memref<5120xi32, #tpu.memory_space<vmem_shared>> -> memref<5120xi32, #tpu.memory_space<vmem_shared>>
      tpu.wait_indirect_dma semaphore(%run_scoped3A : memref<!tpu.dma_semaphore, #tpu.memory_space<semaphore_mem>>) src(%arg13 : memref<128xi32, #tpu.memory_space<vmem>>) dst(%dma_wait3A_69 : memref<5120xi32, #tpu.memory_space<vmem_shared>>)
      tpu.yield
    }) : () -> ()
    %eq3A_16 = arith.constant 0 : i32
    %eq3A_17 = arith.cmpi eq, %arg0, %eq3A_16 : i32
    %convert_element_type3A_18 = arith.extui %eq3A_17 : i1 to i32
    %cond3A_19 = arith.constant 0 : i32
    %cond3A_20 = arith.cmpi ne, %convert_element_type3A_18, %cond3A_19 : i32
    scf.if %cond3A_20 {
      "tpu.region"() ({
        %run_scoped3A = tpu.sem_alloc : memref<!tpu.dma_semaphore, #tpu.memory_space<semaphore_mem>>
        %dma_start3A_66 = tpu.memref_slice %arg5[%mul3A_2] : memref<2048xf32, #tpu.memory_space<hbm>> -> memref<128xf32, #tpu.memory_space<hbm>>
        %dma_start3A_67 = tpu.memref_slice %arg5[%mul3A_2] : memref<2048xf32, #tpu.memory_space<hbm>> -> memref<128xf32, #tpu.memory_space<hbm>>
        tpu.enqueue_dma source(%dma_start3A_67 : memref<128xf32, #tpu.memory_space<hbm>>) target(%arg15 : memref<128xf32, #tpu.memory_space<vmem>>) target_semaphore(%run_scoped3A : memref<!tpu.dma_semaphore, #tpu.memory_space<semaphore_mem>>)
        %dma_wait3A_68 = tpu.memref_slice %arg5[%mul3A_2] : memref<2048xf32, #tpu.memory_space<hbm>> -> memref<128xf32, #tpu.memory_space<hbm>>
        %dma_wait3A_69 = tpu.memref_slice %arg5[%mul3A_2] : memref<2048xf32, #tpu.memory_space<hbm>> -> memref<128xf32, #tpu.memory_space<hbm>>
        tpu.wait_dma2 semaphore(%run_scoped3A : memref<!tpu.dma_semaphore, #tpu.memory_space<semaphore_mem>>) src(%dma_wait3A_69 : memref<128xf32, #tpu.memory_space<hbm>>) dst(%arg15 : memref<128xf32, #tpu.memory_space<vmem>>)
        tpu.yield
      }) : () -> ()
      "tpu.region"() ({
        %run_scoped3A = tpu.sem_alloc : memref<!tpu.dma_semaphore, #tpu.memory_space<semaphore_mem>>
        %dma_start3A_66 = arith.constant 0 : i32
        %dma_start3A_67 = tpu.memref_slice %arg10[%dma_start3A_66] : memref<5120xf32, #tpu.memory_space<hbm>> -> memref<5120xf32, #tpu.memory_space<hbm>>
        tpu.enqueue_indirect_dma source(%arg15 : memref<128xf32, #tpu.memory_space<vmem>>) target(%dma_start3A_67 : memref<5120xf32, #tpu.memory_space<hbm>>) offsets(%arg14 : memref<128xi32, #tpu.memory_space<vmem>>) semaphore(%run_scoped3A : memref<!tpu.dma_semaphore, #tpu.memory_space<semaphore_mem>>)
        %dma_wait3A_68 = arith.constant 0 : i32
        %dma_wait3A_69 = tpu.memref_slice %arg10[%dma_wait3A_68] : memref<5120xf32, #tpu.memory_space<hbm>> -> memref<5120xf32, #tpu.memory_space<hbm>>
        tpu.wait_indirect_dma semaphore(%run_scoped3A : memref<!tpu.dma_semaphore, #tpu.memory_space<semaphore_mem>>) src(%arg15 : memref<128xf32, #tpu.memory_space<vmem>>) dst(%dma_wait3A_69 : memref<5120xf32, #tpu.memory_space<hbm>>)
        tpu.yield
      }) : () -> ()
    } else {
    }
    %barrier3A_21 = arith.constant 0 : index
    tpu.barrier barrier_id(%barrier3A_21)
    %mul3A_22 = arith.constant 160 : i32
    %mul3A_23 = arith.muli %add3A, %mul3A_22 : i32
    "tpu.region"() ({
      %run_scoped3A = tpu.sem_alloc : memref<!tpu.dma_semaphore, #tpu.memory_space<semaphore_mem>>
      %dma_start3A_66 = tpu.memref_slice %arg11[%mul3A_23] : memref<5120xi32, #tpu.memory_space<vmem_shared>> -> memref<160xi32, #tpu.memory_space<vmem_shared>>
      %dma_start3A_67 = tpu.memref_slice %arg11[%mul3A_23] : memref<5120xi32, #tpu.memory_space<vmem_shared>> -> memref<160xi32, #tpu.memory_space<vmem_shared>>
      tpu.enqueue_dma source(%dma_start3A_67 : memref<160xi32, #tpu.memory_space<vmem_shared>>) target(%arg16 : memref<160xi32, #tpu.memory_space<vmem>>) target_semaphore(%run_scoped3A : memref<!tpu.dma_semaphore, #tpu.memory_space<semaphore_mem>>)
      %dma_wait3A_68 = tpu.memref_slice %arg11[%mul3A_23] : memref<5120xi32, #tpu.memory_space<vmem_shared>> -> memref<160xi32, #tpu.memory_space<vmem_shared>>
      %dma_wait3A_69 = tpu.memref_slice %arg11[%mul3A_23] : memref<5120xi32, #tpu.memory_space<vmem_shared>> -> memref<160xi32, #tpu.memory_space<vmem_shared>>
      tpu.wait_dma2 semaphore(%run_scoped3A : memref<!tpu.dma_semaphore, #tpu.memory_space<semaphore_mem>>) src(%dma_wait3A_69 : memref<160xi32, #tpu.memory_space<vmem_shared>>) dst(%arg16 : memref<160xi32, #tpu.memory_space<vmem>>)
      tpu.yield
    }) : () -> ()
    %dma_start3A = arith.constant 0 : i32
    %dma_start3A_24 = arith.constant 0 : i32
    %dma_start3A_25 = tpu.memref_slice %arg7[%dma_start3A, %dma_start3A_24] : memref<2048x128xf32, #tpu.memory_space<hbm>> -> memref<2048x128xf32, #tpu.memory_space<hbm>>
    tpu.enqueue_indirect_dma source(%dma_start3A_25 : memref<2048x128xf32, #tpu.memory_space<hbm>>) target(%arg21 : memref<160x128xf32, #tpu.memory_space<vmem>>) offsets(%arg16 : memref<160xi32, #tpu.memory_space<vmem>>) semaphore(%arg24 : memref<!tpu.dma_semaphore, #tpu.memory_space<semaphore_mem>>)
    "tpu.region"() ({
      %run_scoped3A = tpu.sem_alloc : memref<!tpu.dma_semaphore, #tpu.memory_space<semaphore_mem>>
      %dma_start3A_66 = tpu.memref_slice %arg11[%mul3A_23] : memref<5120xi32, #tpu.memory_space<vmem_shared>> -> memref<40xi32, #tpu.memory_space<vmem_shared>>
      %dma_start3A_67 = tpu.memref_slice %arg11[%mul3A_23] : memref<5120xi32, #tpu.memory_space<vmem_shared>> -> memref<40xi32, #tpu.memory_space<vmem_shared>>
      tpu.enqueue_dma source(%dma_start3A_67 : memref<40xi32, #tpu.memory_space<vmem_shared>>) target(%arg17 : memref<40xi32, #tpu.memory_space<vmem>>) target_semaphore(%run_scoped3A : memref<!tpu.dma_semaphore, #tpu.memory_space<semaphore_mem>>)
      %dma_wait3A_68 = tpu.memref_slice %arg11[%mul3A_23] : memref<5120xi32, #tpu.memory_space<vmem_shared>> -> memref<40xi32, #tpu.memory_space<vmem_shared>>
      %dma_wait3A_69 = tpu.memref_slice %arg11[%mul3A_23] : memref<5120xi32, #tpu.memory_space<vmem_shared>> -> memref<40xi32, #tpu.memory_space<vmem_shared>>
      tpu.wait_dma2 semaphore(%run_scoped3A : memref<!tpu.dma_semaphore, #tpu.memory_space<semaphore_mem>>) src(%dma_wait3A_69 : memref<40xi32, #tpu.memory_space<vmem_shared>>) dst(%arg17 : memref<40xi32, #tpu.memory_space<vmem>>)
      tpu.yield
    }) : () -> ()
    %dma_start3A_26 = arith.constant 0 : i32
    %dma_start3A_27 = arith.constant 0 : i32
    %dma_start3A_28 = tpu.memref_slice %arg6[%dma_start3A_26, %dma_start3A_27] : memref<2048x768xf32, #tpu.memory_space<hbm>> -> memref<2048x768xf32, #tpu.memory_space<hbm>>
    tpu.enqueue_indirect_dma source(%dma_start3A_28 : memref<2048x768xf32, #tpu.memory_space<hbm>>) target(%arg19 : memref<40x768xf32, #tpu.memory_space<vmem>>) offsets(%arg17 : memref<40xi32, #tpu.memory_space<vmem>>) semaphore(%arg22 : memref<!tpu.dma_semaphore, #tpu.memory_space<semaphore_mem>>)
    %add3A_29 = arith.constant 40 : i32
    %add3A_30 = arith.addi %mul3A_23, %add3A_29 : i32
    "tpu.region"() ({
      %run_scoped3A = tpu.sem_alloc : memref<!tpu.dma_semaphore, #tpu.memory_space<semaphore_mem>>
      %dma_start3A_66 = tpu.memref_slice %arg11[%add3A_30] : memref<5120xi32, #tpu.memory_space<vmem_shared>> -> memref<40xi32, #tpu.memory_space<vmem_shared>>
      %dma_start3A_67 = tpu.memref_slice %arg11[%add3A_30] : memref<5120xi32, #tpu.memory_space<vmem_shared>> -> memref<40xi32, #tpu.memory_space<vmem_shared>>
      tpu.enqueue_dma source(%dma_start3A_67 : memref<40xi32, #tpu.memory_space<vmem_shared>>) target(%arg18 : memref<40xi32, #tpu.memory_space<vmem>>) target_semaphore(%run_scoped3A : memref<!tpu.dma_semaphore, #tpu.memory_space<semaphore_mem>>)
      %dma_wait3A_68 = tpu.memref_slice %arg11[%add3A_30] : memref<5120xi32, #tpu.memory_space<vmem_shared>> -> memref<40xi32, #tpu.memory_space<vmem_shared>>
      %dma_wait3A_69 = tpu.memref_slice %arg11[%add3A_30] : memref<5120xi32, #tpu.memory_space<vmem_shared>> -> memref<40xi32, #tpu.memory_space<vmem_shared>>
      tpu.wait_dma2 semaphore(%run_scoped3A : memref<!tpu.dma_semaphore, #tpu.memory_space<semaphore_mem>>) src(%dma_wait3A_69 : memref<40xi32, #tpu.memory_space<vmem_shared>>) dst(%arg18 : memref<40xi32, #tpu.memory_space<vmem>>)
      tpu.yield
    }) : () -> ()
    %dma_start3A_31 = arith.constant 0 : i32
    %dma_start3A_32 = arith.constant 0 : i32
    %dma_start3A_33 = tpu.memref_slice %arg6[%dma_start3A_31, %dma_start3A_32] : memref<2048x768xf32, #tpu.memory_space<hbm>> -> memref<2048x768xf32, #tpu.memory_space<hbm>>
    tpu.enqueue_indirect_dma source(%dma_start3A_33 : memref<2048x768xf32, #tpu.memory_space<hbm>>) target(%arg20 : memref<40x768xf32, #tpu.memory_space<vmem>>) offsets(%arg18 : memref<40xi32, #tpu.memory_space<vmem>>) semaphore(%arg23 : memref<!tpu.dma_semaphore, #tpu.memory_space<semaphore_mem>>)
    %dma_wait3A = arith.constant 0 : i32
    %dma_wait3A_34 = arith.constant 0 : i32
    %dma_wait3A_35 = tpu.memref_slice %arg6[%dma_wait3A, %dma_wait3A_34] : memref<2048x768xf32, #tpu.memory_space<hbm>> -> memref<2048x768xf32, #tpu.memory_space<hbm>>
    tpu.wait_indirect_dma semaphore(%arg22 : memref<!tpu.dma_semaphore, #tpu.memory_space<semaphore_mem>>) src(%dma_wait3A_35 : memref<2048x768xf32, #tpu.memory_space<hbm>>) dst(%arg19 : memref<40x768xf32, #tpu.memory_space<vmem>>)
    %add3A_36 = arith.constant 0 : i32
    %add3A_37 = arith.addi %mul3A_23, %add3A_36 : i32
    "tpu.region"() ({
      %run_scoped3A = tpu.sem_alloc : memref<!tpu.dma_semaphore, #tpu.memory_space<semaphore_mem>>
      %dma_start3A_66 = arith.constant 0 : i32
      %dma_start3A_67 = tpu.memref_slice %arg8[%add3A_37, %dma_start3A_66] : memref<5120x768xf32, #tpu.memory_space<hbm>> -> memref<40x768xf32, #tpu.memory_space<hbm>>
      %dma_start3A_68 = arith.constant 0 : i32
      %dma_start3A_69 = tpu.memref_slice %arg8[%add3A_37, %dma_start3A_68] : memref<5120x768xf32, #tpu.memory_space<hbm>> -> memref<40x768xf32, #tpu.memory_space<hbm>>
      tpu.enqueue_dma source(%arg19 : memref<40x768xf32, #tpu.memory_space<vmem>>) target(%dma_start3A_69 : memref<40x768xf32, #tpu.memory_space<hbm>>) target_semaphore(%run_scoped3A : memref<!tpu.dma_semaphore, #tpu.memory_space<semaphore_mem>>)
      %dma_wait3A_70 = arith.constant 0 : i32
      %dma_wait3A_71 = tpu.memref_slice %arg8[%add3A_37, %dma_wait3A_70] : memref<5120x768xf32, #tpu.memory_space<hbm>> -> memref<40x768xf32, #tpu.memory_space<hbm>>
      %dma_wait3A_72 = arith.constant 0 : i32
      %dma_wait3A_73 = tpu.memref_slice %arg8[%add3A_37, %dma_wait3A_72] : memref<5120x768xf32, #tpu.memory_space<hbm>> -> memref<40x768xf32, #tpu.memory_space<hbm>>
      tpu.wait_dma2 semaphore(%run_scoped3A : memref<!tpu.dma_semaphore, #tpu.memory_space<semaphore_mem>>) src(%arg19 : memref<40x768xf32, #tpu.memory_space<vmem>>) dst(%dma_wait3A_73 : memref<40x768xf32, #tpu.memory_space<hbm>>)
      tpu.yield
    }) : () -> ()
    %add3A_38 = arith.constant 80 : i32
    %add3A_39 = arith.addi %mul3A_23, %add3A_38 : i32
    "tpu.region"() ({
      %run_scoped3A = tpu.sem_alloc : memref<!tpu.dma_semaphore, #tpu.memory_space<semaphore_mem>>
      %dma_start3A_66 = tpu.memref_slice %arg11[%add3A_39] : memref<5120xi32, #tpu.memory_space<vmem_shared>> -> memref<40xi32, #tpu.memory_space<vmem_shared>>
      %dma_start3A_67 = tpu.memref_slice %arg11[%add3A_39] : memref<5120xi32, #tpu.memory_space<vmem_shared>> -> memref<40xi32, #tpu.memory_space<vmem_shared>>
      tpu.enqueue_dma source(%dma_start3A_67 : memref<40xi32, #tpu.memory_space<vmem_shared>>) target(%arg17 : memref<40xi32, #tpu.memory_space<vmem>>) target_semaphore(%run_scoped3A : memref<!tpu.dma_semaphore, #tpu.memory_space<semaphore_mem>>)
      %dma_wait3A_68 = tpu.memref_slice %arg11[%add3A_39] : memref<5120xi32, #tpu.memory_space<vmem_shared>> -> memref<40xi32, #tpu.memory_space<vmem_shared>>
      %dma_wait3A_69 = tpu.memref_slice %arg11[%add3A_39] : memref<5120xi32, #tpu.memory_space<vmem_shared>> -> memref<40xi32, #tpu.memory_space<vmem_shared>>
      tpu.wait_dma2 semaphore(%run_scoped3A : memref<!tpu.dma_semaphore, #tpu.memory_space<semaphore_mem>>) src(%dma_wait3A_69 : memref<40xi32, #tpu.memory_space<vmem_shared>>) dst(%arg17 : memref<40xi32, #tpu.memory_space<vmem>>)
      tpu.yield
    }) : () -> ()
    %dma_start3A_40 = arith.constant 0 : i32
    %dma_start3A_41 = arith.constant 0 : i32
    %dma_start3A_42 = tpu.memref_slice %arg6[%dma_start3A_40, %dma_start3A_41] : memref<2048x768xf32, #tpu.memory_space<hbm>> -> memref<2048x768xf32, #tpu.memory_space<hbm>>
    tpu.enqueue_indirect_dma source(%dma_start3A_42 : memref<2048x768xf32, #tpu.memory_space<hbm>>) target(%arg19 : memref<40x768xf32, #tpu.memory_space<vmem>>) offsets(%arg17 : memref<40xi32, #tpu.memory_space<vmem>>) semaphore(%arg22 : memref<!tpu.dma_semaphore, #tpu.memory_space<semaphore_mem>>)
    %dma_wait3A_43 = arith.constant 0 : i32
    %dma_wait3A_44 = arith.constant 0 : i32
    %dma_wait3A_45 = tpu.memref_slice %arg6[%dma_wait3A_43, %dma_wait3A_44] : memref<2048x768xf32, #tpu.memory_space<hbm>> -> memref<2048x768xf32, #tpu.memory_space<hbm>>
    tpu.wait_indirect_dma semaphore(%arg23 : memref<!tpu.dma_semaphore, #tpu.memory_space<semaphore_mem>>) src(%dma_wait3A_45 : memref<2048x768xf32, #tpu.memory_space<hbm>>) dst(%arg20 : memref<40x768xf32, #tpu.memory_space<vmem>>)
    %add3A_46 = arith.constant 40 : i32
    %add3A_47 = arith.addi %mul3A_23, %add3A_46 : i32
    "tpu.region"() ({
      %run_scoped3A = tpu.sem_alloc : memref<!tpu.dma_semaphore, #tpu.memory_space<semaphore_mem>>
      %dma_start3A_66 = arith.constant 0 : i32
      %dma_start3A_67 = tpu.memref_slice %arg8[%add3A_47, %dma_start3A_66] : memref<5120x768xf32, #tpu.memory_space<hbm>> -> memref<40x768xf32, #tpu.memory_space<hbm>>
      %dma_start3A_68 = arith.constant 0 : i32
      %dma_start3A_69 = tpu.memref_slice %arg8[%add3A_47, %dma_start3A_68] : memref<5120x768xf32, #tpu.memory_space<hbm>> -> memref<40x768xf32, #tpu.memory_space<hbm>>
      tpu.enqueue_dma source(%arg20 : memref<40x768xf32, #tpu.memory_space<vmem>>) target(%dma_start3A_69 : memref<40x768xf32, #tpu.memory_space<hbm>>) target_semaphore(%run_scoped3A : memref<!tpu.dma_semaphore, #tpu.memory_space<semaphore_mem>>)
      %dma_wait3A_70 = arith.constant 0 : i32
      %dma_wait3A_71 = tpu.memref_slice %arg8[%add3A_47, %dma_wait3A_70] : memref<5120x768xf32, #tpu.memory_space<hbm>> -> memref<40x768xf32, #tpu.memory_space<hbm>>
      %dma_wait3A_72 = arith.constant 0 : i32
      %dma_wait3A_73 = tpu.memref_slice %arg8[%add3A_47, %dma_wait3A_72] : memref<5120x768xf32, #tpu.memory_space<hbm>> -> memref<40x768xf32, #tpu.memory_space<hbm>>
      tpu.wait_dma2 semaphore(%run_scoped3A : memref<!tpu.dma_semaphore, #tpu.memory_space<semaphore_mem>>) src(%arg20 : memref<40x768xf32, #tpu.memory_space<vmem>>) dst(%dma_wait3A_73 : memref<40x768xf32, #tpu.memory_space<hbm>>)
      tpu.yield
    }) : () -> ()
    %add3A_48 = arith.constant 120 : i32
    %add3A_49 = arith.addi %mul3A_23, %add3A_48 : i32
    "tpu.region"() ({
      %run_scoped3A = tpu.sem_alloc : memref<!tpu.dma_semaphore, #tpu.memory_space<semaphore_mem>>
      %dma_start3A_66 = tpu.memref_slice %arg11[%add3A_49] : memref<5120xi32, #tpu.memory_space<vmem_shared>> -> memref<40xi32, #tpu.memory_space<vmem_shared>>
      %dma_start3A_67 = tpu.memref_slice %arg11[%add3A_49] : memref<5120xi32, #tpu.memory_space<vmem_shared>> -> memref<40xi32, #tpu.memory_space<vmem_shared>>
      tpu.enqueue_dma source(%dma_start3A_67 : memref<40xi32, #tpu.memory_space<vmem_shared>>) target(%arg18 : memref<40xi32, #tpu.memory_space<vmem>>) target_semaphore(%run_scoped3A : memref<!tpu.dma_semaphore, #tpu.memory_space<semaphore_mem>>)
      %dma_wait3A_68 = tpu.memref_slice %arg11[%add3A_49] : memref<5120xi32, #tpu.memory_space<vmem_shared>> -> memref<40xi32, #tpu.memory_space<vmem_shared>>
      %dma_wait3A_69 = tpu.memref_slice %arg11[%add3A_49] : memref<5120xi32, #tpu.memory_space<vmem_shared>> -> memref<40xi32, #tpu.memory_space<vmem_shared>>
      tpu.wait_dma2 semaphore(%run_scoped3A : memref<!tpu.dma_semaphore, #tpu.memory_space<semaphore_mem>>) src(%dma_wait3A_69 : memref<40xi32, #tpu.memory_space<vmem_shared>>) dst(%arg18 : memref<40xi32, #tpu.memory_space<vmem>>)
      tpu.yield
    }) : () -> ()
    %dma_start3A_50 = arith.constant 0 : i32
    %dma_start3A_51 = arith.constant 0 : i32
    %dma_start3A_52 = tpu.memref_slice %arg6[%dma_start3A_50, %dma_start3A_51] : memref<2048x768xf32, #tpu.memory_space<hbm>> -> memref<2048x768xf32, #tpu.memory_space<hbm>>
    tpu.enqueue_indirect_dma source(%dma_start3A_52 : memref<2048x768xf32, #tpu.memory_space<hbm>>) target(%arg20 : memref<40x768xf32, #tpu.memory_space<vmem>>) offsets(%arg18 : memref<40xi32, #tpu.memory_space<vmem>>) semaphore(%arg23 : memref<!tpu.dma_semaphore, #tpu.memory_space<semaphore_mem>>)
    %dma_wait3A_53 = arith.constant 0 : i32
    %dma_wait3A_54 = arith.constant 0 : i32
    %dma_wait3A_55 = tpu.memref_slice %arg6[%dma_wait3A_53, %dma_wait3A_54] : memref<2048x768xf32, #tpu.memory_space<hbm>> -> memref<2048x768xf32, #tpu.memory_space<hbm>>
    tpu.wait_indirect_dma semaphore(%arg22 : memref<!tpu.dma_semaphore, #tpu.memory_space<semaphore_mem>>) src(%dma_wait3A_55 : memref<2048x768xf32, #tpu.memory_space<hbm>>) dst(%arg19 : memref<40x768xf32, #tpu.memory_space<vmem>>)
    %add3A_56 = arith.constant 80 : i32
    %add3A_57 = arith.addi %mul3A_23, %add3A_56 : i32
    "tpu.region"() ({
      %run_scoped3A = tpu.sem_alloc : memref<!tpu.dma_semaphore, #tpu.memory_space<semaphore_mem>>
      %dma_start3A_66 = arith.constant 0 : i32
      %dma_start3A_67 = tpu.memref_slice %arg8[%add3A_57, %dma_start3A_66] : memref<5120x768xf32, #tpu.memory_space<hbm>> -> memref<40x768xf32, #tpu.memory_space<hbm>>
      %dma_start3A_68 = arith.constant 0 : i32
      %dma_start3A_69 = tpu.memref_slice %arg8[%add3A_57, %dma_start3A_68] : memref<5120x768xf32, #tpu.memory_space<hbm>> -> memref<40x768xf32, #tpu.memory_space<hbm>>
      tpu.enqueue_dma source(%arg19 : memref<40x768xf32, #tpu.memory_space<vmem>>) target(%dma_start3A_69 : memref<40x768xf32, #tpu.memory_space<hbm>>) target_semaphore(%run_scoped3A : memref<!tpu.dma_semaphore, #tpu.memory_space<semaphore_mem>>)
      %dma_wait3A_70 = arith.constant 0 : i32
      %dma_wait3A_71 = tpu.memref_slice %arg8[%add3A_57, %dma_wait3A_70] : memref<5120x768xf32, #tpu.memory_space<hbm>> -> memref<40x768xf32, #tpu.memory_space<hbm>>
      %dma_wait3A_72 = arith.constant 0 : i32
      %dma_wait3A_73 = tpu.memref_slice %arg8[%add3A_57, %dma_wait3A_72] : memref<5120x768xf32, #tpu.memory_space<hbm>> -> memref<40x768xf32, #tpu.memory_space<hbm>>
      tpu.wait_dma2 semaphore(%run_scoped3A : memref<!tpu.dma_semaphore, #tpu.memory_space<semaphore_mem>>) src(%arg19 : memref<40x768xf32, #tpu.memory_space<vmem>>) dst(%dma_wait3A_73 : memref<40x768xf32, #tpu.memory_space<hbm>>)
      tpu.yield
    }) : () -> ()
    %dma_wait3A_58 = arith.constant 0 : i32
    %dma_wait3A_59 = arith.constant 0 : i32
    %dma_wait3A_60 = tpu.memref_slice %arg6[%dma_wait3A_58, %dma_wait3A_59] : memref<2048x768xf32, #tpu.memory_space<hbm>> -> memref<2048x768xf32, #tpu.memory_space<hbm>>
    tpu.wait_indirect_dma semaphore(%arg23 : memref<!tpu.dma_semaphore, #tpu.memory_space<semaphore_mem>>) src(%dma_wait3A_60 : memref<2048x768xf32, #tpu.memory_space<hbm>>) dst(%arg20 : memref<40x768xf32, #tpu.memory_space<vmem>>)
    %add3A_61 = arith.constant 120 : i32
    %add3A_62 = arith.addi %mul3A_23, %add3A_61 : i32
    "tpu.region"() ({
      %run_scoped3A = tpu.sem_alloc : memref<!tpu.dma_semaphore, #tpu.memory_space<semaphore_mem>>
      %dma_start3A_66 = arith.constant 0 : i32
      %dma_start3A_67 = tpu.memref_slice %arg8[%add3A_62, %dma_start3A_66] : memref<5120x768xf32, #tpu.memory_space<hbm>> -> memref<40x768xf32, #tpu.memory_space<hbm>>
      %dma_start3A_68 = arith.constant 0 : i32
      %dma_start3A_69 = tpu.memref_slice %arg8[%add3A_62, %dma_start3A_68] : memref<5120x768xf32, #tpu.memory_space<hbm>> -> memref<40x768xf32, #tpu.memory_space<hbm>>
      tpu.enqueue_dma source(%arg20 : memref<40x768xf32, #tpu.memory_space<vmem>>) target(%dma_start3A_69 : memref<40x768xf32, #tpu.memory_space<hbm>>) target_semaphore(%run_scoped3A : memref<!tpu.dma_semaphore, #tpu.memory_space<semaphore_mem>>)
      %dma_wait3A_70 = arith.constant 0 : i32
      %dma_wait3A_71 = tpu.memref_slice %arg8[%add3A_62, %dma_wait3A_70] : memref<5120x768xf32, #tpu.memory_space<hbm>> -> memref<40x768xf32, #tpu.memory_space<hbm>>
      %dma_wait3A_72 = arith.constant 0 : i32
      %dma_wait3A_73 = tpu.memref_slice %arg8[%add3A_62, %dma_wait3A_72] : memref<5120x768xf32, #tpu.memory_space<hbm>> -> memref<40x768xf32, #tpu.memory_space<hbm>>
      tpu.wait_dma2 semaphore(%run_scoped3A : memref<!tpu.dma_semaphore, #tpu.memory_space<semaphore_mem>>) src(%arg20 : memref<40x768xf32, #tpu.memory_space<vmem>>) dst(%dma_wait3A_73 : memref<40x768xf32, #tpu.memory_space<hbm>>)
      tpu.yield
    }) : () -> ()
    %dma_wait3A_63 = arith.constant 0 : i32
    %dma_wait3A_64 = arith.constant 0 : i32
    %dma_wait3A_65 = tpu.memref_slice %arg7[%dma_wait3A_63, %dma_wait3A_64] : memref<2048x128xf32, #tpu.memory_space<hbm>> -> memref<2048x128xf32, #tpu.memory_space<hbm>>
    tpu.wait_indirect_dma semaphore(%arg24 : memref<!tpu.dma_semaphore, #tpu.memory_space<semaphore_mem>>) src(%dma_wait3A_65 : memref<2048x128xf32, #tpu.memory_space<hbm>>) dst(%arg21 : memref<160x128xf32, #tpu.memory_space<vmem>>)
    "tpu.region"() ({
      %run_scoped3A = tpu.sem_alloc : memref<!tpu.dma_semaphore, #tpu.memory_space<semaphore_mem>>
      %dma_start3A_66 = arith.constant 0 : i32
      %dma_start3A_67 = tpu.memref_slice %arg9[%mul3A_23, %dma_start3A_66] : memref<5120x128xf32, #tpu.memory_space<hbm>> -> memref<160x128xf32, #tpu.memory_space<hbm>>
      %dma_start3A_68 = arith.constant 0 : i32
      %dma_start3A_69 = tpu.memref_slice %arg9[%mul3A_23, %dma_start3A_68] : memref<5120x128xf32, #tpu.memory_space<hbm>> -> memref<160x128xf32, #tpu.memory_space<hbm>>
      tpu.enqueue_dma source(%arg21 : memref<160x128xf32, #tpu.memory_space<vmem>>) target(%dma_start3A_69 : memref<160x128xf32, #tpu.memory_space<hbm>>) target_semaphore(%run_scoped3A : memref<!tpu.dma_semaphore, #tpu.memory_space<semaphore_mem>>)
      %dma_wait3A_70 = arith.constant 0 : i32
      %dma_wait3A_71 = tpu.memref_slice %arg9[%mul3A_23, %dma_wait3A_70] : memref<5120x128xf32, #tpu.memory_space<hbm>> -> memref<160x128xf32, #tpu.memory_space<hbm>>
      %dma_wait3A_72 = arith.constant 0 : i32
      %dma_wait3A_73 = tpu.memref_slice %arg9[%mul3A_23, %dma_wait3A_72] : memref<5120x128xf32, #tpu.memory_space<hbm>> -> memref<160x128xf32, #tpu.memory_space<hbm>>
      tpu.wait_dma2 semaphore(%run_scoped3A : memref<!tpu.dma_semaphore, #tpu.memory_space<semaphore_mem>>) src(%arg21 : memref<160x128xf32, #tpu.memory_space<vmem>>) dst(%dma_wait3A_73 : memref<160x128xf32, #tpu.memory_space<hbm>>)
      tpu.yield
    }) : () -> ()
    return
  }
}

module attributes {stable_mosaic.version = 14 : i64} {
  func.func @_routing_kernel(%arg0: memref<2048x768xf32, #tpu.memory_space<vmem>>, %arg1: memref<2048x768xf32, #tpu.memory_space<vmem>>, %arg2: memref<768x64xf32, #tpu.memory_space<vmem>>, %arg3: memref<1x768xf32, #tpu.memory_space<vmem>>, %arg4: memref<1x768xf32, #tpu.memory_space<vmem>>, %arg5: memref<1x64xf32, #tpu.memory_space<vmem>>, %arg6: memref<1x64xf32, #tpu.memory_space<vmem>>, %arg7: memref<8x768xf32, #tpu.memory_space<vmem>>, %arg8: memref<8x64xf32, #tpu.memory_space<vmem>>, %arg9: memref<4x8xf32, #tpu.memory_space<vmem>>, %arg10: memref<2048x2048xbf16, #tpu.memory_space<vmem>>, %arg11: memref<8x2048xf32, #tpu.memory_space<vmem>>, %arg12: memref<1x1xf32, #tpu.memory_space<vmem>>, %arg13: memref<1x2048xi32, #tpu.memory_space<vmem>>, %arg14: memref<1x2048xi32, #tpu.memory_space<vmem>>, %arg15: memref<1x2048xf32, #tpu.memory_space<vmem>>, %arg16: memref<1x2048xf32, #tpu.memory_space<vmem>>, %arg17: memref<1x128xi32, #tpu.memory_space<vmem>>) attributes {dimension_semantics = [], scalar_prefetch = 0 : i64, scratch_operands = 0 : i64, tpu.core_type = #tpu.core_type<tc>} {
    %get3A = arith.constant 0 : index
    %get3A_0 = arith.constant 0 : index
    %get3A_1 = vector.load %arg0[%get3A, %get3A_0] : memref<2048x768xf32, #tpu.memory_space<vmem>>, vector<2048x768xf32>
    %get3A_2 = arith.constant 0 : index
    %get3A_3 = arith.constant 0 : index
    %get3A_4 = vector.load %arg1[%get3A_2, %get3A_3] : memref<2048x768xf32, #tpu.memory_space<vmem>>, vector<2048x768xf32>
    %sub3A = arith.subf %get3A_1, %get3A_4 : vector<2048x768xf32>
    %abs3A = math.absf %sub3A : vector<2048x768xf32>
    %reduce_sum3A = arith.constant dense<0.000000e+00> : vector<2048xf32>
    %reduce_sum3A_5 = vector.multi_reduction <add>, %abs3A, %reduce_sum3A [1] : vector<2048x768xf32> to vector<2048xf32>
    %broadcast_in_dim3A = vector.shape_cast %reduce_sum3A_5 : vector<2048xf32> to vector<2048x1xf32>
    %div3A = arith.constant 7.680000e+02 : f32
    %div3A_6 = vector.broadcast %div3A : f32 to vector<2048x1xf32>
    %div3A_7 = arith.divf %broadcast_in_dim3A, %div3A_6 : vector<2048x1xf32>
    %sub3A_8 = vector.broadcast %div3A_7 : vector<2048x1xf32> to vector<2048x768xf32>
    %sub3A_9 = arith.subf %abs3A, %sub3A_8 : vector<2048x768xf32>
    %mul3A = arith.mulf %sub3A_9, %sub3A_9 : vector<2048x768xf32>
    %reduce_sum3A_10 = arith.constant dense<0.000000e+00> : vector<2048xf32>
    %reduce_sum3A_11 = vector.multi_reduction <add>, %mul3A, %reduce_sum3A_10 [1] : vector<2048x768xf32> to vector<2048xf32>
    %broadcast_in_dim3A_12 = vector.shape_cast %reduce_sum3A_11 : vector<2048xf32> to vector<2048x1xf32>
    %div3A_13 = arith.constant 7.670000e+02 : f32
    %div3A_14 = vector.broadcast %div3A_13 : f32 to vector<2048x1xf32>
    %div3A_15 = arith.divf %broadcast_in_dim3A_12, %div3A_14 : vector<2048x1xf32>
    %sqrt3A = math.sqrt %div3A_15 : vector<2048x1xf32>
    %log1p3A = math.log1p %div3A_7 : vector<2048x1xf32>
    %log1p3A_16 = math.log1p %sqrt3A : vector<2048x1xf32>
    %get3A_17 = arith.constant 0 : index
    %get3A_18 = arith.constant 0 : index
    %get3A_19 = vector.load %arg2[%get3A_17, %get3A_18] : memref<768x64xf32, #tpu.memory_space<vmem>>, vector<768x64xf32>
    %convert_element_type3A = arith.truncf %get3A_1 : vector<2048x768xf32> to vector<2048x768xbf16>
    %convert_element_type3A_20 = arith.truncf %get3A_19 : vector<768x64xf32> to vector<768x64xbf16>
    %dot_general3A = arith.constant dense<0.000000e+00> : vector<2048x64xf32>
    %dot_general3A_21 = tpu.matmul %convert_element_type3A, %convert_element_type3A_20, %dot_general3A {dimension_numbers = #tpu.dot_dimension_numbers<[1], [0], [0], [1], [0, 0, 1, 1], [], []>, transpose_lhs_hint = false} : vector<2048x768xbf16>, vector<768x64xbf16>, vector<2048x64xf32> -> vector<2048x64xf32>
    %reduce_sum3A_22 = arith.constant dense<0.000000e+00> : vector<2048xf32>
    %reduce_sum3A_23 = vector.multi_reduction <add>, %get3A_1, %reduce_sum3A_22 [1] : vector<2048x768xf32> to vector<2048xf32>
    %broadcast_in_dim3A_24 = vector.shape_cast %reduce_sum3A_23 : vector<2048xf32> to vector<2048x1xf32>
    %reduce_sum3A_25 = arith.constant dense<0.000000e+00> : vector<2048xf32>
    %reduce_sum3A_26 = vector.multi_reduction <add>, %dot_general3A_21, %reduce_sum3A_25 [1] : vector<2048x64xf32> to vector<2048xf32>
    %broadcast_in_dim3A_27 = vector.shape_cast %reduce_sum3A_26 : vector<2048xf32> to vector<2048x1xf32>
    %add3A = arith.addf %broadcast_in_dim3A_24, %broadcast_in_dim3A_27 : vector<2048x1xf32>
    %add3A_28 = arith.addf %add3A, %log1p3A : vector<2048x1xf32>
    %add3A_29 = arith.addf %add3A_28, %log1p3A_16 : vector<2048x1xf32>
    %div3A_30 = arith.constant 8.340000e+02 : f32
    %div3A_31 = vector.broadcast %div3A_30 : f32 to vector<2048x1xf32>
    %div3A_32 = arith.divf %add3A_29, %div3A_31 : vector<2048x1xf32>
    %sub3A_33 = vector.broadcast %div3A_32 : vector<2048x1xf32> to vector<2048x768xf32>
    %sub3A_34 = arith.subf %get3A_1, %sub3A_33 : vector<2048x768xf32>
    %sub3A_35 = vector.broadcast %div3A_32 : vector<2048x1xf32> to vector<2048x64xf32>
    %sub3A_36 = arith.subf %dot_general3A_21, %sub3A_35 : vector<2048x64xf32>
    %sub3A_37 = arith.subf %log1p3A, %div3A_32 : vector<2048x1xf32>
    %sub3A_38 = arith.subf %log1p3A_16, %div3A_32 : vector<2048x1xf32>
    %mul3A_39 = arith.mulf %sub3A_34, %sub3A_34 : vector<2048x768xf32>
    %reduce_sum3A_40 = arith.constant dense<0.000000e+00> : vector<2048xf32>
    %reduce_sum3A_41 = vector.multi_reduction <add>, %mul3A_39, %reduce_sum3A_40 [1] : vector<2048x768xf32> to vector<2048xf32>
    %broadcast_in_dim3A_42 = vector.shape_cast %reduce_sum3A_41 : vector<2048xf32> to vector<2048x1xf32>
    %mul3A_43 = arith.mulf %sub3A_36, %sub3A_36 : vector<2048x64xf32>
    %reduce_sum3A_44 = arith.constant dense<0.000000e+00> : vector<2048xf32>
    %reduce_sum3A_45 = vector.multi_reduction <add>, %mul3A_43, %reduce_sum3A_44 [1] : vector<2048x64xf32> to vector<2048xf32>
    %broadcast_in_dim3A_46 = vector.shape_cast %reduce_sum3A_45 : vector<2048xf32> to vector<2048x1xf32>
    %add3A_47 = arith.addf %broadcast_in_dim3A_42, %broadcast_in_dim3A_46 : vector<2048x1xf32>
    %mul3A_48 = arith.mulf %sub3A_37, %sub3A_37 : vector<2048x1xf32>
    %add3A_49 = arith.addf %add3A_47, %mul3A_48 : vector<2048x1xf32>
    %mul3A_50 = arith.mulf %sub3A_38, %sub3A_38 : vector<2048x1xf32>
    %add3A_51 = arith.addf %add3A_49, %mul3A_50 : vector<2048x1xf32>
    %div3A_52 = arith.constant 8.340000e+02 : f32
    %div3A_53 = vector.broadcast %div3A_52 : f32 to vector<2048x1xf32>
    %div3A_54 = arith.divf %add3A_51, %div3A_53 : vector<2048x1xf32>
    %add3A_55 = arith.constant 9.99999974E-6 : f32
    %add3A_56 = vector.broadcast %add3A_55 : f32 to vector<2048x1xf32>
    %add3A_57 = arith.addf %div3A_54, %add3A_56 : vector<2048x1xf32>
    %sqrt3A_58 = math.sqrt %add3A_57 : vector<2048x1xf32>
    %div3A_59 = vector.broadcast %sqrt3A_58 : vector<2048x1xf32> to vector<2048x768xf32>
    %div3A_60 = arith.divf %sub3A_34, %div3A_59 : vector<2048x768xf32>
    %get3A_61 = arith.constant 0 : index
    %get3A_62 = arith.constant 0 : index
    %get3A_63 = vector.load %arg3[%get3A_61, %get3A_62] : memref<1x768xf32, #tpu.memory_space<vmem>>, vector<1x768xf32>
    %mul3A_64 = vector.broadcast %get3A_63 : vector<1x768xf32> to vector<2048x768xf32>
    %mul3A_65 = arith.mulf %div3A_60, %mul3A_64 : vector<2048x768xf32>
    %get3A_66 = arith.constant 0 : index
    %get3A_67 = arith.constant 0 : index
    %get3A_68 = vector.load %arg4[%get3A_66, %get3A_67] : memref<1x768xf32, #tpu.memory_space<vmem>>, vector<1x768xf32>
    %add3A_69 = vector.broadcast %get3A_68 : vector<1x768xf32> to vector<2048x768xf32>
    %add3A_70 = arith.addf %mul3A_65, %add3A_69 : vector<2048x768xf32>
    %div3A_71 = vector.broadcast %sqrt3A_58 : vector<2048x1xf32> to vector<2048x64xf32>
    %div3A_72 = arith.divf %sub3A_36, %div3A_71 : vector<2048x64xf32>
    %get3A_73 = arith.constant 0 : index
    %get3A_74 = arith.constant 0 : index
    %get3A_75 = vector.load %arg5[%get3A_73, %get3A_74] : memref<1x64xf32, #tpu.memory_space<vmem>>, vector<1x64xf32>
    %mul3A_76 = vector.broadcast %get3A_75 : vector<1x64xf32> to vector<2048x64xf32>
    %mul3A_77 = arith.mulf %div3A_72, %mul3A_76 : vector<2048x64xf32>
    %get3A_78 = arith.constant 0 : index
    %get3A_79 = arith.constant 0 : index
    %get3A_80 = vector.load %arg6[%get3A_78, %get3A_79] : memref<1x64xf32, #tpu.memory_space<vmem>>, vector<1x64xf32>
    %add3A_81 = vector.broadcast %get3A_80 : vector<1x64xf32> to vector<2048x64xf32>
    %add3A_82 = arith.addf %mul3A_77, %add3A_81 : vector<2048x64xf32>
    %get3A_83 = arith.constant 0 : index
    %get3A_84 = arith.constant 0 : index
    %get3A_85 = vector.load %arg9[%get3A_83, %get3A_84] : memref<4x8xf32, #tpu.memory_space<vmem>>, vector<1x1xf32>
    %get3A_86 = arith.constant 0 : index
    %get3A_87 = arith.constant 1 : index
    %get3A_88 = vector.load %arg9[%get3A_86, %get3A_87] : memref<4x8xf32, #tpu.memory_space<vmem>>, vector<1x1xf32>
    %get3A_89 = arith.constant 0 : index
    %get3A_90 = arith.constant 2 : index
    %get3A_91 = vector.load %arg9[%get3A_89, %get3A_90] : memref<4x8xf32, #tpu.memory_space<vmem>>, vector<1x1xf32>
    %get3A_92 = arith.constant 0 : index
    %get3A_93 = arith.constant 3 : index
    %get3A_94 = vector.load %arg9[%get3A_92, %get3A_93] : memref<4x8xf32, #tpu.memory_space<vmem>>, vector<1x1xf32>
    %div3A_95 = arith.divf %sub3A_37, %sqrt3A_58 : vector<2048x1xf32>
    %mul3A_96 = vector.broadcast %get3A_85 : vector<1x1xf32> to vector<2048x1xf32>
    %mul3A_97 = arith.mulf %div3A_95, %mul3A_96 : vector<2048x1xf32>
    %add3A_98 = vector.broadcast %get3A_88 : vector<1x1xf32> to vector<2048x1xf32>
    %add3A_99 = arith.addf %mul3A_97, %add3A_98 : vector<2048x1xf32>
    %div3A_100 = arith.divf %sub3A_38, %sqrt3A_58 : vector<2048x1xf32>
    %mul3A_101 = vector.broadcast %get3A_91 : vector<1x1xf32> to vector<2048x1xf32>
    %mul3A_102 = arith.mulf %div3A_100, %mul3A_101 : vector<2048x1xf32>
    %add3A_103 = vector.broadcast %get3A_94 : vector<1x1xf32> to vector<2048x1xf32>
    %add3A_104 = arith.addf %mul3A_102, %add3A_103 : vector<2048x1xf32>
    %get3A_105 = arith.constant 0 : index
    %get3A_106 = arith.constant 0 : index
    %get3A_107 = vector.load %arg7[%get3A_105, %get3A_106] : memref<8x768xf32, #tpu.memory_space<vmem>>, vector<8x768xf32>
    %convert_element_type3A_108 = arith.truncf %get3A_107 : vector<8x768xf32> to vector<8x768xbf16>
    %convert_element_type3A_109 = arith.truncf %add3A_70 : vector<2048x768xf32> to vector<2048x768xbf16>
    %dot_general3A_110 = arith.constant dense<0.000000e+00> : vector<8x2048xf32>
    %dot_general3A_111 = tpu.matmul %convert_element_type3A_108, %convert_element_type3A_109, %dot_general3A_110 {dimension_numbers = #tpu.dot_dimension_numbers<[1], [1], [0], [0], [0, 0, 1, 0], [], []>, transpose_lhs_hint = false} : vector<8x768xbf16>, vector<2048x768xbf16>, vector<8x2048xf32> -> vector<8x2048xf32>
    %get3A_112 = arith.constant 0 : index
    %get3A_113 = arith.constant 0 : index
    %get3A_114 = vector.load %arg8[%get3A_112, %get3A_113] : memref<8x64xf32, #tpu.memory_space<vmem>>, vector<8x64xf32>
    %convert_element_type3A_115 = arith.truncf %get3A_114 : vector<8x64xf32> to vector<8x64xbf16>
    %convert_element_type3A_116 = arith.truncf %add3A_82 : vector<2048x64xf32> to vector<2048x64xbf16>
    %dot_general3A_117 = arith.constant dense<0.000000e+00> : vector<8x2048xf32>
    %dot_general3A_118 = tpu.matmul %convert_element_type3A_115, %convert_element_type3A_116, %dot_general3A_117 {dimension_numbers = #tpu.dot_dimension_numbers<[1], [1], [0], [0], [0, 0, 1, 0], [], []>, transpose_lhs_hint = false} : vector<8x64xbf16>, vector<2048x64xbf16>, vector<8x2048xf32> -> vector<8x2048xf32>
    %add3A_119 = arith.addf %dot_general3A_111, %dot_general3A_118 : vector<8x2048xf32>
    %broadcast_in_dim3A_120 = arith.constant 1.000000e+00 : f32
    %broadcast_in_dim3A_121 = vector.broadcast %broadcast_in_dim3A_120 : f32 to vector<1x1xf32>
    %convert_element_type3A_122 = arith.truncf %add3A_99 : vector<2048x1xf32> to vector<2048x1xbf16>
    %convert_element_type3A_123 = arith.extf %convert_element_type3A_122 : vector<2048x1xbf16> to vector<2048x1xf32>
    %dot_general3A_124 = arith.constant dense<0.000000e+00> : vector<1x2048xf32>
    %dot_general3A_125 = tpu.matmul %broadcast_in_dim3A_121, %convert_element_type3A_123, %dot_general3A_124 {dimension_numbers = #tpu.dot_dimension_numbers<[1], [1], [0], [0], [0, 0, 1, 0], [], []>, precision = #tpu.contract_precision<fp32>, transpose_lhs_hint = false} : vector<1x1xf32>, vector<2048x1xf32>, vector<1x2048xf32> -> vector<1x2048xf32>
    %convert_element_type3A_126 = arith.truncf %add3A_104 : vector<2048x1xf32> to vector<2048x1xbf16>
    %convert_element_type3A_127 = arith.extf %convert_element_type3A_126 : vector<2048x1xbf16> to vector<2048x1xf32>
    %dot_general3A_128 = arith.constant dense<0.000000e+00> : vector<1x2048xf32>
    %dot_general3A_129 = tpu.matmul %broadcast_in_dim3A_121, %convert_element_type3A_127, %dot_general3A_128 {dimension_numbers = #tpu.dot_dimension_numbers<[1], [1], [0], [0], [0, 0, 1, 0], [], []>, precision = #tpu.contract_precision<fp32>, transpose_lhs_hint = false} : vector<1x1xf32>, vector<2048x1xf32>, vector<1x2048xf32> -> vector<1x2048xf32>
    %get3A_130 = arith.constant 1 : index
    %get3A_131 = arith.constant 0 : index
    %get3A_132 = vector.load %arg9[%get3A_130, %get3A_131] : memref<4x8xf32, #tpu.memory_space<vmem>>, vector<1x8xf32>
    %transpose3A = tpu.transpose %get3A_132, [1, 0] : vector<1x8xf32> -> vector<8x1xf32>
    %convert_element_type3A_133 = arith.truncf %transpose3A : vector<8x1xf32> to vector<8x1xbf16>
    %convert_element_type3A_134 = arith.extf %convert_element_type3A_133 : vector<8x1xbf16> to vector<8x1xf32>
    %get3A_135 = arith.constant 2 : index
    %get3A_136 = arith.constant 0 : index
    %get3A_137 = vector.load %arg9[%get3A_135, %get3A_136] : memref<4x8xf32, #tpu.memory_space<vmem>>, vector<1x8xf32>
    %transpose3A_138 = tpu.transpose %get3A_137, [1, 0] : vector<1x8xf32> -> vector<8x1xf32>
    %convert_element_type3A_139 = arith.truncf %transpose3A_138 : vector<8x1xf32> to vector<8x1xbf16>
    %convert_element_type3A_140 = arith.extf %convert_element_type3A_139 : vector<8x1xbf16> to vector<8x1xf32>
    %get3A_141 = arith.constant 3 : index
    %get3A_142 = arith.constant 0 : index
    %get3A_143 = vector.load %arg9[%get3A_141, %get3A_142] : memref<4x8xf32, #tpu.memory_space<vmem>>, vector<1x8xf32>
    %transpose3A_144 = tpu.transpose %get3A_143, [1, 0] : vector<1x8xf32> -> vector<8x1xf32>
    %mul3A_145 = vector.broadcast %convert_element_type3A_134 : vector<8x1xf32> to vector<8x2048xf32>
    %mul3A_146 = vector.broadcast %dot_general3A_125 : vector<1x2048xf32> to vector<8x2048xf32>
    %mul3A_147 = arith.mulf %mul3A_145, %mul3A_146 : vector<8x2048xf32>
    %add3A_148 = arith.addf %add3A_119, %mul3A_147 : vector<8x2048xf32>
    %mul3A_149 = vector.broadcast %convert_element_type3A_140 : vector<8x1xf32> to vector<8x2048xf32>
    %mul3A_150 = vector.broadcast %dot_general3A_129 : vector<1x2048xf32> to vector<8x2048xf32>
    %mul3A_151 = arith.mulf %mul3A_149, %mul3A_150 : vector<8x2048xf32>
    %add3A_152 = arith.addf %add3A_148, %mul3A_151 : vector<8x2048xf32>
    %add3A_153 = vector.broadcast %transpose3A_144 : vector<8x1xf32> to vector<8x2048xf32>
    %add3A_154 = arith.addf %add3A_152, %add3A_153 : vector<8x2048xf32>
    %bitcast_convert_type3A = tpu.bitcast %add3A_154 : vector<8x2048xf32> -> vector<8x2048xi32>
    %shift_right_arithmetic3A = arith.constant 31 : i32
    %shift_right_arithmetic3A_155 = vector.broadcast %shift_right_arithmetic3A : i32 to vector<8x2048xi32>
    %shift_right_arithmetic3A_156 = arith.shrsi %bitcast_convert_type3A, %shift_right_arithmetic3A_155 : vector<8x2048xi32>
    %and3A = arith.constant 2147483647 : i32
    %and3A_157 = vector.broadcast %and3A : i32 to vector<8x2048xi32>
    %and3A_158 = arith.andi %shift_right_arithmetic3A_156, %and3A_157 : vector<8x2048xi32>
    %xor3A = arith.xori %bitcast_convert_type3A, %and3A_158 : vector<8x2048xi32>
    %ge3A = arith.constant 0 : i32
    %ge3A_159 = vector.broadcast %ge3A : i32 to vector<8x2048xi32>
    %ge3A_160 = arith.cmpi sge, %xor3A, %ge3A_159 : vector<8x2048xi32>
    %convert_element_type3A_161 = arith.extui %ge3A_160 : vector<8x2048xi1> to vector<8x2048xi32>
    %convert_element_type3A_162 = arith.sitofp %convert_element_type3A_161 : vector<8x2048xi32> to vector<8x2048xf32>
    %reduce_sum3A_163 = arith.constant dense<0.000000e+00> : vector<8xf32>
    %reduce_sum3A_164 = vector.multi_reduction <add>, %convert_element_type3A_162, %reduce_sum3A_163 [1] : vector<8x2048xf32> to vector<8xf32>
    %broadcast_in_dim3A_165 = vector.shape_cast %reduce_sum3A_164 : vector<8xf32> to vector<8x1xf32>
    %ge3A_166 = arith.constant 3.200000e+02 : f32
    %ge3A_167 = vector.broadcast %ge3A_166 : f32 to vector<8x1xf32>
    %ge3A_168 = arith.cmpf oge, %broadcast_in_dim3A_165, %ge3A_167 : vector<8x1xf32>
    %jit3A = arith.constant 0 : i32
    %jit3A_169 = arith.constant -2147483648 : i32
    %broadcast_in_dim3A_170 = vector.broadcast %jit3A : i32 to vector<8x1xi32>
    %broadcast_in_dim3A_171 = vector.broadcast %jit3A_169 : i32 to vector<8x1xi32>
    %select_n3A = arith.select %ge3A_168, %broadcast_in_dim3A_170, %broadcast_in_dim3A_171 : vector<8x1xi1>, vector<8x1xi32>
    %or3A = arith.constant 1073741824 : i32
    %or3A_172 = vector.broadcast %or3A : i32 to vector<8x1xi32>
    %or3A_173 = arith.ori %select_n3A, %or3A_172 : vector<8x1xi32>
    %ge3A_174 = vector.broadcast %or3A_173 : vector<8x1xi32> to vector<8x2048xi32>
    %ge3A_175 = arith.cmpi sge, %xor3A, %ge3A_174 : vector<8x2048xi32>
    %convert_element_type3A_176 = arith.extui %ge3A_175 : vector<8x2048xi1> to vector<8x2048xi32>
    %convert_element_type3A_177 = arith.sitofp %convert_element_type3A_176 : vector<8x2048xi32> to vector<8x2048xf32>
    %reduce_sum3A_178 = arith.constant dense<0.000000e+00> : vector<8xf32>
    %reduce_sum3A_179 = vector.multi_reduction <add>, %convert_element_type3A_177, %reduce_sum3A_178 [1] : vector<8x2048xf32> to vector<8xf32>
    %broadcast_in_dim3A_180 = vector.shape_cast %reduce_sum3A_179 : vector<8xf32> to vector<8x1xf32>
    %ge3A_181 = arith.constant 3.200000e+02 : f32
    %ge3A_182 = vector.broadcast %ge3A_181 : f32 to vector<8x1xf32>
    %ge3A_183 = arith.cmpf oge, %broadcast_in_dim3A_180, %ge3A_182 : vector<8x1xf32>
    %select_n3A_184 = arith.select %ge3A_183, %or3A_173, %select_n3A : vector<8x1xi1>, vector<8x1xi32>
    %or3A_185 = arith.constant 536870912 : i32
    %or3A_186 = vector.broadcast %or3A_185 : i32 to vector<8x1xi32>
    %or3A_187 = arith.ori %select_n3A_184, %or3A_186 : vector<8x1xi32>
    %ge3A_188 = vector.broadcast %or3A_187 : vector<8x1xi32> to vector<8x2048xi32>
    %ge3A_189 = arith.cmpi sge, %xor3A, %ge3A_188 : vector<8x2048xi32>
    %convert_element_type3A_190 = arith.extui %ge3A_189 : vector<8x2048xi1> to vector<8x2048xi32>
    %convert_element_type3A_191 = arith.sitofp %convert_element_type3A_190 : vector<8x2048xi32> to vector<8x2048xf32>
    %reduce_sum3A_192 = arith.constant dense<0.000000e+00> : vector<8xf32>
    %reduce_sum3A_193 = vector.multi_reduction <add>, %convert_element_type3A_191, %reduce_sum3A_192 [1] : vector<8x2048xf32> to vector<8xf32>
    %broadcast_in_dim3A_194 = vector.shape_cast %reduce_sum3A_193 : vector<8xf32> to vector<8x1xf32>
    %ge3A_195 = arith.constant 3.200000e+02 : f32
    %ge3A_196 = vector.broadcast %ge3A_195 : f32 to vector<8x1xf32>
    %ge3A_197 = arith.cmpf oge, %broadcast_in_dim3A_194, %ge3A_196 : vector<8x1xf32>
    %select_n3A_198 = arith.select %ge3A_197, %or3A_187, %select_n3A_184 : vector<8x1xi1>, vector<8x1xi32>
    %or3A_199 = arith.constant 268435456 : i32
    %or3A_200 = vector.broadcast %or3A_199 : i32 to vector<8x1xi32>
    %or3A_201 = arith.ori %select_n3A_198, %or3A_200 : vector<8x1xi32>
    %ge3A_202 = vector.broadcast %or3A_201 : vector<8x1xi32> to vector<8x2048xi32>
    %ge3A_203 = arith.cmpi sge, %xor3A, %ge3A_202 : vector<8x2048xi32>
    %convert_element_type3A_204 = arith.extui %ge3A_203 : vector<8x2048xi1> to vector<8x2048xi32>
    %convert_element_type3A_205 = arith.sitofp %convert_element_type3A_204 : vector<8x2048xi32> to vector<8x2048xf32>
    %reduce_sum3A_206 = arith.constant dense<0.000000e+00> : vector<8xf32>
    %reduce_sum3A_207 = vector.multi_reduction <add>, %convert_element_type3A_205, %reduce_sum3A_206 [1] : vector<8x2048xf32> to vector<8xf32>
    %broadcast_in_dim3A_208 = vector.shape_cast %reduce_sum3A_207 : vector<8xf32> to vector<8x1xf32>
    %ge3A_209 = arith.constant 3.200000e+02 : f32
    %ge3A_210 = vector.broadcast %ge3A_209 : f32 to vector<8x1xf32>
    %ge3A_211 = arith.cmpf oge, %broadcast_in_dim3A_208, %ge3A_210 : vector<8x1xf32>
    %select_n3A_212 = arith.select %ge3A_211, %or3A_201, %select_n3A_198 : vector<8x1xi1>, vector<8x1xi32>
    %or3A_213 = arith.constant 134217728 : i32
    %or3A_214 = vector.broadcast %or3A_213 : i32 to vector<8x1xi32>
    %or3A_215 = arith.ori %select_n3A_212, %or3A_214 : vector<8x1xi32>
    %ge3A_216 = vector.broadcast %or3A_215 : vector<8x1xi32> to vector<8x2048xi32>
    %ge3A_217 = arith.cmpi sge, %xor3A, %ge3A_216 : vector<8x2048xi32>
    %convert_element_type3A_218 = arith.extui %ge3A_217 : vector<8x2048xi1> to vector<8x2048xi32>
    %convert_element_type3A_219 = arith.sitofp %convert_element_type3A_218 : vector<8x2048xi32> to vector<8x2048xf32>
    %reduce_sum3A_220 = arith.constant dense<0.000000e+00> : vector<8xf32>
    %reduce_sum3A_221 = vector.multi_reduction <add>, %convert_element_type3A_219, %reduce_sum3A_220 [1] : vector<8x2048xf32> to vector<8xf32>
    %broadcast_in_dim3A_222 = vector.shape_cast %reduce_sum3A_221 : vector<8xf32> to vector<8x1xf32>
    %ge3A_223 = arith.constant 3.200000e+02 : f32
    %ge3A_224 = vector.broadcast %ge3A_223 : f32 to vector<8x1xf32>
    %ge3A_225 = arith.cmpf oge, %broadcast_in_dim3A_222, %ge3A_224 : vector<8x1xf32>
    %select_n3A_226 = arith.select %ge3A_225, %or3A_215, %select_n3A_212 : vector<8x1xi1>, vector<8x1xi32>
    %or3A_227 = arith.constant 67108864 : i32
    %or3A_228 = vector.broadcast %or3A_227 : i32 to vector<8x1xi32>
    %or3A_229 = arith.ori %select_n3A_226, %or3A_228 : vector<8x1xi32>
    %ge3A_230 = vector.broadcast %or3A_229 : vector<8x1xi32> to vector<8x2048xi32>
    %ge3A_231 = arith.cmpi sge, %xor3A, %ge3A_230 : vector<8x2048xi32>
    %convert_element_type3A_232 = arith.extui %ge3A_231 : vector<8x2048xi1> to vector<8x2048xi32>
    %convert_element_type3A_233 = arith.sitofp %convert_element_type3A_232 : vector<8x2048xi32> to vector<8x2048xf32>
    %reduce_sum3A_234 = arith.constant dense<0.000000e+00> : vector<8xf32>
    %reduce_sum3A_235 = vector.multi_reduction <add>, %convert_element_type3A_233, %reduce_sum3A_234 [1] : vector<8x2048xf32> to vector<8xf32>
    %broadcast_in_dim3A_236 = vector.shape_cast %reduce_sum3A_235 : vector<8xf32> to vector<8x1xf32>
    %ge3A_237 = arith.constant 3.200000e+02 : f32
    %ge3A_238 = vector.broadcast %ge3A_237 : f32 to vector<8x1xf32>
    %ge3A_239 = arith.cmpf oge, %broadcast_in_dim3A_236, %ge3A_238 : vector<8x1xf32>
    %select_n3A_240 = arith.select %ge3A_239, %or3A_229, %select_n3A_226 : vector<8x1xi1>, vector<8x1xi32>
    %or3A_241 = arith.constant 33554432 : i32
    %or3A_242 = vector.broadcast %or3A_241 : i32 to vector<8x1xi32>
    %or3A_243 = arith.ori %select_n3A_240, %or3A_242 : vector<8x1xi32>
    %ge3A_244 = vector.broadcast %or3A_243 : vector<8x1xi32> to vector<8x2048xi32>
    %ge3A_245 = arith.cmpi sge, %xor3A, %ge3A_244 : vector<8x2048xi32>
    %convert_element_type3A_246 = arith.extui %ge3A_245 : vector<8x2048xi1> to vector<8x2048xi32>
    %convert_element_type3A_247 = arith.sitofp %convert_element_type3A_246 : vector<8x2048xi32> to vector<8x2048xf32>
    %reduce_sum3A_248 = arith.constant dense<0.000000e+00> : vector<8xf32>
    %reduce_sum3A_249 = vector.multi_reduction <add>, %convert_element_type3A_247, %reduce_sum3A_248 [1] : vector<8x2048xf32> to vector<8xf32>
    %broadcast_in_dim3A_250 = vector.shape_cast %reduce_sum3A_249 : vector<8xf32> to vector<8x1xf32>
    %ge3A_251 = arith.constant 3.200000e+02 : f32
    %ge3A_252 = vector.broadcast %ge3A_251 : f32 to vector<8x1xf32>
    %ge3A_253 = arith.cmpf oge, %broadcast_in_dim3A_250, %ge3A_252 : vector<8x1xf32>
    %select_n3A_254 = arith.select %ge3A_253, %or3A_243, %select_n3A_240 : vector<8x1xi1>, vector<8x1xi32>
    %or3A_255 = arith.constant 16777216 : i32
    %or3A_256 = vector.broadcast %or3A_255 : i32 to vector<8x1xi32>
    %or3A_257 = arith.ori %select_n3A_254, %or3A_256 : vector<8x1xi32>
    %ge3A_258 = vector.broadcast %or3A_257 : vector<8x1xi32> to vector<8x2048xi32>
    %ge3A_259 = arith.cmpi sge, %xor3A, %ge3A_258 : vector<8x2048xi32>
    %convert_element_type3A_260 = arith.extui %ge3A_259 : vector<8x2048xi1> to vector<8x2048xi32>
    %convert_element_type3A_261 = arith.sitofp %convert_element_type3A_260 : vector<8x2048xi32> to vector<8x2048xf32>
    %reduce_sum3A_262 = arith.constant dense<0.000000e+00> : vector<8xf32>
    %reduce_sum3A_263 = vector.multi_reduction <add>, %convert_element_type3A_261, %reduce_sum3A_262 [1] : vector<8x2048xf32> to vector<8xf32>
    %broadcast_in_dim3A_264 = vector.shape_cast %reduce_sum3A_263 : vector<8xf32> to vector<8x1xf32>
    %ge3A_265 = arith.constant 3.200000e+02 : f32
    %ge3A_266 = vector.broadcast %ge3A_265 : f32 to vector<8x1xf32>
    %ge3A_267 = arith.cmpf oge, %broadcast_in_dim3A_264, %ge3A_266 : vector<8x1xf32>
    %select_n3A_268 = arith.select %ge3A_267, %or3A_257, %select_n3A_254 : vector<8x1xi1>, vector<8x1xi32>
    %or3A_269 = arith.constant 8388608 : i32
    %or3A_270 = vector.broadcast %or3A_269 : i32 to vector<8x1xi32>
    %or3A_271 = arith.ori %select_n3A_268, %or3A_270 : vector<8x1xi32>
    %ge3A_272 = vector.broadcast %or3A_271 : vector<8x1xi32> to vector<8x2048xi32>
    %ge3A_273 = arith.cmpi sge, %xor3A, %ge3A_272 : vector<8x2048xi32>
    %convert_element_type3A_274 = arith.extui %ge3A_273 : vector<8x2048xi1> to vector<8x2048xi32>
    %convert_element_type3A_275 = arith.sitofp %convert_element_type3A_274 : vector<8x2048xi32> to vector<8x2048xf32>
    %reduce_sum3A_276 = arith.constant dense<0.000000e+00> : vector<8xf32>
    %reduce_sum3A_277 = vector.multi_reduction <add>, %convert_element_type3A_275, %reduce_sum3A_276 [1] : vector<8x2048xf32> to vector<8xf32>
    %broadcast_in_dim3A_278 = vector.shape_cast %reduce_sum3A_277 : vector<8xf32> to vector<8x1xf32>
    %ge3A_279 = arith.constant 3.200000e+02 : f32
    %ge3A_280 = vector.broadcast %ge3A_279 : f32 to vector<8x1xf32>
    %ge3A_281 = arith.cmpf oge, %broadcast_in_dim3A_278, %ge3A_280 : vector<8x1xf32>
    %select_n3A_282 = arith.select %ge3A_281, %or3A_271, %select_n3A_268 : vector<8x1xi1>, vector<8x1xi32>
    %or3A_283 = arith.constant 4194304 : i32
    %or3A_284 = vector.broadcast %or3A_283 : i32 to vector<8x1xi32>
    %or3A_285 = arith.ori %select_n3A_282, %or3A_284 : vector<8x1xi32>
    %ge3A_286 = vector.broadcast %or3A_285 : vector<8x1xi32> to vector<8x2048xi32>
    %ge3A_287 = arith.cmpi sge, %xor3A, %ge3A_286 : vector<8x2048xi32>
    %convert_element_type3A_288 = arith.extui %ge3A_287 : vector<8x2048xi1> to vector<8x2048xi32>
    %convert_element_type3A_289 = arith.sitofp %convert_element_type3A_288 : vector<8x2048xi32> to vector<8x2048xf32>
    %reduce_sum3A_290 = arith.constant dense<0.000000e+00> : vector<8xf32>
    %reduce_sum3A_291 = vector.multi_reduction <add>, %convert_element_type3A_289, %reduce_sum3A_290 [1] : vector<8x2048xf32> to vector<8xf32>
    %broadcast_in_dim3A_292 = vector.shape_cast %reduce_sum3A_291 : vector<8xf32> to vector<8x1xf32>
    %ge3A_293 = arith.constant 3.200000e+02 : f32
    %ge3A_294 = vector.broadcast %ge3A_293 : f32 to vector<8x1xf32>
    %ge3A_295 = arith.cmpf oge, %broadcast_in_dim3A_292, %ge3A_294 : vector<8x1xf32>
    %select_n3A_296 = arith.select %ge3A_295, %or3A_285, %select_n3A_282 : vector<8x1xi1>, vector<8x1xi32>
    %or3A_297 = arith.constant 2097152 : i32
    %or3A_298 = vector.broadcast %or3A_297 : i32 to vector<8x1xi32>
    %or3A_299 = arith.ori %select_n3A_296, %or3A_298 : vector<8x1xi32>
    %ge3A_300 = vector.broadcast %or3A_299 : vector<8x1xi32> to vector<8x2048xi32>
    %ge3A_301 = arith.cmpi sge, %xor3A, %ge3A_300 : vector<8x2048xi32>
    %convert_element_type3A_302 = arith.extui %ge3A_301 : vector<8x2048xi1> to vector<8x2048xi32>
    %convert_element_type3A_303 = arith.sitofp %convert_element_type3A_302 : vector<8x2048xi32> to vector<8x2048xf32>
    %reduce_sum3A_304 = arith.constant dense<0.000000e+00> : vector<8xf32>
    %reduce_sum3A_305 = vector.multi_reduction <add>, %convert_element_type3A_303, %reduce_sum3A_304 [1] : vector<8x2048xf32> to vector<8xf32>
    %broadcast_in_dim3A_306 = vector.shape_cast %reduce_sum3A_305 : vector<8xf32> to vector<8x1xf32>
    %ge3A_307 = arith.constant 3.200000e+02 : f32
    %ge3A_308 = vector.broadcast %ge3A_307 : f32 to vector<8x1xf32>
    %ge3A_309 = arith.cmpf oge, %broadcast_in_dim3A_306, %ge3A_308 : vector<8x1xf32>
    %select_n3A_310 = arith.select %ge3A_309, %or3A_299, %select_n3A_296 : vector<8x1xi1>, vector<8x1xi32>
    %or3A_311 = arith.constant 1048576 : i32
    %or3A_312 = vector.broadcast %or3A_311 : i32 to vector<8x1xi32>
    %or3A_313 = arith.ori %select_n3A_310, %or3A_312 : vector<8x1xi32>
    %ge3A_314 = vector.broadcast %or3A_313 : vector<8x1xi32> to vector<8x2048xi32>
    %ge3A_315 = arith.cmpi sge, %xor3A, %ge3A_314 : vector<8x2048xi32>
    %convert_element_type3A_316 = arith.extui %ge3A_315 : vector<8x2048xi1> to vector<8x2048xi32>
    %convert_element_type3A_317 = arith.sitofp %convert_element_type3A_316 : vector<8x2048xi32> to vector<8x2048xf32>
    %reduce_sum3A_318 = arith.constant dense<0.000000e+00> : vector<8xf32>
    %reduce_sum3A_319 = vector.multi_reduction <add>, %convert_element_type3A_317, %reduce_sum3A_318 [1] : vector<8x2048xf32> to vector<8xf32>
    %broadcast_in_dim3A_320 = vector.shape_cast %reduce_sum3A_319 : vector<8xf32> to vector<8x1xf32>
    %ge3A_321 = arith.constant 3.200000e+02 : f32
    %ge3A_322 = vector.broadcast %ge3A_321 : f32 to vector<8x1xf32>
    %ge3A_323 = arith.cmpf oge, %broadcast_in_dim3A_320, %ge3A_322 : vector<8x1xf32>
    %select_n3A_324 = arith.select %ge3A_323, %or3A_313, %select_n3A_310 : vector<8x1xi1>, vector<8x1xi32>
    %or3A_325 = arith.constant 524288 : i32
    %or3A_326 = vector.broadcast %or3A_325 : i32 to vector<8x1xi32>
    %or3A_327 = arith.ori %select_n3A_324, %or3A_326 : vector<8x1xi32>
    %ge3A_328 = vector.broadcast %or3A_327 : vector<8x1xi32> to vector<8x2048xi32>
    %ge3A_329 = arith.cmpi sge, %xor3A, %ge3A_328 : vector<8x2048xi32>
    %convert_element_type3A_330 = arith.extui %ge3A_329 : vector<8x2048xi1> to vector<8x2048xi32>
    %convert_element_type3A_331 = arith.sitofp %convert_element_type3A_330 : vector<8x2048xi32> to vector<8x2048xf32>
    %reduce_sum3A_332 = arith.constant dense<0.000000e+00> : vector<8xf32>
    %reduce_sum3A_333 = vector.multi_reduction <add>, %convert_element_type3A_331, %reduce_sum3A_332 [1] : vector<8x2048xf32> to vector<8xf32>
    %broadcast_in_dim3A_334 = vector.shape_cast %reduce_sum3A_333 : vector<8xf32> to vector<8x1xf32>
    %ge3A_335 = arith.constant 3.200000e+02 : f32
    %ge3A_336 = vector.broadcast %ge3A_335 : f32 to vector<8x1xf32>
    %ge3A_337 = arith.cmpf oge, %broadcast_in_dim3A_334, %ge3A_336 : vector<8x1xf32>
    %select_n3A_338 = arith.select %ge3A_337, %or3A_327, %select_n3A_324 : vector<8x1xi1>, vector<8x1xi32>
    %or3A_339 = arith.constant 262144 : i32
    %or3A_340 = vector.broadcast %or3A_339 : i32 to vector<8x1xi32>
    %or3A_341 = arith.ori %select_n3A_338, %or3A_340 : vector<8x1xi32>
    %ge3A_342 = vector.broadcast %or3A_341 : vector<8x1xi32> to vector<8x2048xi32>
    %ge3A_343 = arith.cmpi sge, %xor3A, %ge3A_342 : vector<8x2048xi32>
    %convert_element_type3A_344 = arith.extui %ge3A_343 : vector<8x2048xi1> to vector<8x2048xi32>
    %convert_element_type3A_345 = arith.sitofp %convert_element_type3A_344 : vector<8x2048xi32> to vector<8x2048xf32>
    %reduce_sum3A_346 = arith.constant dense<0.000000e+00> : vector<8xf32>
    %reduce_sum3A_347 = vector.multi_reduction <add>, %convert_element_type3A_345, %reduce_sum3A_346 [1] : vector<8x2048xf32> to vector<8xf32>
    %broadcast_in_dim3A_348 = vector.shape_cast %reduce_sum3A_347 : vector<8xf32> to vector<8x1xf32>
    %ge3A_349 = arith.constant 3.200000e+02 : f32
    %ge3A_350 = vector.broadcast %ge3A_349 : f32 to vector<8x1xf32>
    %ge3A_351 = arith.cmpf oge, %broadcast_in_dim3A_348, %ge3A_350 : vector<8x1xf32>
    %select_n3A_352 = arith.select %ge3A_351, %or3A_341, %select_n3A_338 : vector<8x1xi1>, vector<8x1xi32>
    %or3A_353 = arith.constant 131072 : i32
    %or3A_354 = vector.broadcast %or3A_353 : i32 to vector<8x1xi32>
    %or3A_355 = arith.ori %select_n3A_352, %or3A_354 : vector<8x1xi32>
    %ge3A_356 = vector.broadcast %or3A_355 : vector<8x1xi32> to vector<8x2048xi32>
    %ge3A_357 = arith.cmpi sge, %xor3A, %ge3A_356 : vector<8x2048xi32>
    %convert_element_type3A_358 = arith.extui %ge3A_357 : vector<8x2048xi1> to vector<8x2048xi32>
    %convert_element_type3A_359 = arith.sitofp %convert_element_type3A_358 : vector<8x2048xi32> to vector<8x2048xf32>
    %reduce_sum3A_360 = arith.constant dense<0.000000e+00> : vector<8xf32>
    %reduce_sum3A_361 = vector.multi_reduction <add>, %convert_element_type3A_359, %reduce_sum3A_360 [1] : vector<8x2048xf32> to vector<8xf32>
    %broadcast_in_dim3A_362 = vector.shape_cast %reduce_sum3A_361 : vector<8xf32> to vector<8x1xf32>
    %ge3A_363 = arith.constant 3.200000e+02 : f32
    %ge3A_364 = vector.broadcast %ge3A_363 : f32 to vector<8x1xf32>
    %ge3A_365 = arith.cmpf oge, %broadcast_in_dim3A_362, %ge3A_364 : vector<8x1xf32>
    %select_n3A_366 = arith.select %ge3A_365, %or3A_355, %select_n3A_352 : vector<8x1xi1>, vector<8x1xi32>
    %or3A_367 = arith.constant 65536 : i32
    %or3A_368 = vector.broadcast %or3A_367 : i32 to vector<8x1xi32>
    %or3A_369 = arith.ori %select_n3A_366, %or3A_368 : vector<8x1xi32>
    %ge3A_370 = vector.broadcast %or3A_369 : vector<8x1xi32> to vector<8x2048xi32>
    %ge3A_371 = arith.cmpi sge, %xor3A, %ge3A_370 : vector<8x2048xi32>
    %convert_element_type3A_372 = arith.extui %ge3A_371 : vector<8x2048xi1> to vector<8x2048xi32>
    %convert_element_type3A_373 = arith.sitofp %convert_element_type3A_372 : vector<8x2048xi32> to vector<8x2048xf32>
    %reduce_sum3A_374 = arith.constant dense<0.000000e+00> : vector<8xf32>
    %reduce_sum3A_375 = vector.multi_reduction <add>, %convert_element_type3A_373, %reduce_sum3A_374 [1] : vector<8x2048xf32> to vector<8xf32>
    %broadcast_in_dim3A_376 = vector.shape_cast %reduce_sum3A_375 : vector<8xf32> to vector<8x1xf32>
    %ge3A_377 = arith.constant 3.200000e+02 : f32
    %ge3A_378 = vector.broadcast %ge3A_377 : f32 to vector<8x1xf32>
    %ge3A_379 = arith.cmpf oge, %broadcast_in_dim3A_376, %ge3A_378 : vector<8x1xf32>
    %select_n3A_380 = arith.select %ge3A_379, %or3A_369, %select_n3A_366 : vector<8x1xi1>, vector<8x1xi32>
    %or3A_381 = arith.constant 32768 : i32
    %or3A_382 = vector.broadcast %or3A_381 : i32 to vector<8x1xi32>
    %or3A_383 = arith.ori %select_n3A_380, %or3A_382 : vector<8x1xi32>
    %ge3A_384 = vector.broadcast %or3A_383 : vector<8x1xi32> to vector<8x2048xi32>
    %ge3A_385 = arith.cmpi sge, %xor3A, %ge3A_384 : vector<8x2048xi32>
    %convert_element_type3A_386 = arith.extui %ge3A_385 : vector<8x2048xi1> to vector<8x2048xi32>
    %convert_element_type3A_387 = arith.sitofp %convert_element_type3A_386 : vector<8x2048xi32> to vector<8x2048xf32>
    %reduce_sum3A_388 = arith.constant dense<0.000000e+00> : vector<8xf32>
    %reduce_sum3A_389 = vector.multi_reduction <add>, %convert_element_type3A_387, %reduce_sum3A_388 [1] : vector<8x2048xf32> to vector<8xf32>
    %broadcast_in_dim3A_390 = vector.shape_cast %reduce_sum3A_389 : vector<8xf32> to vector<8x1xf32>
    %ge3A_391 = arith.constant 3.200000e+02 : f32
    %ge3A_392 = vector.broadcast %ge3A_391 : f32 to vector<8x1xf32>
    %ge3A_393 = arith.cmpf oge, %broadcast_in_dim3A_390, %ge3A_392 : vector<8x1xf32>
    %select_n3A_394 = arith.select %ge3A_393, %or3A_383, %select_n3A_380 : vector<8x1xi1>, vector<8x1xi32>
    %or3A_395 = arith.constant 16384 : i32
    %or3A_396 = vector.broadcast %or3A_395 : i32 to vector<8x1xi32>
    %or3A_397 = arith.ori %select_n3A_394, %or3A_396 : vector<8x1xi32>
    %ge3A_398 = vector.broadcast %or3A_397 : vector<8x1xi32> to vector<8x2048xi32>
    %ge3A_399 = arith.cmpi sge, %xor3A, %ge3A_398 : vector<8x2048xi32>
    %convert_element_type3A_400 = arith.extui %ge3A_399 : vector<8x2048xi1> to vector<8x2048xi32>
    %convert_element_type3A_401 = arith.sitofp %convert_element_type3A_400 : vector<8x2048xi32> to vector<8x2048xf32>
    %reduce_sum3A_402 = arith.constant dense<0.000000e+00> : vector<8xf32>
    %reduce_sum3A_403 = vector.multi_reduction <add>, %convert_element_type3A_401, %reduce_sum3A_402 [1] : vector<8x2048xf32> to vector<8xf32>
    %broadcast_in_dim3A_404 = vector.shape_cast %reduce_sum3A_403 : vector<8xf32> to vector<8x1xf32>
    %ge3A_405 = arith.constant 3.200000e+02 : f32
    %ge3A_406 = vector.broadcast %ge3A_405 : f32 to vector<8x1xf32>
    %ge3A_407 = arith.cmpf oge, %broadcast_in_dim3A_404, %ge3A_406 : vector<8x1xf32>
    %select_n3A_408 = arith.select %ge3A_407, %or3A_397, %select_n3A_394 : vector<8x1xi1>, vector<8x1xi32>
    %or3A_409 = arith.constant 8192 : i32
    %or3A_410 = vector.broadcast %or3A_409 : i32 to vector<8x1xi32>
    %or3A_411 = arith.ori %select_n3A_408, %or3A_410 : vector<8x1xi32>
    %ge3A_412 = vector.broadcast %or3A_411 : vector<8x1xi32> to vector<8x2048xi32>
    %ge3A_413 = arith.cmpi sge, %xor3A, %ge3A_412 : vector<8x2048xi32>
    %convert_element_type3A_414 = arith.extui %ge3A_413 : vector<8x2048xi1> to vector<8x2048xi32>
    %convert_element_type3A_415 = arith.sitofp %convert_element_type3A_414 : vector<8x2048xi32> to vector<8x2048xf32>
    %reduce_sum3A_416 = arith.constant dense<0.000000e+00> : vector<8xf32>
    %reduce_sum3A_417 = vector.multi_reduction <add>, %convert_element_type3A_415, %reduce_sum3A_416 [1] : vector<8x2048xf32> to vector<8xf32>
    %broadcast_in_dim3A_418 = vector.shape_cast %reduce_sum3A_417 : vector<8xf32> to vector<8x1xf32>
    %ge3A_419 = arith.constant 3.200000e+02 : f32
    %ge3A_420 = vector.broadcast %ge3A_419 : f32 to vector<8x1xf32>
    %ge3A_421 = arith.cmpf oge, %broadcast_in_dim3A_418, %ge3A_420 : vector<8x1xf32>
    %select_n3A_422 = arith.select %ge3A_421, %or3A_411, %select_n3A_408 : vector<8x1xi1>, vector<8x1xi32>
    %or3A_423 = arith.constant 4096 : i32
    %or3A_424 = vector.broadcast %or3A_423 : i32 to vector<8x1xi32>
    %or3A_425 = arith.ori %select_n3A_422, %or3A_424 : vector<8x1xi32>
    %ge3A_426 = vector.broadcast %or3A_425 : vector<8x1xi32> to vector<8x2048xi32>
    %ge3A_427 = arith.cmpi sge, %xor3A, %ge3A_426 : vector<8x2048xi32>
    %convert_element_type3A_428 = arith.extui %ge3A_427 : vector<8x2048xi1> to vector<8x2048xi32>
    %convert_element_type3A_429 = arith.sitofp %convert_element_type3A_428 : vector<8x2048xi32> to vector<8x2048xf32>
    %reduce_sum3A_430 = arith.constant dense<0.000000e+00> : vector<8xf32>
    %reduce_sum3A_431 = vector.multi_reduction <add>, %convert_element_type3A_429, %reduce_sum3A_430 [1] : vector<8x2048xf32> to vector<8xf32>
    %broadcast_in_dim3A_432 = vector.shape_cast %reduce_sum3A_431 : vector<8xf32> to vector<8x1xf32>
    %ge3A_433 = arith.constant 3.200000e+02 : f32
    %ge3A_434 = vector.broadcast %ge3A_433 : f32 to vector<8x1xf32>
    %ge3A_435 = arith.cmpf oge, %broadcast_in_dim3A_432, %ge3A_434 : vector<8x1xf32>
    %select_n3A_436 = arith.select %ge3A_435, %or3A_425, %select_n3A_422 : vector<8x1xi1>, vector<8x1xi32>
    %or3A_437 = arith.constant 2048 : i32
    %or3A_438 = vector.broadcast %or3A_437 : i32 to vector<8x1xi32>
    %or3A_439 = arith.ori %select_n3A_436, %or3A_438 : vector<8x1xi32>
    %ge3A_440 = vector.broadcast %or3A_439 : vector<8x1xi32> to vector<8x2048xi32>
    %ge3A_441 = arith.cmpi sge, %xor3A, %ge3A_440 : vector<8x2048xi32>
    %convert_element_type3A_442 = arith.extui %ge3A_441 : vector<8x2048xi1> to vector<8x2048xi32>
    %convert_element_type3A_443 = arith.sitofp %convert_element_type3A_442 : vector<8x2048xi32> to vector<8x2048xf32>
    %reduce_sum3A_444 = arith.constant dense<0.000000e+00> : vector<8xf32>
    %reduce_sum3A_445 = vector.multi_reduction <add>, %convert_element_type3A_443, %reduce_sum3A_444 [1] : vector<8x2048xf32> to vector<8xf32>
    %broadcast_in_dim3A_446 = vector.shape_cast %reduce_sum3A_445 : vector<8xf32> to vector<8x1xf32>
    %ge3A_447 = arith.constant 3.200000e+02 : f32
    %ge3A_448 = vector.broadcast %ge3A_447 : f32 to vector<8x1xf32>
    %ge3A_449 = arith.cmpf oge, %broadcast_in_dim3A_446, %ge3A_448 : vector<8x1xf32>
    %select_n3A_450 = arith.select %ge3A_449, %or3A_439, %select_n3A_436 : vector<8x1xi1>, vector<8x1xi32>
    %or3A_451 = arith.constant 1024 : i32
    %or3A_452 = vector.broadcast %or3A_451 : i32 to vector<8x1xi32>
    %or3A_453 = arith.ori %select_n3A_450, %or3A_452 : vector<8x1xi32>
    %ge3A_454 = vector.broadcast %or3A_453 : vector<8x1xi32> to vector<8x2048xi32>
    %ge3A_455 = arith.cmpi sge, %xor3A, %ge3A_454 : vector<8x2048xi32>
    %convert_element_type3A_456 = arith.extui %ge3A_455 : vector<8x2048xi1> to vector<8x2048xi32>
    %convert_element_type3A_457 = arith.sitofp %convert_element_type3A_456 : vector<8x2048xi32> to vector<8x2048xf32>
    %reduce_sum3A_458 = arith.constant dense<0.000000e+00> : vector<8xf32>
    %reduce_sum3A_459 = vector.multi_reduction <add>, %convert_element_type3A_457, %reduce_sum3A_458 [1] : vector<8x2048xf32> to vector<8xf32>
    %broadcast_in_dim3A_460 = vector.shape_cast %reduce_sum3A_459 : vector<8xf32> to vector<8x1xf32>
    %ge3A_461 = arith.constant 3.200000e+02 : f32
    %ge3A_462 = vector.broadcast %ge3A_461 : f32 to vector<8x1xf32>
    %ge3A_463 = arith.cmpf oge, %broadcast_in_dim3A_460, %ge3A_462 : vector<8x1xf32>
    %select_n3A_464 = arith.select %ge3A_463, %or3A_453, %select_n3A_450 : vector<8x1xi1>, vector<8x1xi32>
    %or3A_465 = arith.constant 512 : i32
    %or3A_466 = vector.broadcast %or3A_465 : i32 to vector<8x1xi32>
    %or3A_467 = arith.ori %select_n3A_464, %or3A_466 : vector<8x1xi32>
    %ge3A_468 = vector.broadcast %or3A_467 : vector<8x1xi32> to vector<8x2048xi32>
    %ge3A_469 = arith.cmpi sge, %xor3A, %ge3A_468 : vector<8x2048xi32>
    %convert_element_type3A_470 = arith.extui %ge3A_469 : vector<8x2048xi1> to vector<8x2048xi32>
    %convert_element_type3A_471 = arith.sitofp %convert_element_type3A_470 : vector<8x2048xi32> to vector<8x2048xf32>
    %reduce_sum3A_472 = arith.constant dense<0.000000e+00> : vector<8xf32>
    %reduce_sum3A_473 = vector.multi_reduction <add>, %convert_element_type3A_471, %reduce_sum3A_472 [1] : vector<8x2048xf32> to vector<8xf32>
    %broadcast_in_dim3A_474 = vector.shape_cast %reduce_sum3A_473 : vector<8xf32> to vector<8x1xf32>
    %ge3A_475 = arith.constant 3.200000e+02 : f32
    %ge3A_476 = vector.broadcast %ge3A_475 : f32 to vector<8x1xf32>
    %ge3A_477 = arith.cmpf oge, %broadcast_in_dim3A_474, %ge3A_476 : vector<8x1xf32>
    %select_n3A_478 = arith.select %ge3A_477, %or3A_467, %select_n3A_464 : vector<8x1xi1>, vector<8x1xi32>
    %or3A_479 = arith.constant 256 : i32
    %or3A_480 = vector.broadcast %or3A_479 : i32 to vector<8x1xi32>
    %or3A_481 = arith.ori %select_n3A_478, %or3A_480 : vector<8x1xi32>
    %ge3A_482 = vector.broadcast %or3A_481 : vector<8x1xi32> to vector<8x2048xi32>
    %ge3A_483 = arith.cmpi sge, %xor3A, %ge3A_482 : vector<8x2048xi32>
    %convert_element_type3A_484 = arith.extui %ge3A_483 : vector<8x2048xi1> to vector<8x2048xi32>
    %convert_element_type3A_485 = arith.sitofp %convert_element_type3A_484 : vector<8x2048xi32> to vector<8x2048xf32>
    %reduce_sum3A_486 = arith.constant dense<0.000000e+00> : vector<8xf32>
    %reduce_sum3A_487 = vector.multi_reduction <add>, %convert_element_type3A_485, %reduce_sum3A_486 [1] : vector<8x2048xf32> to vector<8xf32>
    %broadcast_in_dim3A_488 = vector.shape_cast %reduce_sum3A_487 : vector<8xf32> to vector<8x1xf32>
    %ge3A_489 = arith.constant 3.200000e+02 : f32
    %ge3A_490 = vector.broadcast %ge3A_489 : f32 to vector<8x1xf32>
    %ge3A_491 = arith.cmpf oge, %broadcast_in_dim3A_488, %ge3A_490 : vector<8x1xf32>
    %select_n3A_492 = arith.select %ge3A_491, %or3A_481, %select_n3A_478 : vector<8x1xi1>, vector<8x1xi32>
    %or3A_493 = arith.constant 128 : i32
    %or3A_494 = vector.broadcast %or3A_493 : i32 to vector<8x1xi32>
    %or3A_495 = arith.ori %select_n3A_492, %or3A_494 : vector<8x1xi32>
    %ge3A_496 = vector.broadcast %or3A_495 : vector<8x1xi32> to vector<8x2048xi32>
    %ge3A_497 = arith.cmpi sge, %xor3A, %ge3A_496 : vector<8x2048xi32>
    %convert_element_type3A_498 = arith.extui %ge3A_497 : vector<8x2048xi1> to vector<8x2048xi32>
    %convert_element_type3A_499 = arith.sitofp %convert_element_type3A_498 : vector<8x2048xi32> to vector<8x2048xf32>
    %reduce_sum3A_500 = arith.constant dense<0.000000e+00> : vector<8xf32>
    %reduce_sum3A_501 = vector.multi_reduction <add>, %convert_element_type3A_499, %reduce_sum3A_500 [1] : vector<8x2048xf32> to vector<8xf32>
    %broadcast_in_dim3A_502 = vector.shape_cast %reduce_sum3A_501 : vector<8xf32> to vector<8x1xf32>
    %ge3A_503 = arith.constant 3.200000e+02 : f32
    %ge3A_504 = vector.broadcast %ge3A_503 : f32 to vector<8x1xf32>
    %ge3A_505 = arith.cmpf oge, %broadcast_in_dim3A_502, %ge3A_504 : vector<8x1xf32>
    %select_n3A_506 = arith.select %ge3A_505, %or3A_495, %select_n3A_492 : vector<8x1xi1>, vector<8x1xi32>
    %or3A_507 = arith.constant 64 : i32
    %or3A_508 = vector.broadcast %or3A_507 : i32 to vector<8x1xi32>
    %or3A_509 = arith.ori %select_n3A_506, %or3A_508 : vector<8x1xi32>
    %ge3A_510 = vector.broadcast %or3A_509 : vector<8x1xi32> to vector<8x2048xi32>
    %ge3A_511 = arith.cmpi sge, %xor3A, %ge3A_510 : vector<8x2048xi32>
    %convert_element_type3A_512 = arith.extui %ge3A_511 : vector<8x2048xi1> to vector<8x2048xi32>
    %convert_element_type3A_513 = arith.sitofp %convert_element_type3A_512 : vector<8x2048xi32> to vector<8x2048xf32>
    %reduce_sum3A_514 = arith.constant dense<0.000000e+00> : vector<8xf32>
    %reduce_sum3A_515 = vector.multi_reduction <add>, %convert_element_type3A_513, %reduce_sum3A_514 [1] : vector<8x2048xf32> to vector<8xf32>
    %broadcast_in_dim3A_516 = vector.shape_cast %reduce_sum3A_515 : vector<8xf32> to vector<8x1xf32>
    %ge3A_517 = arith.constant 3.200000e+02 : f32
    %ge3A_518 = vector.broadcast %ge3A_517 : f32 to vector<8x1xf32>
    %ge3A_519 = arith.cmpf oge, %broadcast_in_dim3A_516, %ge3A_518 : vector<8x1xf32>
    %select_n3A_520 = arith.select %ge3A_519, %or3A_509, %select_n3A_506 : vector<8x1xi1>, vector<8x1xi32>
    %or3A_521 = arith.constant 32 : i32
    %or3A_522 = vector.broadcast %or3A_521 : i32 to vector<8x1xi32>
    %or3A_523 = arith.ori %select_n3A_520, %or3A_522 : vector<8x1xi32>
    %ge3A_524 = vector.broadcast %or3A_523 : vector<8x1xi32> to vector<8x2048xi32>
    %ge3A_525 = arith.cmpi sge, %xor3A, %ge3A_524 : vector<8x2048xi32>
    %convert_element_type3A_526 = arith.extui %ge3A_525 : vector<8x2048xi1> to vector<8x2048xi32>
    %convert_element_type3A_527 = arith.sitofp %convert_element_type3A_526 : vector<8x2048xi32> to vector<8x2048xf32>
    %reduce_sum3A_528 = arith.constant dense<0.000000e+00> : vector<8xf32>
    %reduce_sum3A_529 = vector.multi_reduction <add>, %convert_element_type3A_527, %reduce_sum3A_528 [1] : vector<8x2048xf32> to vector<8xf32>
    %broadcast_in_dim3A_530 = vector.shape_cast %reduce_sum3A_529 : vector<8xf32> to vector<8x1xf32>
    %ge3A_531 = arith.constant 3.200000e+02 : f32
    %ge3A_532 = vector.broadcast %ge3A_531 : f32 to vector<8x1xf32>
    %ge3A_533 = arith.cmpf oge, %broadcast_in_dim3A_530, %ge3A_532 : vector<8x1xf32>
    %select_n3A_534 = arith.select %ge3A_533, %or3A_523, %select_n3A_520 : vector<8x1xi1>, vector<8x1xi32>
    %or3A_535 = arith.constant 16 : i32
    %or3A_536 = vector.broadcast %or3A_535 : i32 to vector<8x1xi32>
    %or3A_537 = arith.ori %select_n3A_534, %or3A_536 : vector<8x1xi32>
    %ge3A_538 = vector.broadcast %or3A_537 : vector<8x1xi32> to vector<8x2048xi32>
    %ge3A_539 = arith.cmpi sge, %xor3A, %ge3A_538 : vector<8x2048xi32>
    %convert_element_type3A_540 = arith.extui %ge3A_539 : vector<8x2048xi1> to vector<8x2048xi32>
    %convert_element_type3A_541 = arith.sitofp %convert_element_type3A_540 : vector<8x2048xi32> to vector<8x2048xf32>
    %reduce_sum3A_542 = arith.constant dense<0.000000e+00> : vector<8xf32>
    %reduce_sum3A_543 = vector.multi_reduction <add>, %convert_element_type3A_541, %reduce_sum3A_542 [1] : vector<8x2048xf32> to vector<8xf32>
    %broadcast_in_dim3A_544 = vector.shape_cast %reduce_sum3A_543 : vector<8xf32> to vector<8x1xf32>
    %ge3A_545 = arith.constant 3.200000e+02 : f32
    %ge3A_546 = vector.broadcast %ge3A_545 : f32 to vector<8x1xf32>
    %ge3A_547 = arith.cmpf oge, %broadcast_in_dim3A_544, %ge3A_546 : vector<8x1xf32>
    %select_n3A_548 = arith.select %ge3A_547, %or3A_537, %select_n3A_534 : vector<8x1xi1>, vector<8x1xi32>
    %or3A_549 = arith.constant 8 : i32
    %or3A_550 = vector.broadcast %or3A_549 : i32 to vector<8x1xi32>
    %or3A_551 = arith.ori %select_n3A_548, %or3A_550 : vector<8x1xi32>
    %ge3A_552 = vector.broadcast %or3A_551 : vector<8x1xi32> to vector<8x2048xi32>
    %ge3A_553 = arith.cmpi sge, %xor3A, %ge3A_552 : vector<8x2048xi32>
    %convert_element_type3A_554 = arith.extui %ge3A_553 : vector<8x2048xi1> to vector<8x2048xi32>
    %convert_element_type3A_555 = arith.sitofp %convert_element_type3A_554 : vector<8x2048xi32> to vector<8x2048xf32>
    %reduce_sum3A_556 = arith.constant dense<0.000000e+00> : vector<8xf32>
    %reduce_sum3A_557 = vector.multi_reduction <add>, %convert_element_type3A_555, %reduce_sum3A_556 [1] : vector<8x2048xf32> to vector<8xf32>
    %broadcast_in_dim3A_558 = vector.shape_cast %reduce_sum3A_557 : vector<8xf32> to vector<8x1xf32>
    %ge3A_559 = arith.constant 3.200000e+02 : f32
    %ge3A_560 = vector.broadcast %ge3A_559 : f32 to vector<8x1xf32>
    %ge3A_561 = arith.cmpf oge, %broadcast_in_dim3A_558, %ge3A_560 : vector<8x1xf32>
    %select_n3A_562 = arith.select %ge3A_561, %or3A_551, %select_n3A_548 : vector<8x1xi1>, vector<8x1xi32>
    %or3A_563 = arith.constant 4 : i32
    %or3A_564 = vector.broadcast %or3A_563 : i32 to vector<8x1xi32>
    %or3A_565 = arith.ori %select_n3A_562, %or3A_564 : vector<8x1xi32>
    %ge3A_566 = vector.broadcast %or3A_565 : vector<8x1xi32> to vector<8x2048xi32>
    %ge3A_567 = arith.cmpi sge, %xor3A, %ge3A_566 : vector<8x2048xi32>
    %convert_element_type3A_568 = arith.extui %ge3A_567 : vector<8x2048xi1> to vector<8x2048xi32>
    %convert_element_type3A_569 = arith.sitofp %convert_element_type3A_568 : vector<8x2048xi32> to vector<8x2048xf32>
    %reduce_sum3A_570 = arith.constant dense<0.000000e+00> : vector<8xf32>
    %reduce_sum3A_571 = vector.multi_reduction <add>, %convert_element_type3A_569, %reduce_sum3A_570 [1] : vector<8x2048xf32> to vector<8xf32>
    %broadcast_in_dim3A_572 = vector.shape_cast %reduce_sum3A_571 : vector<8xf32> to vector<8x1xf32>
    %ge3A_573 = arith.constant 3.200000e+02 : f32
    %ge3A_574 = vector.broadcast %ge3A_573 : f32 to vector<8x1xf32>
    %ge3A_575 = arith.cmpf oge, %broadcast_in_dim3A_572, %ge3A_574 : vector<8x1xf32>
    %select_n3A_576 = arith.select %ge3A_575, %or3A_565, %select_n3A_562 : vector<8x1xi1>, vector<8x1xi32>
    %or3A_577 = arith.constant 2 : i32
    %or3A_578 = vector.broadcast %or3A_577 : i32 to vector<8x1xi32>
    %or3A_579 = arith.ori %select_n3A_576, %or3A_578 : vector<8x1xi32>
    %ge3A_580 = vector.broadcast %or3A_579 : vector<8x1xi32> to vector<8x2048xi32>
    %ge3A_581 = arith.cmpi sge, %xor3A, %ge3A_580 : vector<8x2048xi32>
    %convert_element_type3A_582 = arith.extui %ge3A_581 : vector<8x2048xi1> to vector<8x2048xi32>
    %convert_element_type3A_583 = arith.sitofp %convert_element_type3A_582 : vector<8x2048xi32> to vector<8x2048xf32>
    %reduce_sum3A_584 = arith.constant dense<0.000000e+00> : vector<8xf32>
    %reduce_sum3A_585 = vector.multi_reduction <add>, %convert_element_type3A_583, %reduce_sum3A_584 [1] : vector<8x2048xf32> to vector<8xf32>
    %broadcast_in_dim3A_586 = vector.shape_cast %reduce_sum3A_585 : vector<8xf32> to vector<8x1xf32>
    %ge3A_587 = arith.constant 3.200000e+02 : f32
    %ge3A_588 = vector.broadcast %ge3A_587 : f32 to vector<8x1xf32>
    %ge3A_589 = arith.cmpf oge, %broadcast_in_dim3A_586, %ge3A_588 : vector<8x1xf32>
    %select_n3A_590 = arith.select %ge3A_589, %or3A_579, %select_n3A_576 : vector<8x1xi1>, vector<8x1xi32>
    %or3A_591 = arith.constant 1 : i32
    %or3A_592 = vector.broadcast %or3A_591 : i32 to vector<8x1xi32>
    %or3A_593 = arith.ori %select_n3A_590, %or3A_592 : vector<8x1xi32>
    %ge3A_594 = vector.broadcast %or3A_593 : vector<8x1xi32> to vector<8x2048xi32>
    %ge3A_595 = arith.cmpi sge, %xor3A, %ge3A_594 : vector<8x2048xi32>
    %convert_element_type3A_596 = arith.extui %ge3A_595 : vector<8x2048xi1> to vector<8x2048xi32>
    %convert_element_type3A_597 = arith.sitofp %convert_element_type3A_596 : vector<8x2048xi32> to vector<8x2048xf32>
    %reduce_sum3A_598 = arith.constant dense<0.000000e+00> : vector<8xf32>
    %reduce_sum3A_599 = vector.multi_reduction <add>, %convert_element_type3A_597, %reduce_sum3A_598 [1] : vector<8x2048xf32> to vector<8xf32>
    %broadcast_in_dim3A_600 = vector.shape_cast %reduce_sum3A_599 : vector<8xf32> to vector<8x1xf32>
    %ge3A_601 = arith.constant 3.200000e+02 : f32
    %ge3A_602 = vector.broadcast %ge3A_601 : f32 to vector<8x1xf32>
    %ge3A_603 = arith.cmpf oge, %broadcast_in_dim3A_600, %ge3A_602 : vector<8x1xf32>
    %select_n3A_604 = arith.select %ge3A_603, %or3A_593, %select_n3A_590 : vector<8x1xi1>, vector<8x1xi32>
    %ge3A_605 = vector.broadcast %select_n3A_604 : vector<8x1xi32> to vector<8x2048xi32>
    %ge3A_606 = arith.cmpi sge, %xor3A, %ge3A_605 : vector<8x2048xi32>
    %iota3A = tpu.iota {dimensions = array<i32: 0>} : vector<8x2048xi32>
    %reduce_or3A = arith.constant 1.000000e+00 : f32
    %reduce_or3A_607 = arith.constant 0.000000e+00 : f32
    %reduce_or3A_608 = vector.broadcast %reduce_or3A : f32 to vector<8x2048xf32>
    %reduce_or3A_609 = vector.broadcast %reduce_or3A_607 : f32 to vector<8x2048xf32>
    %reduce_or3A_610 = arith.select %ge3A_606, %reduce_or3A_608, %reduce_or3A_609 : vector<8x2048xi1>, vector<8x2048xf32>
    %reduce_or3A_611 = arith.constant dense<0xFF800000> : vector<2048xf32>
    %reduce_or3A_612 = vector.multi_reduction <maximumf>, %reduce_or3A_610, %reduce_or3A_611 [0] : vector<8x2048xf32> to vector<2048xf32>
    %reduce_or3A_613 = arith.constant 0.000000e+00 : f32
    %reduce_or3A_614 = vector.broadcast %reduce_or3A_613 : f32 to vector<2048xf32>
    %reduce_or3A_615 = arith.cmpf ogt, %reduce_or3A_612, %reduce_or3A_614 : vector<2048xf32>
    %broadcast_in_dim3A_616 = vector.shape_cast %reduce_or3A_615 : vector<2048xi1> to vector<1x2048xi1>
    %reduce_max3A = arith.constant dense<0xFF800000> : vector<2048xf32>
    %reduce_max3A_617 = vector.multi_reduction <maximumf>, %add3A_154, %reduce_max3A [0] : vector<8x2048xf32> to vector<2048xf32>
    %broadcast_in_dim3A_618 = vector.shape_cast %reduce_max3A_617 : vector<2048xf32> to vector<1x2048xf32>
    %eq3A = vector.broadcast %broadcast_in_dim3A_618 : vector<1x2048xf32> to vector<8x2048xf32>
    %eq3A_619 = arith.cmpf oeq, %add3A_154, %eq3A : vector<8x2048xf32>
    %jit3A_620 = arith.constant 8 : i32
    %broadcast_in_dim3A_621 = vector.broadcast %jit3A_620 : i32 to vector<8x2048xi32>
    %select_n3A_622 = arith.select %eq3A_619, %iota3A, %broadcast_in_dim3A_621 : vector<8x2048xi1>, vector<8x2048xi32>
    %reduce_min3A = arith.constant dense<2147483647> : vector<2048xi32>
    %reduce_min3A_623 = vector.multi_reduction <minsi>, %select_n3A_622, %reduce_min3A [0] : vector<8x2048xi32> to vector<2048xi32>
    %broadcast_in_dim3A_624 = vector.shape_cast %reduce_min3A_623 : vector<2048xi32> to vector<1x2048xi32>
    %not3A = arith.constant dense<true> : vector<1x2048xi1>
    %not3A_625 = arith.xori %broadcast_in_dim3A_616, %not3A : vector<1x2048xi1>
    %eq3A_626 = vector.broadcast %broadcast_in_dim3A_624 : vector<1x2048xi32> to vector<8x2048xi32>
    %eq3A_627 = arith.cmpi eq, %iota3A, %eq3A_626 : vector<8x2048xi32>
    %and3A_628 = vector.broadcast %not3A_625 : vector<1x2048xi1> to vector<8x2048xi1>
    %and3A_629 = arith.andi %and3A_628, %eq3A_627 : vector<8x2048xi1>
    %or3A_630 = arith.ori %ge3A_606, %and3A_629 : vector<8x2048xi1>
    %jit3A_631 = arith.constant 0xFF800000 : f32
    %broadcast_in_dim3A_632 = vector.broadcast %jit3A_631 : f32 to vector<8x2048xf32>
    %select_n3A_633 = arith.select %or3A_630, %add3A_154, %broadcast_in_dim3A_632 : vector<8x2048xi1>, vector<8x2048xf32>
    %reduce_max3A_634 = arith.constant dense<0xFF800000> : vector<2048xf32>
    %reduce_max3A_635 = vector.multi_reduction <maximumf>, %select_n3A_633, %reduce_max3A_634 [0] : vector<8x2048xf32> to vector<2048xf32>
    %broadcast_in_dim3A_636 = vector.shape_cast %reduce_max3A_635 : vector<2048xf32> to vector<1x2048xf32>
    %eq3A_637 = vector.broadcast %broadcast_in_dim3A_636 : vector<1x2048xf32> to vector<8x2048xf32>
    %eq3A_638 = arith.cmpf oeq, %select_n3A_633, %eq3A_637 : vector<8x2048xf32>
    %jit3A_639 = arith.constant 8 : i32
    %broadcast_in_dim3A_640 = vector.broadcast %jit3A_639 : i32 to vector<8x2048xi32>
    %select_n3A_641 = arith.select %eq3A_638, %iota3A, %broadcast_in_dim3A_640 : vector<8x2048xi1>, vector<8x2048xi32>
    %reduce_min3A_642 = arith.constant dense<2147483647> : vector<2048xi32>
    %reduce_min3A_643 = vector.multi_reduction <minsi>, %select_n3A_641, %reduce_min3A_642 [0] : vector<8x2048xi32> to vector<2048xi32>
    %broadcast_in_dim3A_644 = vector.shape_cast %reduce_min3A_643 : vector<2048xi32> to vector<1x2048xi32>
    %eq3A_645 = vector.broadcast %broadcast_in_dim3A_644 : vector<1x2048xi32> to vector<8x2048xi32>
    %eq3A_646 = arith.cmpi eq, %iota3A, %eq3A_645 : vector<8x2048xi32>
    %jit3A_647 = arith.constant 0xFF800000 : f32
    %broadcast_in_dim3A_648 = vector.broadcast %jit3A_647 : f32 to vector<8x2048xf32>
    %select_n3A_649 = arith.select %eq3A_646, %broadcast_in_dim3A_648, %select_n3A_633 : vector<8x2048xi1>, vector<8x2048xf32>
    %reduce_max3A_650 = arith.constant dense<0xFF800000> : vector<2048xf32>
    %reduce_max3A_651 = vector.multi_reduction <maximumf>, %select_n3A_649, %reduce_max3A_650 [0] : vector<8x2048xf32> to vector<2048xf32>
    %broadcast_in_dim3A_652 = vector.shape_cast %reduce_max3A_651 : vector<2048xf32> to vector<1x2048xf32>
    %eq3A_653 = vector.broadcast %broadcast_in_dim3A_652 : vector<1x2048xf32> to vector<8x2048xf32>
    %eq3A_654 = arith.cmpf oeq, %select_n3A_649, %eq3A_653 : vector<8x2048xf32>
    %ne3A = vector.broadcast %broadcast_in_dim3A_644 : vector<1x2048xi32> to vector<8x2048xi32>
    %ne3A_655 = arith.cmpi ne, %iota3A, %ne3A : vector<8x2048xi32>
    %and3A_656 = arith.andi %eq3A_654, %ne3A_655 : vector<8x2048xi1>
    %jit3A_657 = arith.constant 8 : i32
    %broadcast_in_dim3A_658 = vector.broadcast %jit3A_657 : i32 to vector<8x2048xi32>
    %select_n3A_659 = arith.select %and3A_656, %iota3A, %broadcast_in_dim3A_658 : vector<8x2048xi1>, vector<8x2048xi32>
    %reduce_min3A_660 = arith.constant dense<2147483647> : vector<2048xi32>
    %reduce_min3A_661 = vector.multi_reduction <minsi>, %select_n3A_659, %reduce_min3A_660 [0] : vector<8x2048xi32> to vector<2048xi32>
    %broadcast_in_dim3A_662 = vector.shape_cast %reduce_min3A_661 : vector<2048xi32> to vector<1x2048xi32>
    %eq3A_663 = vector.broadcast %broadcast_in_dim3A_644 : vector<1x2048xi32> to vector<8x2048xi32>
    %eq3A_664 = arith.cmpi eq, %iota3A, %eq3A_663 : vector<8x2048xi32>
    %eq3A_665 = vector.broadcast %broadcast_in_dim3A_662 : vector<1x2048xi32> to vector<8x2048xi32>
    %eq3A_666 = arith.cmpi eq, %iota3A, %eq3A_665 : vector<8x2048xi32>
    %jit3A_667 = arith.constant 0.000000e+00 : f32
    %broadcast_in_dim3A_668 = vector.broadcast %jit3A_667 : f32 to vector<8x2048xf32>
    %select_n3A_669 = arith.select %eq3A_664, %add3A_154, %broadcast_in_dim3A_668 : vector<8x2048xi1>, vector<8x2048xf32>
    %reduce_sum3A_670 = arith.constant dense<0.000000e+00> : vector<2048xf32>
    %reduce_sum3A_671 = vector.multi_reduction <add>, %select_n3A_669, %reduce_sum3A_670 [0] : vector<8x2048xf32> to vector<2048xf32>
    %broadcast_in_dim3A_672 = vector.shape_cast %reduce_sum3A_671 : vector<2048xf32> to vector<1x2048xf32>
    %jit3A_673 = arith.constant 0.000000e+00 : f32
    %broadcast_in_dim3A_674 = vector.broadcast %jit3A_673 : f32 to vector<8x2048xf32>
    %select_n3A_675 = arith.select %eq3A_666, %add3A_154, %broadcast_in_dim3A_674 : vector<8x2048xi1>, vector<8x2048xf32>
    %reduce_sum3A_676 = arith.constant dense<0.000000e+00> : vector<2048xf32>
    %reduce_sum3A_677 = vector.multi_reduction <add>, %select_n3A_675, %reduce_sum3A_676 [0] : vector<8x2048xf32> to vector<2048xf32>
    %broadcast_in_dim3A_678 = vector.shape_cast %reduce_sum3A_677 : vector<2048xf32> to vector<1x2048xf32>
    %max3A = arith.maximumf %broadcast_in_dim3A_672, %broadcast_in_dim3A_678 : vector<1x2048xf32>
    %sub3A_679 = arith.subf %broadcast_in_dim3A_672, %max3A : vector<1x2048xf32>
    %exp3A = math.exp %sub3A_679 : vector<1x2048xf32>
    %sub3A_680 = arith.subf %broadcast_in_dim3A_678, %max3A : vector<1x2048xf32>
    %exp3A_681 = math.exp %sub3A_680 : vector<1x2048xf32>
    %add3A_682 = arith.addf %exp3A, %exp3A_681 : vector<1x2048xf32>
    %div3A_683 = arith.divf %exp3A, %add3A_682 : vector<1x2048xf32>
    %div3A_684 = arith.divf %exp3A_681, %add3A_682 : vector<1x2048xf32>
    %jit3A_685 = arith.constant 0.000000e+00 : f32
    %broadcast_in_dim3A_686 = vector.shape_cast %div3A_683 : vector<1x2048xf32> to vector<1x2048xf32>
    %broadcast_in_dim3A_687 = vector.broadcast %broadcast_in_dim3A_686 : vector<1x2048xf32> to vector<8x2048xf32>
    %broadcast_in_dim3A_688 = vector.broadcast %jit3A_685 : f32 to vector<8x2048xf32>
    %select_n3A_689 = arith.select %eq3A_664, %broadcast_in_dim3A_687, %broadcast_in_dim3A_688 : vector<8x2048xi1>, vector<8x2048xf32>
    %jit3A_690 = arith.constant 0.000000e+00 : f32
    %broadcast_in_dim3A_691 = vector.shape_cast %div3A_684 : vector<1x2048xf32> to vector<1x2048xf32>
    %broadcast_in_dim3A_692 = vector.broadcast %broadcast_in_dim3A_691 : vector<1x2048xf32> to vector<8x2048xf32>
    %broadcast_in_dim3A_693 = vector.broadcast %jit3A_690 : f32 to vector<8x2048xf32>
    %select_n3A_694 = arith.select %eq3A_666, %broadcast_in_dim3A_692, %broadcast_in_dim3A_693 : vector<8x2048xi1>, vector<8x2048xf32>
    %add3A_695 = arith.addf %select_n3A_689, %select_n3A_694 : vector<8x2048xf32>
    %swap3A = arith.constant 0 : index
    %swap3A_696 = arith.constant 0 : index
    %swap3A_697 = vector.load %arg11[%swap3A, %swap3A_696] : memref<8x2048xf32, #tpu.memory_space<vmem>>, vector<8x2048xf32>
    tpu.vector_store %arg11[%swap3A, %swap3A_696], %add3A_695 {strides = array<i32>} : memref<8x2048xf32, #tpu.memory_space<vmem>>, vector<8x2048xf32>,
    %swap3A_698 = arith.constant 0 : index
    %swap3A_699 = arith.constant 0 : index
    %swap3A_700 = vector.load %arg15[%swap3A_698, %swap3A_699] : memref<1x2048xf32, #tpu.memory_space<vmem>>, vector<1x2048xf32>
    tpu.vector_store %arg15[%swap3A_698, %swap3A_699], %div3A_683 {strides = array<i32>} : memref<1x2048xf32, #tpu.memory_space<vmem>>, vector<1x2048xf32>,
    %swap3A_701 = arith.constant 0 : index
    %swap3A_702 = arith.constant 0 : index
    %swap3A_703 = vector.load %arg16[%swap3A_701, %swap3A_702] : memref<1x2048xf32, #tpu.memory_space<vmem>>, vector<1x2048xf32>
    tpu.vector_store %arg16[%swap3A_701, %swap3A_702], %div3A_684 {strides = array<i32>} : memref<1x2048xf32, #tpu.memory_space<vmem>>, vector<1x2048xf32>,
    %reduce_sum3A_704 = arith.constant dense<0.000000e+00> : vector<8xf32>
    %reduce_sum3A_705 = vector.multi_reduction <add>, %add3A_695, %reduce_sum3A_704 [1] : vector<8x2048xf32> to vector<8xf32>
    %broadcast_in_dim3A_706 = vector.shape_cast %reduce_sum3A_705 : vector<8xf32> to vector<8x1xf32>
    %gt3A = arith.constant 0.000000e+00 : f32
    %gt3A_707 = vector.broadcast %gt3A : f32 to vector<8x2048xf32>
    %gt3A_708 = arith.cmpf ogt, %add3A_695, %gt3A_707 : vector<8x2048xf32>
    %convert_element_type3A_709 = arith.extui %gt3A_708 : vector<8x2048xi1> to vector<8x2048xi32>
    %convert_element_type3A_710 = arith.sitofp %convert_element_type3A_709 : vector<8x2048xi32> to vector<8x2048xf32>
    %reduce_sum3A_711 = arith.constant dense<0.000000e+00> : vector<8xf32>
    %reduce_sum3A_712 = vector.multi_reduction <add>, %convert_element_type3A_710, %reduce_sum3A_711 [1] : vector<8x2048xf32> to vector<8xf32>
    %broadcast_in_dim3A_713 = vector.shape_cast %reduce_sum3A_712 : vector<8xf32> to vector<8x1xf32>
    %reduce_sum3A_714 = vector.shape_cast %broadcast_in_dim3A_706 : vector<8x1xf32> to vector<1x8x1xf32>
    %reduce_sum3A_715 = arith.constant dense<0.000000e+00> : vector<1xf32>
    %reduce_sum3A_716 = vector.multi_reduction <add>, %reduce_sum3A_714, %reduce_sum3A_715 [1, 2] : vector<1x8x1xf32> to vector<1xf32>
    %reduce_sum3A_717 = vector.shape_cast %reduce_sum3A_716 : vector<1xf32> to vector<1x1x1xf32>
    %reduce_sum3A_718 = vector.extract %reduce_sum3A_717[0, 0, 0] : f32 from vector<1x1x1xf32>
    %div3A_719 = arith.constant 8.000000e+00 : f32
    %div3A_720 = arith.divf %reduce_sum3A_718, %div3A_719 : f32
    %sub3A_721 = vector.broadcast %div3A_720 : f32 to vector<8x1xf32>
    %sub3A_722 = arith.subf %broadcast_in_dim3A_706, %sub3A_721 : vector<8x1xf32>
    %sub3A_723 = vector.broadcast %div3A_720 : f32 to vector<8x1xf32>
    %sub3A_724 = arith.subf %broadcast_in_dim3A_706, %sub3A_723 : vector<8x1xf32>
    %mul3A_725 = arith.mulf %sub3A_722, %sub3A_724 : vector<8x1xf32>
    %reduce_sum3A_726 = vector.shape_cast %mul3A_725 : vector<8x1xf32> to vector<1x8x1xf32>
    %reduce_sum3A_727 = arith.constant dense<0.000000e+00> : vector<1xf32>
    %reduce_sum3A_728 = vector.multi_reduction <add>, %reduce_sum3A_726, %reduce_sum3A_727 [1, 2] : vector<1x8x1xf32> to vector<1xf32>
    %reduce_sum3A_729 = vector.shape_cast %reduce_sum3A_728 : vector<1xf32> to vector<1x1x1xf32>
    %reduce_sum3A_730 = vector.extract %reduce_sum3A_729[0, 0, 0] : f32 from vector<1x1x1xf32>
    %div3A_731 = arith.constant 8.000000e+00 : f32
    %div3A_732 = arith.divf %reduce_sum3A_730, %div3A_731 : f32
    %mul3A_733 = arith.mulf %div3A_720, %div3A_720 : f32
    %add3A_734 = arith.constant 1.000000e-10 : f32
    %add3A_735 = arith.addf %mul3A_733, %add3A_734 : f32
    %div3A_736 = arith.divf %div3A_732, %add3A_735 : f32
    %reduce_sum3A_737 = vector.shape_cast %broadcast_in_dim3A_713 : vector<8x1xf32> to vector<1x8x1xf32>
    %reduce_sum3A_738 = arith.constant dense<0.000000e+00> : vector<1xf32>
    %reduce_sum3A_739 = vector.multi_reduction <add>, %reduce_sum3A_737, %reduce_sum3A_738 [1, 2] : vector<1x8x1xf32> to vector<1xf32>
    %reduce_sum3A_740 = vector.shape_cast %reduce_sum3A_739 : vector<1xf32> to vector<1x1x1xf32>
    %reduce_sum3A_741 = vector.extract %reduce_sum3A_740[0, 0, 0] : f32 from vector<1x1x1xf32>
    %div3A_742 = arith.constant 8.000000e+00 : f32
    %div3A_743 = arith.divf %reduce_sum3A_741, %div3A_742 : f32
    %sub3A_744 = vector.broadcast %div3A_743 : f32 to vector<8x1xf32>
    %sub3A_745 = arith.subf %broadcast_in_dim3A_713, %sub3A_744 : vector<8x1xf32>
    %sub3A_746 = vector.broadcast %div3A_743 : f32 to vector<8x1xf32>
    %sub3A_747 = arith.subf %broadcast_in_dim3A_713, %sub3A_746 : vector<8x1xf32>
    %mul3A_748 = arith.mulf %sub3A_745, %sub3A_747 : vector<8x1xf32>
    %reduce_sum3A_749 = vector.shape_cast %mul3A_748 : vector<8x1xf32> to vector<1x8x1xf32>
    %reduce_sum3A_750 = arith.constant dense<0.000000e+00> : vector<1xf32>
    %reduce_sum3A_751 = vector.multi_reduction <add>, %reduce_sum3A_749, %reduce_sum3A_750 [1, 2] : vector<1x8x1xf32> to vector<1xf32>
    %reduce_sum3A_752 = vector.shape_cast %reduce_sum3A_751 : vector<1xf32> to vector<1x1x1xf32>
    %reduce_sum3A_753 = vector.extract %reduce_sum3A_752[0, 0, 0] : f32 from vector<1x1x1xf32>
    %div3A_754 = arith.constant 8.000000e+00 : f32
    %div3A_755 = arith.divf %reduce_sum3A_753, %div3A_754 : f32
    %mul3A_756 = arith.mulf %div3A_743, %div3A_743 : f32
    %add3A_757 = arith.constant 1.000000e-10 : f32
    %add3A_758 = arith.addf %mul3A_756, %add3A_757 : f32
    %div3A_759 = arith.divf %div3A_755, %add3A_758 : f32
    %add3A_760 = arith.addf %div3A_736, %div3A_759 : f32
    %mul3A_761 = arith.constant 0.00999999977 : f32
    %mul3A_762 = arith.mulf %add3A_760, %mul3A_761 : f32
    %reshape3A = vector.broadcast %mul3A_762 : f32 to vector<1x1xf32>
    %swap3A_763 = arith.constant 0 : index
    %swap3A_764 = arith.constant 0 : index
    %swap3A_765 = vector.load %arg12[%swap3A_763, %swap3A_764] : memref<1x1xf32, #tpu.memory_space<vmem>>, vector<1x1xf32>
    tpu.vector_store %arg12[%swap3A_763, %swap3A_764], %reshape3A {strides = array<i32>} : memref<1x1xf32, #tpu.memory_space<vmem>>, vector<1x1xf32>,
    %or3A_766 = arith.ori %eq3A_664, %eq3A_666 : vector<8x2048xi1>
    %jit3A_767 = arith.constant 1.000000e+00 : f32
    %jit3A_768 = arith.constant 0.000000e+00 : f32
    %broadcast_in_dim3A_769 = vector.broadcast %jit3A_767 : f32 to vector<8x2048xf32>
    %broadcast_in_dim3A_770 = vector.broadcast %jit3A_768 : f32 to vector<8x2048xf32>
    %select_n3A_771 = arith.select %or3A_766, %broadcast_in_dim3A_769, %broadcast_in_dim3A_770 : vector<8x2048xi1>, vector<8x2048xf32>
    %convert_element_type3A_772 = arith.truncf %select_n3A_771 : vector<8x2048xf32> to vector<8x2048xbf16>
    %get3A_773 = arith.constant 0 : index
    %get3A_774 = arith.constant 0 : index
    %get3A_775 = vector.load %arg10[%get3A_773, %get3A_774] : memref<2048x2048xbf16, #tpu.memory_space<vmem>>, vector<2048x2048xbf16>
    %dot_general3A_776 = arith.constant dense<0.000000e+00> : vector<8x2048xf32>
    %dot_general3A_777 = tpu.matmul %convert_element_type3A_772, %get3A_775, %dot_general3A_776 {dimension_numbers = #tpu.dot_dimension_numbers<[1], [0], [0], [1], [0, 0, 1, 1], [], []>, transpose_lhs_hint = false} : vector<8x2048xbf16>, vector<2048x2048xbf16>, vector<8x2048xf32> -> vector<8x2048xf32>
    %slice3A = vector.extract_strided_slice %dot_general3A_777 {offsets = [0, 2047], sizes = [8, 1], strides = [1, 1]} : vector<8x2048xf32> to vector<8x1xf32>
    %add3A_778 = arith.constant 1.270000e+02 : f32
    %add3A_779 = vector.broadcast %add3A_778 : f32 to vector<8x1xf32>
    %add3A_780 = arith.addf %slice3A, %add3A_779 : vector<8x1xf32>
    %mul3A_781 = arith.constant 7.812500e-03 : f32
    %mul3A_782 = vector.broadcast %mul3A_781 : f32 to vector<8x1xf32>
    %mul3A_783 = arith.mulf %add3A_780, %mul3A_782 : vector<8x1xf32>
    %floor3A = math.floor %mul3A_783 : vector<8x1xf32>
    %mul3A_784 = arith.constant 1.280000e+02 : f32
    %mul3A_785 = vector.broadcast %mul3A_784 : f32 to vector<8x1xf32>
    %mul3A_786 = arith.mulf %floor3A, %mul3A_785 : vector<8x1xf32>
    %iota3A_787 = tpu.iota {dimensions = array<i32: 0>} : vector<8x8xi32>
    %iota3A_788 = tpu.iota {dimensions = array<i32: 1>} : vector<8x8xi32>
    %lt3A = arith.cmpi slt, %iota3A_788, %iota3A_787 : vector<8x8xi32>
    %jit3A_789 = arith.constant 1.000000e+00 : f32
    %jit3A_790 = arith.constant 0.000000e+00 : f32
    %broadcast_in_dim3A_791 = vector.broadcast %jit3A_789 : f32 to vector<8x8xf32>
    %broadcast_in_dim3A_792 = vector.broadcast %jit3A_790 : f32 to vector<8x8xf32>
    %select_n3A_793 = arith.select %lt3A, %broadcast_in_dim3A_791, %broadcast_in_dim3A_792 : vector<8x8xi1>, vector<8x8xf32>
    %dot_general3A_794 = arith.constant dense<0.000000e+00> : vector<8x1xf32>
    %dot_general3A_795 = tpu.matmul %select_n3A_793, %mul3A_786, %dot_general3A_794 {dimension_numbers = #tpu.dot_dimension_numbers<[1], [0], [0], [1], [0, 0, 1, 1], [], []>, precision = #tpu.contract_precision<fp32>, transpose_lhs_hint = false} : vector<8x8xf32>, vector<8x1xf32>, vector<8x1xf32> -> vector<8x1xf32>
    %sub3A_796 = arith.constant 1.000000e+00 : f32
    %sub3A_797 = vector.broadcast %sub3A_796 : f32 to vector<8x2048xf32>
    %sub3A_798 = arith.subf %dot_general3A_777, %sub3A_797 : vector<8x2048xf32>
    %add3A_799 = vector.broadcast %dot_general3A_795 : vector<8x1xf32> to vector<8x2048xf32>
    %add3A_800 = arith.addf %add3A_799, %sub3A_798 : vector<8x2048xf32>
    %jit3A_801 = arith.constant 0.000000e+00 : f32
    %broadcast_in_dim3A_802 = vector.broadcast %jit3A_801 : f32 to vector<8x2048xf32>
    %select_n3A_803 = arith.select %eq3A_664, %add3A_800, %broadcast_in_dim3A_802 : vector<8x2048xi1>, vector<8x2048xf32>
    %reduce_sum3A_804 = arith.constant dense<0.000000e+00> : vector<2048xf32>
    %reduce_sum3A_805 = vector.multi_reduction <add>, %select_n3A_803, %reduce_sum3A_804 [0] : vector<8x2048xf32> to vector<2048xf32>
    %broadcast_in_dim3A_806 = vector.shape_cast %reduce_sum3A_805 : vector<2048xf32> to vector<1x2048xf32>
    %add3A_807 = vector.broadcast %dot_general3A_795 : vector<8x1xf32> to vector<8x2048xf32>
    %add3A_808 = arith.addf %add3A_807, %sub3A_798 : vector<8x2048xf32>
    %jit3A_809 = arith.constant 0.000000e+00 : f32
    %broadcast_in_dim3A_810 = vector.broadcast %jit3A_809 : f32 to vector<8x2048xf32>
    %select_n3A_811 = arith.select %eq3A_666, %add3A_808, %broadcast_in_dim3A_810 : vector<8x2048xi1>, vector<8x2048xf32>
    %reduce_sum3A_812 = arith.constant dense<0.000000e+00> : vector<2048xf32>
    %reduce_sum3A_813 = vector.multi_reduction <add>, %select_n3A_811, %reduce_sum3A_812 [0] : vector<8x2048xf32> to vector<2048xf32>
    %broadcast_in_dim3A_814 = vector.shape_cast %reduce_sum3A_813 : vector<2048xf32> to vector<1x2048xf32>
    %convert_element_type3A_815 = arith.fptosi %broadcast_in_dim3A_806 : vector<1x2048xf32> to vector<1x2048xi32>
    %swap3A_816 = arith.constant 0 : index
    %swap3A_817 = arith.constant 0 : index
    %swap3A_818 = vector.load %arg13[%swap3A_816, %swap3A_817] : memref<1x2048xi32, #tpu.memory_space<vmem>>, vector<1x2048xi32>
    tpu.vector_store %arg13[%swap3A_816, %swap3A_817], %convert_element_type3A_815 {strides = array<i32>} : memref<1x2048xi32, #tpu.memory_space<vmem>>, vector<1x2048xi32>,
    %convert_element_type3A_819 = arith.fptosi %broadcast_in_dim3A_814 : vector<1x2048xf32> to vector<1x2048xi32>
    %swap3A_820 = arith.constant 0 : index
    %swap3A_821 = arith.constant 0 : index
    %swap3A_822 = vector.load %arg14[%swap3A_820, %swap3A_821] : memref<1x2048xi32, #tpu.memory_space<vmem>>, vector<1x2048xi32>
    tpu.vector_store %arg14[%swap3A_820, %swap3A_821], %convert_element_type3A_819 {strides = array<i32>} : memref<1x2048xi32, #tpu.memory_space<vmem>>, vector<1x2048xi32>,
    %add3A_823 = arith.addf %dot_general3A_795, %mul3A_786 : vector<8x1xf32>
    %mul3A_824 = arith.constant 7.812500e-03 : f32
    %mul3A_825 = vector.broadcast %mul3A_824 : f32 to vector<8x1xf32>
    %mul3A_826 = arith.mulf %add3A_823, %mul3A_825 : vector<8x1xf32>
    %iota3A_827 = tpu.iota {dimensions = array<i32: 1>} : vector<1x128xi32>
    %convert_element_type3A_828 = arith.sitofp %iota3A_827 : vector<1x128xi32> to vector<1x128xf32>
    %ge3A_829 = vector.broadcast %convert_element_type3A_828 : vector<1x128xf32> to vector<8x128xf32>
    %ge3A_830 = vector.broadcast %mul3A_826 : vector<8x1xf32> to vector<8x128xf32>
    %ge3A_831 = arith.cmpf oge, %ge3A_829, %ge3A_830 : vector<8x128xf32>
    %jit3A_832 = arith.constant 1.000000e+00 : f32
    %jit3A_833 = arith.constant 0.000000e+00 : f32
    %broadcast_in_dim3A_834 = vector.broadcast %jit3A_832 : f32 to vector<8x128xf32>
    %broadcast_in_dim3A_835 = vector.broadcast %jit3A_833 : f32 to vector<8x128xf32>
    %select_n3A_836 = arith.select %ge3A_831, %broadcast_in_dim3A_834, %broadcast_in_dim3A_835 : vector<8x128xi1>, vector<8x128xf32>
    %reduce_sum3A_837 = arith.constant dense<0.000000e+00> : vector<128xf32>
    %reduce_sum3A_838 = vector.multi_reduction <add>, %select_n3A_836, %reduce_sum3A_837 [0] : vector<8x128xf32> to vector<128xf32>
    %broadcast_in_dim3A_839 = vector.shape_cast %reduce_sum3A_838 : vector<128xf32> to vector<1x128xf32>
    %min3A = arith.constant 7.000000e+00 : f32
    %min3A_840 = vector.broadcast %min3A : f32 to vector<1x128xf32>
    %min3A_841 = arith.minimumf %broadcast_in_dim3A_839, %min3A_840 : vector<1x128xf32>
    %convert_element_type3A_842 = arith.fptosi %min3A_841 : vector<1x128xf32> to vector<1x128xi32>
    %swap3A_843 = arith.constant 0 : index
    %swap3A_844 = arith.constant 0 : index
    %swap3A_845 = vector.load %arg17[%swap3A_843, %swap3A_844] : memref<1x128xi32, #tpu.memory_space<vmem>>, vector<1x128xi32>
    tpu.vector_store %arg17[%swap3A_843, %swap3A_844], %convert_element_type3A_842 {strides = array<i32>} : memref<1x128xi32, #tpu.memory_space<vmem>>, vector<1x128xi32>,
    return
  }
}

module attributes {stable_mosaic.version = 14 : i64} {
  func.func @_expert_kernel(%arg0: i32, %arg1: memref<40xi32, #tpu.memory_space<smem>>, %arg2: memref<128x768xf32, #tpu.memory_space<vmem>>, %arg3: memref<128x128xf32, #tpu.memory_space<vmem>>, %arg4: memref<128x1xf32, #tpu.memory_space<vmem>>, %arg5: memref<1x768x1536xf32, #tpu.memory_space<vmem>>, %arg6: memref<1x1x1536xf32, #tpu.memory_space<vmem>>, %arg7: memref<1x768x32xf32, #tpu.memory_space<vmem>>, %arg8: memref<1x32x1536xf32, #tpu.memory_space<vmem>>, %arg9: memref<1x1536x768xf32, #tpu.memory_space<vmem>>, %arg10: memref<1x1x768xf32, #tpu.memory_space<vmem>>, %arg11: memref<1x1536x32xf32, #tpu.memory_space<vmem>>, %arg12: memref<1x32x768xf32, #tpu.memory_space<vmem>>, %arg13: memref<128x768xf32, #tpu.memory_space<vmem>>) attributes {dimension_semantics = [#tpu.dimension_semantics<arbitrary>], iteration_bounds = array<i64: 40>, scalar_prefetch = 1 : i64, scratch_operands = 0 : i64, tpu.core_type = #tpu.core_type<tc>, window_params = [{transform_indices = @transform_0, window_bounds = array<i64: 128, 768>}, {transform_indices = @transform_1, window_bounds = array<i64: 128, 128>}, {transform_indices = @transform_2, window_bounds = array<i64: 128, 1>}, {transform_indices = @transform_3, window_bounds = array<i64: 1, 768, 1536>}, {transform_indices = @transform_4, window_bounds = array<i64: 1, 1, 1536>}, {transform_indices = @transform_5, window_bounds = array<i64: 1, 768, 32>}, {transform_indices = @transform_6, window_bounds = array<i64: 1, 32, 1536>}, {transform_indices = @transform_7, window_bounds = array<i64: 1, 1536, 768>}, {transform_indices = @transform_8, window_bounds = array<i64: 1, 1, 768>}, {transform_indices = @transform_9, window_bounds = array<i64: 1, 1536, 32>}, {transform_indices = @transform_10, window_bounds = array<i64: 1, 32, 768>}, {transform_indices = @transform_11, window_bounds = array<i64: 128, 768>}]} {
    %get3A = arith.constant 0 : index
    %get3A_0 = arith.constant 0 : index
    %get3A_1 = vector.load %arg2[%get3A, %get3A_0] : memref<128x768xf32, #tpu.memory_space<vmem>>, vector<128x768xf32>
    %get3A_2 = arith.constant 0 : index
    %get3A_3 = arith.constant 0 : index
    %get3A_4 = vector.load %arg3[%get3A_2, %get3A_3] : memref<128x128xf32, #tpu.memory_space<vmem>>, vector<128x32xf32>
    %get3A_5 = arith.constant 0 : index
    %get3A_6 = arith.constant 0 : index
    %get3A_7 = arith.constant 0 : index
    %get3A_8 = vector.load %arg5[%get3A_5, %get3A_6, %get3A_7] : memref<1x768x1536xf32, #tpu.memory_space<vmem>>, vector<1x768x1536xf32>
    %get3A_9 = vector.shape_cast %get3A_8 : vector<1x768x1536xf32> to vector<768x1536xf32>
    %convert_element_type3A = arith.truncf %get3A_1 : vector<128x768xf32> to vector<128x768xbf16>
    %convert_element_type3A_10 = arith.truncf %get3A_9 : vector<768x1536xf32> to vector<768x1536xbf16>
    %dot_general3A = arith.constant dense<0.000000e+00> : vector<128x1536xf32>
    %dot_general3A_11 = tpu.matmul %convert_element_type3A, %convert_element_type3A_10, %dot_general3A {dimension_numbers = #tpu.dot_dimension_numbers<[1], [0], [0], [1], [0, 0, 1, 1], [], []>, transpose_lhs_hint = false} : vector<128x768xbf16>, vector<768x1536xbf16>, vector<128x1536xf32> -> vector<128x1536xf32>
    %get3A_12 = arith.constant 0 : index
    %get3A_13 = arith.constant 0 : index
    %get3A_14 = arith.constant 0 : index
    %get3A_15 = vector.load %arg6[%get3A_12, %get3A_13, %get3A_14] : memref<1x1x1536xf32, #tpu.memory_space<vmem>>, vector<1x1x1536xf32>
    %get3A_16 = vector.shape_cast %get3A_15 : vector<1x1x1536xf32> to vector<1x1536xf32>
    %add3A = vector.broadcast %get3A_16 : vector<1x1536xf32> to vector<128x1536xf32>
    %add3A_17 = arith.addf %dot_general3A_11, %add3A : vector<128x1536xf32>
    %get3A_18 = arith.constant 0 : index
    %get3A_19 = arith.constant 0 : index
    %get3A_20 = arith.constant 0 : index
    %get3A_21 = vector.load %arg7[%get3A_18, %get3A_19, %get3A_20] : memref<1x768x32xf32, #tpu.memory_space<vmem>>, vector<1x768x32xf32>
    %get3A_22 = vector.shape_cast %get3A_21 : vector<1x768x32xf32> to vector<768x32xf32>
    %convert_element_type3A_23 = arith.truncf %get3A_1 : vector<128x768xf32> to vector<128x768xbf16>
    %convert_element_type3A_24 = arith.truncf %get3A_22 : vector<768x32xf32> to vector<768x32xbf16>
    %dot_general3A_25 = arith.constant dense<0.000000e+00> : vector<128x32xf32>
    %dot_general3A_26 = tpu.matmul %convert_element_type3A_23, %convert_element_type3A_24, %dot_general3A_25 {dimension_numbers = #tpu.dot_dimension_numbers<[1], [0], [0], [1], [0, 0, 1, 1], [], []>, transpose_lhs_hint = false} : vector<128x768xbf16>, vector<768x32xbf16>, vector<128x32xf32> -> vector<128x32xf32>
    %mul3A = arith.mulf %dot_general3A_26, %get3A_4 : vector<128x32xf32>
    %get3A_27 = arith.constant 0 : index
    %get3A_28 = arith.constant 0 : index
    %get3A_29 = arith.constant 0 : index
    %get3A_30 = vector.load %arg8[%get3A_27, %get3A_28, %get3A_29] : memref<1x32x1536xf32, #tpu.memory_space<vmem>>, vector<1x32x1536xf32>
    %get3A_31 = vector.shape_cast %get3A_30 : vector<1x32x1536xf32> to vector<32x1536xf32>
    %convert_element_type3A_32 = arith.truncf %mul3A : vector<128x32xf32> to vector<128x32xbf16>
    %convert_element_type3A_33 = arith.truncf %get3A_31 : vector<32x1536xf32> to vector<32x1536xbf16>
    %dot_general3A_34 = arith.constant dense<0.000000e+00> : vector<128x1536xf32>
    %dot_general3A_35 = tpu.matmul %convert_element_type3A_32, %convert_element_type3A_33, %dot_general3A_34 {dimension_numbers = #tpu.dot_dimension_numbers<[1], [0], [0], [1], [0, 0, 1, 1], [], []>, transpose_lhs_hint = false} : vector<128x32xbf16>, vector<32x1536xbf16>, vector<128x1536xf32> -> vector<128x1536xf32>
    %add3A_36 = arith.addf %add3A_17, %dot_general3A_35 : vector<128x1536xf32>
    %integer_pow3A = arith.mulf %add3A_36, %add3A_36 : vector<128x1536xf32>
    %integer_pow3A_37 = arith.mulf %add3A_36, %integer_pow3A : vector<128x1536xf32>
    %mul3A_38 = arith.constant 4.471500e-02 : f32
    %mul3A_39 = vector.broadcast %mul3A_38 : f32 to vector<128x1536xf32>
    %mul3A_40 = arith.mulf %mul3A_39, %integer_pow3A_37 : vector<128x1536xf32>
    %add3A_41 = arith.addf %add3A_36, %mul3A_40 : vector<128x1536xf32>
    %mul3A_42 = arith.constant 0.797884583 : f32
    %mul3A_43 = vector.broadcast %mul3A_42 : f32 to vector<128x1536xf32>
    %mul3A_44 = arith.mulf %mul3A_43, %add3A_41 : vector<128x1536xf32>
    %tanh3A = math.tanh %mul3A_44 : vector<128x1536xf32>
    %add3A_45 = arith.constant 1.000000e+00 : f32
    %add3A_46 = vector.broadcast %add3A_45 : f32 to vector<128x1536xf32>
    %add3A_47 = arith.addf %add3A_46, %tanh3A : vector<128x1536xf32>
    %mul3A_48 = arith.constant 5.000000e-01 : f32
    %mul3A_49 = vector.broadcast %mul3A_48 : f32 to vector<128x1536xf32>
    %mul3A_50 = arith.mulf %mul3A_49, %add3A_47 : vector<128x1536xf32>
    %mul3A_51 = arith.mulf %add3A_36, %mul3A_50 : vector<128x1536xf32>
    %get3A_52 = arith.constant 0 : index
    %get3A_53 = arith.constant 0 : index
    %get3A_54 = arith.constant 0 : index
    %get3A_55 = vector.load %arg9[%get3A_52, %get3A_53, %get3A_54] : memref<1x1536x768xf32, #tpu.memory_space<vmem>>, vector<1x1536x768xf32>
    %get3A_56 = vector.shape_cast %get3A_55 : vector<1x1536x768xf32> to vector<1536x768xf32>
    %convert_element_type3A_57 = arith.truncf %mul3A_51 : vector<128x1536xf32> to vector<128x1536xbf16>
    %convert_element_type3A_58 = arith.truncf %get3A_56 : vector<1536x768xf32> to vector<1536x768xbf16>
    %dot_general3A_59 = arith.constant dense<0.000000e+00> : vector<128x768xf32>
    %dot_general3A_60 = tpu.matmul %convert_element_type3A_57, %convert_element_type3A_58, %dot_general3A_59 {dimension_numbers = #tpu.dot_dimension_numbers<[1], [0], [0], [1], [0, 0, 1, 1], [], []>, transpose_lhs_hint = false} : vector<128x1536xbf16>, vector<1536x768xbf16>, vector<128x768xf32> -> vector<128x768xf32>
    %get3A_61 = arith.constant 0 : index
    %get3A_62 = arith.constant 0 : index
    %get3A_63 = arith.constant 0 : index
    %get3A_64 = vector.load %arg10[%get3A_61, %get3A_62, %get3A_63] : memref<1x1x768xf32, #tpu.memory_space<vmem>>, vector<1x1x768xf32>
    %get3A_65 = vector.shape_cast %get3A_64 : vector<1x1x768xf32> to vector<1x768xf32>
    %add3A_66 = vector.broadcast %get3A_65 : vector<1x768xf32> to vector<128x768xf32>
    %add3A_67 = arith.addf %dot_general3A_60, %add3A_66 : vector<128x768xf32>
    %get3A_68 = arith.constant 0 : index
    %get3A_69 = arith.constant 0 : index
    %get3A_70 = arith.constant 0 : index
    %get3A_71 = vector.load %arg11[%get3A_68, %get3A_69, %get3A_70] : memref<1x1536x32xf32, #tpu.memory_space<vmem>>, vector<1x1536x32xf32>
    %get3A_72 = vector.shape_cast %get3A_71 : vector<1x1536x32xf32> to vector<1536x32xf32>
    %convert_element_type3A_73 = arith.truncf %mul3A_51 : vector<128x1536xf32> to vector<128x1536xbf16>
    %convert_element_type3A_74 = arith.truncf %get3A_72 : vector<1536x32xf32> to vector<1536x32xbf16>
    %dot_general3A_75 = arith.constant dense<0.000000e+00> : vector<128x32xf32>
    %dot_general3A_76 = tpu.matmul %convert_element_type3A_73, %convert_element_type3A_74, %dot_general3A_75 {dimension_numbers = #tpu.dot_dimension_numbers<[1], [0], [0], [1], [0, 0, 1, 1], [], []>, transpose_lhs_hint = false} : vector<128x1536xbf16>, vector<1536x32xbf16>, vector<128x32xf32> -> vector<128x32xf32>
    %mul3A_77 = arith.mulf %dot_general3A_76, %get3A_4 : vector<128x32xf32>
    %get3A_78 = arith.constant 0 : index
    %get3A_79 = arith.constant 0 : index
    %get3A_80 = arith.constant 0 : index
    %get3A_81 = vector.load %arg12[%get3A_78, %get3A_79, %get3A_80] : memref<1x32x768xf32, #tpu.memory_space<vmem>>, vector<1x32x768xf32>
    %get3A_82 = vector.shape_cast %get3A_81 : vector<1x32x768xf32> to vector<32x768xf32>
    %convert_element_type3A_83 = arith.truncf %mul3A_77 : vector<128x32xf32> to vector<128x32xbf16>
    %convert_element_type3A_84 = arith.truncf %get3A_82 : vector<32x768xf32> to vector<32x768xbf16>
    %dot_general3A_85 = arith.constant dense<0.000000e+00> : vector<128x768xf32>
    %dot_general3A_86 = tpu.matmul %convert_element_type3A_83, %convert_element_type3A_84, %dot_general3A_85 {dimension_numbers = #tpu.dot_dimension_numbers<[1], [0], [0], [1], [0, 0, 1, 1], [], []>, transpose_lhs_hint = false} : vector<128x32xbf16>, vector<32x768xbf16>, vector<128x768xf32> -> vector<128x768xf32>
    %add3A_87 = arith.addf %add3A_67, %dot_general3A_86 : vector<128x768xf32>
    %get3A_88 = arith.constant 0 : index
    %get3A_89 = arith.constant 0 : index
    %get3A_90 = vector.load %arg4[%get3A_88, %get3A_89] : memref<128x1xf32, #tpu.memory_space<vmem>>, vector<128x1xf32>
    %mul3A_91 = vector.broadcast %get3A_90 : vector<128x1xf32> to vector<128x768xf32>
    %mul3A_92 = arith.mulf %add3A_87, %mul3A_91 : vector<128x768xf32>
    %swap3A = arith.constant 0 : index
    %swap3A_93 = arith.constant 0 : index
    %swap3A_94 = vector.load %arg13[%swap3A, %swap3A_93] : memref<128x768xf32, #tpu.memory_space<vmem>>, vector<128x768xf32>
    tpu.vector_store %arg13[%swap3A, %swap3A_93], %mul3A_92 {strides = array<i32>} : memref<128x768xf32, #tpu.memory_space<vmem>>, vector<128x768xf32>,
    return
  }
  func.func @transform_0(%arg0: i32, %arg1: memref<40xi32, #tpu.memory_space<smem>>) -> (i32, i32) {
    %c0_i32 = arith.constant 0 : i32
    %c0_i32_0 = arith.constant 0 : i32
    return %arg0, %c0_i32 : i32, i32
  }
  func.func @transform_1(%arg0: i32, %arg1: memref<40xi32, #tpu.memory_space<smem>>) -> (i32, i32) {
    %c0_i32 = arith.constant 0 : i32
    %c0_i32_0 = arith.constant 0 : i32
    return %arg0, %c0_i32 : i32, i32
  }
  func.func @transform_2(%arg0: i32, %arg1: memref<40xi32, #tpu.memory_space<smem>>) -> (i32, i32) {
    %c0_i32 = arith.constant 0 : i32
    %c0_i32_0 = arith.constant 0 : i32
    return %arg0, %c0_i32 : i32, i32
  }
  func.func @transform_3(%arg0: i32, %arg1: memref<40xi32, #tpu.memory_space<smem>>) -> (i32, i32, i32) {
    %get3A = arith.index_cast %arg0 : i32 to index
    %get3A_0 = memref.load %arg1[%get3A] : memref<40xi32, #tpu.memory_space<smem>>
    %c0_i32 = arith.constant 0 : i32
    %c0_i32_1 = arith.constant 0 : i32
    %c0_i32_2 = arith.constant 0 : i32
    return %get3A_0, %c0_i32, %c0_i32_1 : i32, i32, i32
  }
  func.func @transform_4(%arg0: i32, %arg1: memref<40xi32, #tpu.memory_space<smem>>) -> (i32, i32, i32) {
    %get3A = arith.index_cast %arg0 : i32 to index
    %get3A_0 = memref.load %arg1[%get3A] : memref<40xi32, #tpu.memory_space<smem>>
    %c0_i32 = arith.constant 0 : i32
    %c0_i32_1 = arith.constant 0 : i32
    %c0_i32_2 = arith.constant 0 : i32
    return %get3A_0, %c0_i32, %c0_i32_1 : i32, i32, i32
  }
  func.func @transform_5(%arg0: i32, %arg1: memref<40xi32, #tpu.memory_space<smem>>) -> (i32, i32, i32) {
    %get3A = arith.index_cast %arg0 : i32 to index
    %get3A_0 = memref.load %arg1[%get3A] : memref<40xi32, #tpu.memory_space<smem>>
    %c0_i32 = arith.constant 0 : i32
    %c0_i32_1 = arith.constant 0 : i32
    %c0_i32_2 = arith.constant 0 : i32
    return %get3A_0, %c0_i32, %c0_i32_1 : i32, i32, i32
  }
  func.func @transform_6(%arg0: i32, %arg1: memref<40xi32, #tpu.memory_space<smem>>) -> (i32, i32, i32) {
    %get3A = arith.index_cast %arg0 : i32 to index
    %get3A_0 = memref.load %arg1[%get3A] : memref<40xi32, #tpu.memory_space<smem>>
    %c0_i32 = arith.constant 0 : i32
    %c0_i32_1 = arith.constant 0 : i32
    %c0_i32_2 = arith.constant 0 : i32
    return %get3A_0, %c0_i32, %c0_i32_1 : i32, i32, i32
  }
  func.func @transform_7(%arg0: i32, %arg1: memref<40xi32, #tpu.memory_space<smem>>) -> (i32, i32, i32) {
    %get3A = arith.index_cast %arg0 : i32 to index
    %get3A_0 = memref.load %arg1[%get3A] : memref<40xi32, #tpu.memory_space<smem>>
    %c0_i32 = arith.constant 0 : i32
    %c0_i32_1 = arith.constant 0 : i32
    %c0_i32_2 = arith.constant 0 : i32
    return %get3A_0, %c0_i32, %c0_i32_1 : i32, i32, i32
  }
  func.func @transform_8(%arg0: i32, %arg1: memref<40xi32, #tpu.memory_space<smem>>) -> (i32, i32, i32) {
    %get3A = arith.index_cast %arg0 : i32 to index
    %get3A_0 = memref.load %arg1[%get3A] : memref<40xi32, #tpu.memory_space<smem>>
    %c0_i32 = arith.constant 0 : i32
    %c0_i32_1 = arith.constant 0 : i32
    %c0_i32_2 = arith.constant 0 : i32
    return %get3A_0, %c0_i32, %c0_i32_1 : i32, i32, i32
  }
  func.func @transform_9(%arg0: i32, %arg1: memref<40xi32, #tpu.memory_space<smem>>) -> (i32, i32, i32) {
    %get3A = arith.index_cast %arg0 : i32 to index
    %get3A_0 = memref.load %arg1[%get3A] : memref<40xi32, #tpu.memory_space<smem>>
    %c0_i32 = arith.constant 0 : i32
    %c0_i32_1 = arith.constant 0 : i32
    %c0_i32_2 = arith.constant 0 : i32
    return %get3A_0, %c0_i32, %c0_i32_1 : i32, i32, i32
  }
  func.func @transform_10(%arg0: i32, %arg1: memref<40xi32, #tpu.memory_space<smem>>) -> (i32, i32, i32) {
    %get3A = arith.index_cast %arg0 : i32 to index
    %get3A_0 = memref.load %arg1[%get3A] : memref<40xi32, #tpu.memory_space<smem>>
    %c0_i32 = arith.constant 0 : i32
    %c0_i32_1 = arith.constant 0 : i32
    %c0_i32_2 = arith.constant 0 : i32
    return %get3A_0, %c0_i32, %c0_i32_1 : i32, i32, i32
  }
  func.func @transform_11(%arg0: i32, %arg1: memref<40xi32, #tpu.memory_space<smem>>) -> (i32, i32) {
    %c0_i32 = arith.constant 0 : i32
    %c0_i32_0 = arith.constant 0 : i32
    return %arg0, %c0_i32 : i32, i32
  }
}

</mosaic_0001>

<sc_bundles>
// kernel: kernel.6.cloned.1.call-start
scs
__scs_entry_jumppad:
0x0: {  	(pc) =	sbr.rel $0x88, $3  }
0x1: {  	(tag) =	ssettag $0x0;
	lr =	simm.s32 $0x1  }
0x2: {  	[smem:$0x3F91] =	sst lr;
	_ =	strace $0xD0000000  }
0x3: {  	_ = 	snop  }
0x4: {  	_ = 	snop  }
0x5: {  	_ = 	snop  }
0x6: {  	_ = 	snop  }
0x7: {  	_ = 	snop  }
__scs_overlays_trampoline_lowered:
0x8: {  	[smem:$0x3FA0] =	sst s0  }
0x9: {  	[smem:$0x3FA1] =	sst s1  }
0xa: {  	[smem:$0x3FA2] =	sst s2  }
0xb: {  	[smem:$0x3FA3] =	sst s3  }
0xc: {  	[smem:$0x3FA4] =	sst s4  }
0xd: {  	[smem:$0x3FA5] =	sst s5  }
0xe: {  	[smem:$0x3FA6] =	sst s6  }
0xf: {  	[smem:$0x3FA7] =	sst s7  }
0x10: {  	[smem:$0x3FA8] =	sst s8  }
0x11: {  	[smem:$0x3FA9] =	sst s9;
	s0 =	simm.s32 @!p0 $0x0  }
0x12: {  	s1 =	sld [smem:$0x3F8F];
	s0 =	simm.s32 @p0 $0x1  }
0x13: {  	[smem:$0x3FAA] =	sst s0;
	s0 =	simm.s32 @!p1 $0x0  }
0x14: {  	s2 =	sld [smem:$0x3F8E];
	s0 =	simm.s32 @p1 $0x1  }
0x15: {  	[smem:$0x3FAB] =	sst s0;
	s0 =	simm.s32 @!p2 $0x0  }
0x16: {  	s3 =	sld [smem:$0x3FDB];
	s0 =	simm.s32 @p2 $0x1  }
0x17: {  	s4 =	simm.s32 $0x1BF5;
	[smem:$0x3FAD] =	sst s0  }
0x18: {  	s0 =	sld [smem:$0x3F90];
	_ =	swait.ge [sflag:s4], $0x0  }
0x19: {  	s7 =	sld [smem:$0x3F91]  }
0x1a: {  	s8 =	sadd.s32 $0xFFFFE003, lr  }
0x1b: {  	s9 =	sadd.s32 $0xFFFFFEF7, lr;
	s5 =	simm.s32 $0xFFFFFFFF;
	p2 =	slt.u32 s8, $0xFFFFF086  }
0x1c: {  	p1 =	slt.u32 s9, $0xF7A;
	s5 =	simm.s32 @!p2 $0x0  }
0x1d: {  	s5 =	simm.s32 @p1 $0x1;
	p0 =	seq.s32 s7, s2  }
0x1e: {  	s7 =	smul.u32 @!p0 $0xF7A, s2;
	p2 =	seq.s32 @!p0 s5, $0x0  }
0x1f: {  	s9 =	smul.u32 $0xF7A, s1;
	s8 =	simm.s32 @!p0 $0x1BF5;
	p2 =	por !p2, p0  }
0x20: {  	[sflag:s8] =	ssyncset.s32 @!p0 $0xFFFFF086;
	s6 =	sadd.s32 @!p0 s3, s7;
	s7 =	simm.s32 @!p0 $0x108  }
0x21: {  	s3 =	sadd.s32 s3, s9;
	s6 =	sadd.s32 @!p0 $0x88, s6;
	s7 =	simm.s32 @p2 $0x1082  }
0x22: {  	[simem:s7], [sflag:s8] =	dma.local @!p0 [hbm:s6], $0xF7A  }
0x23: {  	s9 =	sor.u32 $0xD0000000, s2;
	s6 =	simm.s32 $0x108;
	_ =	swait.ge @!p0 [sflag:s8], $0x0  }
0x24: {  	s3 =	sadd.s32 $0x88, s3;
	s6 =	simm.s32 @!p1 $0x1082;
	[sflag:s4] =	ssyncset.s32 $0xFFFFF086  }
0x25: {  	[simem:s6], [sflag:s4] =	dma.local [hbm:s3], $0xF7A  }
0x26: {  	[smem:$0x3F91] =	sst s1;
	(tag) =	ssettag s2;
	_ =	strace s9  }
0x27: {  	s1 =	sld [smem:$0x3FA1]  }
0x28: {  	s2 =	sld [smem:$0x3FA2]  }
0x29: {  	s4 =	sld [smem:$0x3FA4]  }
0x2a: {  	p0 =	seq.s32 s5, $0x0;
	s5 =	sld [smem:$0x3FA5]  }
0x2b: {  	s6 =	sld [smem:$0x3FA6]  }
0x2c: {  	s7 =	sld [smem:$0x3FA7]  }
0x2d: {  	s3 =	simm.s32 $0x108;
	s8 =	sld [smem:$0x3FA8]  }
0x2e: {  	s3 =	simm.s32 @!p0 $0x1082;
	s9 =	sld [smem:$0x3FA9]  }
0x2f: {  	lr =	sadd.s32 s0, s3;
	s0 =	sld [smem:$0x3FA0]  }
0x30: {  	s3 =	sld [smem:$0x3FA3]  }
0x31: {  	[smem:$0x3FAC] =	sst s10  }
0x32: {  	s10 =	sld [smem:$0x3FAA];
	_ =	sdelay $0x3  }
0x33: {  	p0 =	seq.s32 s10, $0x1;
	s10 =	sld [smem:$0x3FAC];
	_ =	sdelay $0x3  }
0x34: {  	[smem:$0x3FAC] =	sst s10  }
0x35: {  	s10 =	sld [smem:$0x3FAB];
	_ =	sdelay $0x3  }
0x36: {  	p1 =	seq.s32 s10, $0x1;
	s10 =	sld [smem:$0x3FAC];
	_ =	sdelay $0x3  }
0x37: {  	[smem:$0x3FAC] =	sst s10  }
0x38: {  	s10 =	sld [smem:$0x3FAD]  }
0x39: {  	_ = 	snop;
	(pc) =	sbr.ind lr, $3  }
0x3a: {  	_ = 	snop  }
0x3b: {  	_ = 	snop  }
0x3c: {  	p2 =	seq.s32 s10, $0x1;
	s10 =	sld [smem:$0x3FAC]  }
0x3d: {  	_ =	shalt  }
0x3e: {  	_ =	shalt  }
0x3f: {  	_ =	shalt  }
0x40: {  	_ =	shalt  }
0x41: {  	_ =	shalt  }
0x42: {  	_ =	shalt  }
0x43: {  	_ =	shalt  }
0x44: {  	_ =	shalt  }
0x45: {  	_ =	shalt  }
0x46: {  	_ =	shalt  }
0x47: {  	_ =	shalt  }
0x48: {  	_ =	shalt  }
0x49: {  	_ =	shalt  }
0x4a: {  	_ =	shalt  }
0x4b: {  	_ =	shalt  }
0x4c: {  	_ =	shalt  }
0x4d: {  	_ =	shalt  }
0x4e: {  	_ =	shalt  }
0x4f: {  	_ =	shalt  }
0x50: {  	_ =	shalt  }
0x51: {  	_ =	shalt  }
0x52: {  	_ =	shalt  }
0x53: {  	_ =	shalt  }
0x54: {  	_ =	shalt  }
0x55: {  	_ =	shalt  }
0x56: {  	_ =	shalt  }
0x57: {  	_ =	shalt  }
0x58: {  	_ =	shalt  }
0x59: {  	_ =	shalt  }
0x5a: {  	_ =	shalt  }
0x5b: {  	_ =	shalt  }
0x5c: {  	_ =	shalt  }
0x5d: {  	_ =	shalt  }
0x5e: {  	_ =	shalt  }
0x5f: {  	_ =	shalt  }
0x60: {  	_ =	shalt  }
0x61: {  	_ =	shalt  }
0x62: {  	_ =	shalt  }
0x63: {  	_ =	shalt  }
0x64: {  	_ =	shalt  }
0x65: {  	_ =	shalt  }
0x66: {  	_ =	shalt  }
0x67: {  	_ =	shalt  }
0x68: {  	_ =	shalt  }
0x69: {  	_ =	shalt  }
0x6a: {  	_ =	shalt  }
0x6b: {  	_ =	shalt  }
0x6c: {  	_ =	shalt  }
0x6d: {  	_ =	shalt  }
0x6e: {  	_ =	shalt  }
0x6f: {  	_ =	shalt  }
0x70: {  	_ =	shalt  }
0x71: {  	_ =	shalt  }
0x72: {  	_ =	shalt  }
0x73: {  	_ =	shalt  }
0x74: {  	_ =	shalt  }
0x75: {  	_ =	shalt  }
0x76: {  	_ =	shalt  }
0x77: {  	_ =	shalt  }
0x78: {  	_ =	shalt  }
0x79: {  	_ =	shalt  }
0x7a: {  	_ =	shalt  }
0x7b: {  	_ =	shalt  }
0x7c: {  	_ =	shalt  }
0x7d: {  	_ =	shalt  }
0x7e: {  	_ =	shalt  }
0x7f: {  	_ =	shalt  }
0x80: {  	_ =	shalt  }
0x81: {  	_ =	shalt  }
0x82: {  	_ =	shalt  }
0x83: {  	_ =	shalt  }
0x84: {  	_ =	shalt  }
0x85: {  	_ =	shalt  }
0x86: {  	_ =	shalt  }
0x87: {  	_ =	shalt  }
.Lfunc_end0:
.L_simem_size_0:
called_computation_lowered:
.L_overlay_start_0:
0x88: {  	s2 =	sld [smem:$0x3FD9]  }
0x89: {  	s3 =	sld [smem:$0x3FFE];
	_ =	sdelay $0x1  }
0x8a: {  	s1 =	srdreg.scid  }
0x8b: {  	s0 =	sand.u32 $0x1, s1  }
0x8c: {  	s14 =	sshll.u32 s0, $0xA;
	s2 =	sadd.s32 s3, s2  }
0x8d: {  	s2 =	sadd.s32 s2, s14  }
0x8e: {  	[smem:$0x3FB8] =	sst s2  }
0x8f: {  	_ = 	snop  }
0x90: {  	s2 =	sld [smem:$0x3FD0];
	_ =	sdelay $0x2  }
0x91: {  	s4 =	simm.s32 $0xA;
	s5 =	simm.s32 $0x10;
	s15 =	sld [smem:$0x3FC9]  }
0x92: {  	[smem:s5], [sflag:s4] =	dma.local [hbm:s2], $0x1  }
0x93: {  	_ =	swait.eq [sflag:s4], $0x1  }
0x94: {  	[sflag:s4] =	ssyncset.done $0x0  }
0x95: {  	[sflag:s4] =	ssyncadd.s32 $0xFFFFFFFF  }
0x96: {  	s16 =	sld [smem:$0x10];
	(tm) =	ssettm $0x1  }
0x97: {  	s17 =	sld [smem:$0x3FFB];
	_ =	sdelay $0x3  }
0x98: {  	_ =	strace s17  }
0x99: {  	s4 =	sld [smem:$0x3FFC];
	_ =	sdelay $0x3  }
0x9a: {  	_ =	strace s4  }
0x9b: {  	s4 =	sld [smem:$0x3FFD];
	_ =	sdelay $0x3  }
0x9c: {  	_ =	strace s4  }
0x9d: {  	_ =	strace $0x8FFFFFFF  }
0x9e: {  	s18 =	sld [smem:$0x3FDB];
	_ =	sdelay $0x1  }
0x9f: {  	s19 =	simm.s32 $_scs_section_size  }
0xa0: {  	s6 =	simm.s32 $_size__tile_overlayer_lowered;
	s7 =	simm.s32 $_tile_overlayer_lowered  }
0xa1: {  	s22 =	simm.s32 $0x1BFF;
	s21 =	sshll.u32 s7, $0x1;
	s4 =	sadd.s32 s19, s18  }
0xa2: {  	s8 =	simm.s32 $0x0;
	s20 =	sshll.u32 s6, $0x1;
	s6 =	sadd.s32 s21, s4  }
0xa3: {  	[timem:s8], [sflag:s22] =	dma.local [hbm:s6], s20  }
0xa4: {  	_ =	swait.ge [sflag:s22], s20  }
0xa5: {  	s5 =	ssub.s32 $0x0, s20;
	[sflag:s22] =	ssyncset.done $0x0  }
0xa6: {  	[sflag:s22] =	ssyncadd.s32 s5;
	_ =	sdelay $0x1  }
0xa7: {  	s23 =	simm.s32 $0x1B8B  }
0xa8: {  	_ =	swait.ge [sflag:s23], $0x1  }
0xa9: {  	[sflag:s23] =	ssyncset.done $0x0  }
0xaa: {  	s25 =	simm.s32 $0x1B8E;
	s24 =	sld [smem:$0x3FFE];
	[sflag:s23] =	ssyncadd.s32 $0xFFFFFFFF  }
0xab: {  	s26 =	simm.s32 $execute0_lowered;
	[smem:$0x3FD2] =	sst s25  }
0xac: {  	s6 =	sshll.u32 s26, $0x1;
	_ =	strace $0x80000046;
	[dreg:$0x1] =	wrdreg $0xFFFFFFFF  }
0xad: {  	s28 =	simm.s32 $_size_execute0_lowered;
	s4 =	sadd.s32 s4, s6;
	[dreg:$0x0] =	wrdreg $0x0  }
0xae: {  	s6 =	sshll.u32 s28, $0x1;
	[dreg:$0x2] =	wrdreg s4  }
0xaf: {  	[dreg:$0x3] =	wrdreg s6  }
0xb0: {  	[dreg:$0x4] =	wrdreg $0xC0  }
0xb1: {  	_ =	task [dreg:s8], $0x5FFFF  }
0xb2: {  	[dreg:$0x1] =	wrdreg $0xFFFFFFFF  }
0xb3: {  	[dreg:$0x0] =	wrdreg $0x60  }
0xb4: {  	[dreg:$0x2] =	wrdreg s24  }
0xb5: {  	[dreg:$0x3] =	wrdreg s15  }
0xb6: {  	[dreg:$0x4] =	wrdreg s16  }
0xb7: {  	[dreg:$0x5] =	wrdreg $0x0  }
0xb8: {  	[dreg:$0x6] =	wrdreg $0x9  }
0xb9: {  	_ =	task.clear_ibuf [dreg:s8], $0x7FFFF;
	_ =	strace $0x90000046  }
0xba: {  	s29 =	simm.s32 $0x9;
	_ =	strace $0x80000048  }
0xbb: {  	_ =	swait.ge [sflag:s29], $0x1  }
0xbc: {  	[sflag:s29] =	ssyncadd.s32 $0xFFFFFFFF  }
0xbd: {  	_ =	strace $0x90000048  }
0xbe: {  	_ =	sfence  }
0xbf: {  	s30 =	sld [smem:$0x0];
	_ =	sdelay $0x2  }
0xc0: {  	s31 =	sshll.u32 s1, $0xD;
	s1 =	sshrl.u32 s1, $0x2  }
0xc1: {  	s3 =	sand.u32 $0x4000, s31;
	s1 =	sadd.s32 s1, s30  }
0xc2: {  	s0 =	sor.u32 s3, s0;
	s1 =	sshll.u32 s1, $0x11  }
0xc3: {  	s0 =	sor.u32 s1, s0  }
0xc4: {  	s0 =	sadd.s32 $0x8F2B, s0  }
0xc5: {  	[sflag:s0] =	ssyncadd.remote.s32 $0x1  }
0xc6: {  	_ =	sfence.sel $0xFFFF  }
0xc7: {  	[dreg:$0x0] =	wrdreg $0xFFFFFFFF;
	(pc) =	sbr.abs _section_cstart, $3  }
0xc8: {  	[dreg:$0x1] =	wrdreg $0xFFFFFFFF  }
0xc9: {  	_ =	task.clear_ibuf [dreg:s8], $0x2FFFF;
	_ =	strace $0x9FFFFFFF  }
0xca: {  	(tm) =	ssettm $0x7FFFFFFF  }
0xcb: {  	_ =	shalt  }
tec
execute0_lowered:
.L_overlay_start_1:
0x0: {  	(tag) =	ssettag $0x1  }
0x1: {  	s0 =	rddreg [dreg:$0x0]  }
0x2: {  	s1 =	rddreg [dreg:$0x1]  }
0x3: {  	s2 =	rddreg [dreg:$0x2]  }
0x4: {  	s15 =	rddreg [dreg:$0x3];
	s4 =	simm.s32 $0x0  }
0x5: {  	s14 =	stileid.u32;
	s6 =	srdreg.scid;
	s30 =	simm.s32 $0x5C0  }
0x6: {  	s28 =	simm.s32 $0x7E40;
	s29 =	simm.s32 $0xAE40;
	[smem:$0x7FF] =	sst s4  }
0x7: {  	s3 =	sshll.u32 s14, $0x4;
	s5 =	smul.u32 $0x500, s14;
	s7 =	sadd.s32 $0x3800, s0  }
0x8: {  	s10 =	sand.u32 $0x1, s6;
	s21 =	sshll.u32 s14, $0x1;
	s9 =	sadd.s32 $0xC200, s0  }
0x9: {  	s14 =	sshll.u32 s14, $0x7;
	_ =	strace $0x80000047;
	s3 =	sadd.s32 s3, s0  }
0xa: {  	[dreg:$0x5] =	wrdreg s7;
	s6 =	ssub.s32 $0x2, s10;
	s7 =	sor.u32 s10, s21  }
0xb: {  	s0 =	sadd.s32 $0xBE00, s0;
	p0 =	sne.s32 s10, $0x0;
	s10 =	simm.s32 $0x4  }
0xc: {  	s5 =	sshrl.u32 s5, $0x2;
	s22 =	sadd.s32 $0xBC00, s3;
	[dreg:$0x15] =	wrdreg s0  }
0xd: {  	s23 =	sadd.s32 $0xB800, s3;
	s24 =	sadd.s32 $0x3400, s3;
	[dreg:$0x7] =	wrdreg s22  }
0xe: {  	s8 =	smul.u32 $0xA0, s7;
	s11 =	sshrl.u32 s6, $0x1;
	[dreg:$0x8] =	wrdreg s23  }
0xf: {  	s3 =	sadd.s32 $0xBA00, s3;
	s7 =	smul.u32 $0xA00, s7;
	[dreg:$0x9] =	wrdreg s24  }
0x10: {  	s5 =	sadd.s32 s5, s15;
	[dreg:$0xa] =	wrdreg s3;
	s31 =	ssub.s32 s6, s11  }
0x11: {  	[dreg:$0x6] =	wrdreg s5;
	s12 =	sadd.s32 $0x28, s8;
	s25 =	sshrl.u32 s8, $0x3  }
0x12: {  	s16 =	sadd.s32 $0x50, s8;
	s19 =	sadd.s32 $0x78, s8;
	s24 =	sadd.s32 s8, s15  }
0x13: {  	s2 =	sadd.s32 s2, s7;
	s7 =	sadd.s32 $0x100, s1;
	s8 =	sadd.s32 $0x200, s1  }
0x14: {  	s26 =	sadd.s32 s12, s15;
	s13 =	smul.u32 $0x300, s25;
	s17 =	sshrl.u32 s12, $0x3  }
0x15: {  	s18 =	sadd.s32 s16, s15;
	s6 =	sshrl.u32 s16, $0x3;
	[dreg:$0x16] =	wrdreg s24  }
0x16: {  	s20 =	sshrl.u32 s19, $0x3;
	s3 =	sadd.s32 s19, s15;
	[dreg:$0x12] =	wrdreg s2  }
0x17: {  	s25 =	sor.u32 $0x10, s14;
	[dreg:$0xb] =	wrdreg s26;
	s11 =	smul.u32 $0x300, s17  }
0x18: {  	s19 =	sor.u32 $0x30, s14;
	[dreg:$0xd] =	wrdreg s18;
	s6 =	smul.u32 $0x300, s6  }
0x19: {  	s24 =	simm.s32 $0x6640;
	s21 =	smul.u32 $0x300, s20;
	[dreg:$0xf] =	wrdreg s3  }
0x1a: {  	v11 =	vlaneseq.u32;
	s18 =	sor.u32 $0x20, s14;
	s20 =	sor.u32 $0x40, s14;
	s26 =	simm.s32 $0x140  }
0x1b: {  	v1 =	vor.u32 s25, v11;
	v3 =	vor.u32 s19, v11;
	s19 =	simm.s32 $0x3E40;
	s25 =	simm.s32 $0x6E40;
	s17 =	simm.s32 $0x9E40  }
0x1c: {  	s13 =	sadd.s32 s9, s13;
	[dreg:$0x13] =	wrdreg s26;
	v4 =	vor.u32 s20, v11;
	s20 =	simm.s32 $0x4640  }
0x1d: {  	s26 =	simm.s32 $0x7640;
	[dreg:$0xc] =	wrdreg s13;
	s11 =	sadd.s32 s9, s11  }
0x1e: {  	s22 =	sadd.s32 s9, s6;
	s23 =	sadd.s32 s9, s21;
	[dreg:$0xe] =	wrdreg s11  }
0x1f: {  	v8 =	vimm.s32 $0x0;
	vm0 =	vmmov $0xffff;
	s21 =	sor.u32 $0x50, s14;
	s9 =	simm.s32 $0x1;
	[dreg:$0x10] =	wrdreg s22  }
0x20: {  	v9 =	vand.u32 $0x7, v11;
	v10 =	vshrl.u32 v11, $0x3;
	v0 =	vor.u32 s14, v11;
	[dreg:$0x11] =	wrdreg s23;
	s11 =	smax.u32 s31, $0x1;
	s22 =	sor.u32 $0x60, s14  }
0x21: {  	v10 =	vmul.u32 $0x8, v10;
	v2 =	vor.u32 s18, v11;
	s23 =	sor.u32 $0x70, s14;
	s31 =	simm.s32 $0xA0;
	v5 =	vor.u32 s21, v11;
	s21 =	simm.s32 $0x4E40  }
0x22: {  	[dreg:$0x14] =	wrdreg s31;
	v6 =	vor.u32 s22, v11;
	v7 =	vor.u32 s23, v11;
	v11 =	vor.u32 $0x8, v11;
	s22 =	simm.s32 $0x5640;
	s23 =	simm.s32 $0x5E40  }
.LBB2_1:
0x23: {  	[tilespmem:$0x2C0] =	vst v0  }
0x24: {  	[tilespmem:$0x140] =	vst v8  }
0x25: {  	[tilespmem:$0x2D0] =	vst v1  }
0x26: {  	[tilespmem:$0x150] =	vst v8  }
0x27: {  	[tilespmem:$0x2E0] =	vst v2  }
0x28: {  	[tilespmem:$0x160] =	vst v8  }
0x29: {  	[tilespmem:$0x2F0] =	vst v3  }
0x2a: {  	[tilespmem:$0x170] =	vst v8  }
0x2b: {  	[tilespmem:$0x300] =	vst v4  }
0x2c: {  	[tilespmem:$0x180] =	vst v8  }
0x2d: {  	[tilespmem:$0x310] =	vst v5  }
0x2e: {  	[tilespmem:$0x190] =	vst v8  }
0x2f: {  	[tilespmem:$0x320] =	vst v6  }
0x30: {  	[tilespmem:$0x1A0] =	vst v8  }
0x31: {  	[tilespmem:$0x330] =	vst v7  }
0x32: {  	[tilespmem:$0x1B0] =	vst v8  }
0x33: {  	[tilespmem:$0x1C0] =	vst v8  }
0x34: {  	[tilespmem:$0x1D0] =	vst v8  }
0x35: {  	[tilespmem:$0x1E0] =	vst v8  }
0x36: {  	[tilespmem:$0x1F0] =	vst v8  }
0x37: {  	[tilespmem:$0x200] =	vst v8  }
0x38: {  	[tilespmem:$0x210] =	vst v8  }
0x39: {  	[tilespmem:$0x220] =	vst v8  }
0x3a: {  	[tilespmem:$0x230] =	vst v8  }
0x3b: {  	[tilespmem:$0x240] =	vst v8  }
0x3c: {  	[tilespmem:$0x250] =	vst v8  }
0x3d: {  	s31 =	rddreg [dreg:$0x6];
	[tilespmem:$0x260] =	vst v8  }
0x3e: {  	s0 =	rddreg [dreg:$0x13];
	[tilespmem:$0x270] =	vst v8  }
0x3f: {  	[spmem:s31] =	stream.linear.scatter [tilespmem:s0], [sflag:$0x4], $0x140, $0x38;
	[tilespmem:$0x14640] =	vst v63  }
0x40: {  	_ =	swait.ge [sflag:s10], $0x140  }
0x41: {  	[sflag:s10] =	ssyncset.done $0x0  }
0x42: {  	[sflag:s10] =	ssyncadd.s32 $0xFFFFFEC0  }
0x43: {  	[bflag:$0x0] =	sbarrier.arrive $0xFFFF  }
0x44: {  	s6 =	simm.s32 $0x340;
	s14 =	rddreg [dreg:$0x7]  }
0x45: {  	[tilespmem:s6], [sflag:$0x4] =	stream.linear.gather [hbm4b:s14+s4], $0x80, $0x38;
	[tilespmem:$0x14640] =	vst v63  }
0x46: {  	_ =	swait.ge [sflag:s10], $0x80  }
0x47: {  	[sflag:s10] =	ssyncset.done $0x0  }
0x48: {  	[sflag:s10] =	ssyncadd.s32 $0xFFFFFF80  }
0x49: {  	s16 =	simm.s32 $0x80;
	s18 =	simm.s32 $0x2C0;
	s15 =	rddreg [dreg:$0x3]  }
0x4a: {  	[spmem:s15] =	stream.indirect.scatter [tilespmem:s18], [sflag:$0x4], $0x1, s6, s16, $0xb8;
	[tilespmem:$0x14640] =	vst v63  }
0x4b: {  	_ =	swait.ge [sflag:s10], $0x80  }
0x4c: {  	s2 =	simm.s32 @!p0 $0x3C0;
	[sflag:s10] =	ssyncset.done $0x0  }
0x4d: {  	s31 =	simm.s32 @!p0 $0x0;
	s0 =	rddreg [dreg:$0x8];
	[sflag:s10] =	ssyncadd.s32 $0xFFFFFF80  }
0x4e: {  	[tilespmem:s2], [sflag:$0x4] =	stream.linear.gather @!p0 [hbm4b:s0+s31], $0x80, $0x38;
	[tilespmem:$0x14640] =	vst v63  }
0x4f: {  	s0 =	simm.s32 @!p0 $0x4  }
0x50: {  	_ =	swait.ge @!p0 [sflag:s0], $0x80  }
0x51: {  	s12 =	simm.s32 @!p0 $0x80;
	[sflag:s0] =	ssyncset.done @!p0 $0x0  }
0x52: {  	s13 =	simm.s32 @!p0 $0x340;
	s5 =	rddreg [dreg:$0x15];
	[sflag:s0] =	ssyncadd.s32 @!p0 $0xFFFFFF80  }
0x53: {  	[hbm4b:s5+s12] =	stream.indirect.scatter @!p0 [tilespmem:s2], [sflag:$0x4], $0x1, s13, s12, $0xb8;
	[tilespmem:$0x14640] =	vst v63  }
0x54: {  	_ =	swait.ge @!p0 [sflag:s0], $0x80  }
0x55: {  	[sflag:s0] =	ssyncset.done @!p0 $0x0  }
0x56: {  	s14 =	rddreg [dreg:$0x9];
	[sflag:s0] =	ssyncadd.s32 @!p0 $0xFFFFFF80  }
0x57: {  	[tilespmem:s6], [sflag:$0x4] =	stream.linear.gather [hbm4b:s14+s4], $0x80, $0x38;
	[tilespmem:$0x14640] =	vst v63  }
0x58: {  	_ =	swait.ge [sflag:s10], $0x80  }
0x59: {  	[sflag:s10] =	ssyncset.done $0x0  }
0x5a: {  	[sflag:s10] =	ssyncadd.s32 $0xFFFFFF80  }
0x5b: {  	[spmem:s15] =	stream.indirect.scatter [tilespmem:s18], [sflag:$0x4], $0x1, s6, s16, $0xb8;
	[tilespmem:$0x14640] =	vst v63  }
0x5c: {  	_ =	swait.ge [sflag:s10], $0x80  }
0x5d: {  	[sflag:s10] =	ssyncset.done $0x0  }
0x5e: {  	s14 =	rddreg [dreg:$0xa];
	[sflag:s10] =	ssyncadd.s32 $0xFFFFFF80  }
0x5f: {  	[tilespmem:s2], [sflag:$0x4] =	stream.linear.gather @!p0 [hbm4b:s14+s31], $0x80, $0x38;
	[tilespmem:$0x14640] =	vst v63  }
0x60: {  	_ =	swait.ge @!p0 [sflag:s0], $0x80  }
0x61: {  	[sflag:s0] =	ssyncset.done @!p0 $0x0  }
0x62: {  	[sflag:s0] =	ssyncadd.s32 @!p0 $0xFFFFFF80  }
0x63: {  	[hbm4b:s5+s12] =	stream.indirect.scatter @!p0 [tilespmem:s2], [sflag:$0x4], $0x1, s13, s12, $0xb8;
	[tilespmem:$0x14640] =	vst v63  }
0x64: {  	_ =	swait.ge @!p0 [sflag:s0], $0x80  }
0x65: {  	[sflag:s0] =	ssyncset.done @!p0 $0x0  }
0x66: {  	[sflag:s0] =	ssyncadd.s32 @!p0 $0xFFFFFF80  }
0x67: {  	[bflag:$0x0] =	sbarrier.arrive $0xFFFF  }
0x68: {  	s15 =	simm.s32 $0x440;
	s16 =	rddreg [dreg:$0x16]  }
0x69: {  	[tilespmem:s15], [sflag:$0x4] =	stream.linear.gather [spmem:s16], $0xA0, $0x38;
	[tilespmem:$0x14640] =	vst v63  }
0x6a: {  	_ =	swait.ge [sflag:s10], $0xA0  }
0x6b: {  	s18 =	rddreg [dreg:$0x5];
	[sflag:s10] =	ssyncset.done $0x0  }
0x6c: {  	s3 =	simm.s32 $0xF640;
	s31 =	rddreg [dreg:$0x14];
	[sflag:s10] =	ssyncadd.s32 $0xFFFFFF60  }
0x6d: {  	[tilespmem:s3], [sflag:$0x3] =	stream.indirect.gather [hbm4b:s18+s31], $0x80, s15, s31, $0xb8;
	[tilespmem:$0x14640] =	vst v63  }
0x6e: {  	s2 =	simm.s32 $0x540  }
0x6f: {  	[tilespmem:s2], [sflag:$0x4] =	stream.linear.gather [spmem:s16], $0x28, $0x38;
	[tilespmem:$0x14640] =	vst v63  }
0x70: {  	_ =	swait.ge [sflag:s10], $0x28  }
0x71: {  	[sflag:s10] =	ssyncset.done $0x0  }
0x72: {  	[sflag:s10] =	ssyncadd.s32 $0xFFFFFFD8  }
0x73: {  	v12 =	vld [tilespmem:$0x540];
	_ =	sdelay $0x4  }
0x74: {  	v13 =	vshrl.u32 v12, $0x3  }
0x75: {  	v13 =	vmul.u32 $0x30, v13  }
0x76: {  	v12 =	vand.u32 $0x7, v12  }
0x77: {  	v12 =	vor.u32 v12, v13  }
0x78: {  	v13 =	vperm.xlane v12, v9;
	_ =	sdelay $0x1  }
0x79: {  	v13 =	vadd.s32 v10, v13;
	_ =	sdelay $0x3  }
0x7a: {  	s3 =	simm.s32 $0x640;
	v12 =	vperm.xlane v12, v11  }
0x7b: {  	[tilespmem:s3], [sflag:$0x1] =	stream.indirect_vreg.gather [hbm4b:s1+s4], $0x80, v13, vm0, $0xb8;
	[tilespmem:$0x14640] =	vst v63  }
0x7c: {  	s12 =	simm.s32 $0xE40;
	v12 =	vadd.s32 v10, v12  }
0x7d: {  	[tilespmem:s12], [sflag:$0x1] =	stream.indirect_vreg.gather [hbm4b:s7+s4], $0x80, v13, vm0, $0xb8;
	[tilespmem:$0x14640] =	vst v63  }
0x7e: {  	s14 =	simm.s32 $0x1640  }
0x7f: {  	[tilespmem:s14], [sflag:$0x1] =	stream.indirect_vreg.gather [hbm4b:s8+s4], $0x80, v13, vm0, $0xb8;
	[tilespmem:$0x14640] =	vst v63  }
0x80: {  	s15 =	simm.s32 $0x1E40  }
0x81: {  	[tilespmem:s15], [sflag:$0x1] =	stream.indirect_vreg.gather [hbm4b:s1+s4], $0x80, v12, vm0, $0xb8;
	[tilespmem:$0x14640] =	vst v63  }
0x82: {  	s16 =	simm.s32 $0x2640  }
0x83: {  	[tilespmem:s16], [sflag:$0x1] =	stream.indirect_vreg.gather [hbm4b:s7+s4], $0x80, v12, vm0, $0xb8;
	[tilespmem:$0x14640] =	vst v63  }
0x84: {  	s18 =	simm.s32 $0x2E40  }
0x85: {  	[tilespmem:s18], [sflag:$0x1] =	stream.indirect_vreg.gather [hbm4b:s8+s4], $0x80, v12, vm0, $0xb8;
	[tilespmem:$0x14640] =	vst v63  }
0x86: {  	v12 =	vld [tilespmem:$0x550];
	_ =	sdelay $0x4  }
0x87: {  	v50 =	vshrl.u32 v12, $0x3  }
0x88: {  	v13 =	vmul.u32 $0x30, v50  }
0x89: {  	v12 =	vand.u32 $0x7, v12  }
0x8a: {  	v12 =	vor.u32 v12, v13  }
0x8b: {  	v13 =	vperm.xlane v12, v9;
	_ =	sdelay $0x1  }
0x8c: {  	v13 =	vadd.s32 v10, v13;
	_ =	sdelay $0x3  }
0x8d: {  	s31 =	simm.s32 $0x3640;
	v12 =	vperm.xlane v12, v11  }
0x8e: {  	[tilespmem:s31], [sflag:$0x1] =	stream.indirect_vreg.gather [hbm4b:s1+s4], $0x80, v13, vm0, $0xb8;
	[tilespmem:$0x14640] =	vst v63  }
0x8f: {  	v12 =	vadd.s32 v10, v12  }
0x90: {  	[tilespmem:s19], [sflag:$0x1] =	stream.indirect_vreg.gather [hbm4b:s7+s4], $0x80, v13, vm0, $0xb8;
	[tilespmem:$0x14640] =	vst v63  }
0x91: {  	_ = 	snop  }
0x92: {  	[tilespmem:s20], [sflag:$0x1] =	stream.indirect_vreg.gather [hbm4b:s8+s4], $0x80, v13, vm0, $0xb8;
	[tilespmem:$0x14640] =	vst v63  }
0x93: {  	_ = 	snop  }
0x94: {  	[tilespmem:s21], [sflag:$0x1] =	stream.indirect_vreg.gather [hbm4b:s1+s4], $0x80, v12, vm0, $0xb8;
	[tilespmem:$0x14640] =	vst v63  }
0x95: {  	_ = 	snop  }
0x96: {  	[tilespmem:s22], [sflag:$0x1] =	stream.indirect_vreg.gather [hbm4b:s7+s4], $0x80, v12, vm0, $0xb8;
	[tilespmem:$0x14640] =	vst v63  }
0x97: {  	_ = 	snop  }
0x98: {  	[tilespmem:s23], [sflag:$0x1] =	stream.indirect_vreg.gather [hbm4b:s8+s4], $0x80, v12, vm0, $0xb8;
	[tilespmem:$0x14640] =	vst v63  }
0x99: {  	v12 =	vld.msk [tilespmem:$0x560], $0xff;
	_ =	sdelay $0x4  }
0x9a: {  	v51 =	vshrl.u32 v12, $0x3  }
0x9b: {  	v13 =	vmul.u32 $0x30, v51  }
0x9c: {  	v12 =	vand.u32 $0x7, v12  }
0x9d: {  	v12 =	vor.u32 v12, v13  }
0x9e: {  	v12 =	vperm.xlane v12, v9;
	_ =	sdelay $0x1  }
0x9f: {  	v12 =	vadd.s32 v10, v12;
	_ =	sdelay $0x4  }
0xa0: {  	[tilespmem:s24], [sflag:$0x1] =	stream.indirect_vreg.gather [hbm4b:s1+s4], $0x80, v12, vm0, $0xb8;
	[tilespmem:$0x14640] =	vst v63  }
0xa1: {  	_ = 	snop  }
0xa2: {  	[tilespmem:s25], [sflag:$0x1] =	stream.indirect_vreg.gather [hbm4b:s7+s4], $0x80, v12, vm0, $0xb8;
	[tilespmem:$0x14640] =	vst v63  }
0xa3: {  	_ = 	snop  }
0xa4: {  	[tilespmem:s26], [sflag:$0x1] =	stream.indirect_vreg.gather [hbm4b:s8+s4], $0x80, v12, vm0, $0xb8;
	[tilespmem:$0x14640] =	vst v63  }
0xa5: {  	s6 =	rddreg [dreg:$0xb]  }
0xa6: {  	[tilespmem:s30], [sflag:$0x4] =	stream.linear.gather [spmem:s6], $0x28, $0x38;
	[tilespmem:$0x14640] =	vst v63  }
0xa7: {  	_ =	swait.ge [sflag:s10], $0x28  }
0xa8: {  	[sflag:s10] =	ssyncset.done $0x0  }
0xa9: {  	[sflag:s10] =	ssyncadd.s32 $0xFFFFFFD8  }
0xaa: {  	v52 =	vld [tilespmem:$0x5C0];
	_ =	sdelay $0x4  }
0xab: {  	v53 =	vshrl.u32 v52, $0x3  }
0xac: {  	v13 =	vmul.u32 $0x30, v53  }
0xad: {  	v12 =	vand.u32 $0x7, v52  }
0xae: {  	v12 =	vor.u32 v12, v13  }
0xaf: {  	v13 =	vperm.xlane v12, v9;
	_ =	sdelay $0x1  }
0xb0: {  	v13 =	vadd.s32 v10, v13;
	_ =	sdelay $0x3  }
0xb1: {  	v12 =	vperm.xlane v12, v11  }
0xb2: {  	[tilespmem:s28], [sflag:$0x2] =	stream.indirect_vreg.gather [hbm4b:s1+s4], $0x80, v13, vm0, $0xb8;
	[tilespmem:$0x14640] =	vst v63  }
0xb3: {  	s5 =	simm.s32 $0x8640;
	v12 =	vadd.s32 v10, v12  }
0xb4: {  	[tilespmem:s5], [sflag:$0x2] =	stream.indirect_vreg.gather [hbm4b:s7+s4], $0x80, v13, vm0, $0xb8;
	[tilespmem:$0x14640] =	vst v63  }
0xb5: {  	s6 =	simm.s32 $0x8E40  }
0xb6: {  	[tilespmem:s6], [sflag:$0x2] =	stream.indirect_vreg.gather [hbm4b:s8+s4], $0x80, v13, vm0, $0xb8;
	[tilespmem:$0x14640] =	vst v63  }
0xb7: {  	s13 =	simm.s32 $0x9640  }
0xb8: {  	[tilespmem:s13], [sflag:$0x2] =	stream.indirect_vreg.gather [hbm4b:s1+s4], $0x80, v12, vm0, $0xb8;
	[tilespmem:$0x14640] =	vst v63  }
0xb9: {  	_ = 	snop  }
0xba: {  	[tilespmem:s17], [sflag:$0x2] =	stream.indirect_vreg.gather [hbm4b:s7+s4], $0x80, v12, vm0, $0xb8;
	[tilespmem:$0x14640] =	vst v63  }
0xbb: {  	s13 =	simm.s32 $0xA640  }
0xbc: {  	[tilespmem:s13], [sflag:$0x2] =	stream.indirect_vreg.gather [hbm4b:s8+s4], $0x80, v12, vm0, $0xb8;
	[tilespmem:$0x14640] =	vst v63  }
0xbd: {  	v12 =	vld [tilespmem:$0x5D0];
	_ =	sdelay $0x4  }
0xbe: {  	v54 =	vshrl.u32 v12, $0x3  }
0xbf: {  	v13 =	vmul.u32 $0x30, v54  }
0xc0: {  	v12 =	vand.u32 $0x7, v12  }
0xc1: {  	v12 =	vor.u32 v12, v13  }
0xc2: {  	v13 =	vperm.xlane v12, v9;
	_ =	sdelay $0x1  }
0xc3: {  	v13 =	vadd.s32 v10, v13;
	_ =	sdelay $0x3  }
0xc4: {  	v12 =	vperm.xlane v12, v11  }
0xc5: {  	[tilespmem:s29], [sflag:$0x2] =	stream.indirect_vreg.gather [hbm4b:s1+s4], $0x80, v13, vm0, $0xb8;
	[tilespmem:$0x14640] =	vst v63  }
0xc6: {  	s0 =	simm.s32 $0xB640;
	v12 =	vadd.s32 v10, v12  }
0xc7: {  	[tilespmem:s0], [sflag:$0x2] =	stream.indirect_vreg.gather [hbm4b:s7+s4], $0x80, v13, vm0, $0xb8;
	[tilespmem:$0x14640] =	vst v63  }
0xc8: {  	s0 =	simm.s32 $0xBE40  }
0xc9: {  	[tilespmem:s0], [sflag:$0x2] =	stream.indirect_vreg.gather [hbm4b:s8+s4], $0x80, v13, vm0, $0xb8;
	[tilespmem:$0x14640] =	vst v63  }
0xca: {  	s0 =	simm.s32 $0xC640  }
0xcb: {  	[tilespmem:s0], [sflag:$0x2] =	stream.indirect_vreg.gather [hbm4b:s1+s4], $0x80, v12, vm0, $0xb8;
	[tilespmem:$0x14640] =	vst v63  }
0xcc: {  	s0 =	simm.s32 $0xCE40  }
0xcd: {  	[tilespmem:s0], [sflag:$0x2] =	stream.indirect_vreg.gather [hbm4b:s7+s4], $0x80, v12, vm0, $0xb8;
	[tilespmem:$0x14640] =	vst v63  }
0xce: {  	s0 =	simm.s32 $0xD640  }
0xcf: {  	[tilespmem:s0], [sflag:$0x2] =	stream.indirect_vreg.gather [hbm4b:s8+s4], $0x80, v12, vm0, $0xb8;
	[tilespmem:$0x14640] =	vst v63  }
0xd0: {  	v12 =	vld.msk [tilespmem:$0x5E0], $0xff;
	_ =	sdelay $0x4  }
0xd1: {  	v55 =	vshrl.u32 v12, $0x3  }
0xd2: {  	v13 =	vmul.u32 $0x30, v55  }
0xd3: {  	v12 =	vand.u32 $0x7, v12  }
0xd4: {  	v12 =	vor.u32 v12, v13  }
0xd5: {  	v12 =	vperm.xlane v12, v9;
	_ =	sdelay $0x1  }
0xd6: {  	v12 =	vadd.s32 v10, v12;
	_ =	sdelay $0x3  }
0xd7: {  	s0 =	simm.s32 $0xDE40  }
0xd8: {  	[tilespmem:s0], [sflag:$0x2] =	stream.indirect_vreg.gather [hbm4b:s1+s4], $0x80, v12, vm0, $0xb8;
	[tilespmem:$0x14640] =	vst v63  }
0xd9: {  	s0 =	simm.s32 $0xE640  }
0xda: {  	[tilespmem:s0], [sflag:$0x2] =	stream.indirect_vreg.gather [hbm4b:s7+s4], $0x80, v12, vm0, $0xb8;
	[tilespmem:$0x14640] =	vst v63  }
0xdb: {  	s0 =	simm.s32 $0xEE40  }
0xdc: {  	[tilespmem:s0], [sflag:$0x2] =	stream.indirect_vreg.gather [hbm4b:s8+s4], $0x80, v12, vm0, $0xb8;
	[tilespmem:$0x14640] =	vst v63  }
0xdd: {  	_ =	swait.ge [sflag:s9], $0x7800  }
0xde: {  	[sflag:s9] =	ssyncset.done $0x0  }
0xdf: {  	s0 =	rddreg [dreg:$0xc];
	[sflag:s9] =	ssyncadd.s32 $0xFFFF8800  }
0xe0: {  	[hbm4b:s0+s4] =	stream.linear.scatter [tilespmem:s3], [sflag:$0x4], $0x7800, $0x38;
	[tilespmem:$0x14640] =	vst v63  }
0xe1: {  	_ =	swait.ge [sflag:s10], $0x7800  }
0xe2: {  	[sflag:s10] =	ssyncset.done $0x0  }
0xe3: {  	s0 =	rddreg [dreg:$0xd];
	[sflag:s10] =	ssyncadd.s32 $0xFFFF8800  }
0xe4: {  	[tilespmem:s2], [sflag:$0x4] =	stream.linear.gather [spmem:s0], $0x28, $0x38;
	[tilespmem:$0x14640] =	vst v63  }
0xe5: {  	_ =	swait.ge [sflag:s10], $0x28  }
0xe6: {  	[sflag:s10] =	ssyncset.done $0x0  }
0xe7: {  	[sflag:s10] =	ssyncadd.s32 $0xFFFFFFD8  }
0xe8: {  	v56 =	vld [tilespmem:$0x540];
	_ =	sdelay $0x4  }
0xe9: {  	v57 =	vshrl.u32 v56, $0x3  }
0xea: {  	v13 =	vmul.u32 $0x30, v57  }
0xeb: {  	v12 =	vand.u32 $0x7, v56  }
0xec: {  	v12 =	vor.u32 v12, v13  }
0xed: {  	v13 =	vperm.xlane v12, v9;
	_ =	sdelay $0x1  }
0xee: {  	v13 =	vadd.s32 v10, v13;
	_ =	sdelay $0x3  }
0xef: {  	v12 =	vperm.xlane v12, v11  }
0xf0: {  	[tilespmem:s3], [sflag:$0x1] =	stream.indirect_vreg.gather [hbm4b:s1+s4], $0x80, v13, vm0, $0xb8;
	[tilespmem:$0x14640] =	vst v63  }
0xf1: {  	v12 =	vadd.s32 v10, v12  }
0xf2: {  	[tilespmem:s12], [sflag:$0x1] =	stream.indirect_vreg.gather [hbm4b:s7+s4], $0x80, v13, vm0, $0xb8;
	[tilespmem:$0x14640] =	vst v63  }
0xf3: {  	_ = 	snop  }
0xf4: {  	[tilespmem:s14], [sflag:$0x1] =	stream.indirect_vreg.gather [hbm4b:s8+s4], $0x80, v13, vm0, $0xb8;
	[tilespmem:$0x14640] =	vst v63  }
0xf5: {  	_ = 	snop  }
0xf6: {  	[tilespmem:s15], [sflag:$0x1] =	stream.indirect_vreg.gather [hbm4b:s1+s4], $0x80, v12, vm0, $0xb8;
	[tilespmem:$0x14640] =	vst v63  }
0xf7: {  	_ = 	snop  }
0xf8: {  	[tilespmem:s16], [sflag:$0x1] =	stream.indirect_vreg.gather [hbm4b:s7+s4], $0x80, v12, vm0, $0xb8;
	[tilespmem:$0x14640] =	vst v63  }
0xf9: {  	_ = 	snop  }
0xfa: {  	[tilespmem:s18], [sflag:$0x1] =	stream.indirect_vreg.gather [hbm4b:s8+s4], $0x80, v12, vm0, $0xb8;
	[tilespmem:$0x14640] =	vst v63  }
0xfb: {  	v12 =	vld [tilespmem:$0x550];
	_ =	sdelay $0x4  }
0xfc: {  	v58 =	vshrl.u32 v12, $0x3  }
0xfd: {  	v13 =	vmul.u32 $0x30, v58  }
0xfe: {  	v12 =	vand.u32 $0x7, v12  }
0xff: {  	v12 =	vor.u32 v12, v13  }
0x100: {  	v13 =	vperm.xlane v12, v9;
	_ =	sdelay $0x1  }
0x101: {  	v13 =	vadd.s32 v10, v13;
	_ =	sdelay $0x3  }
0x102: {  	v12 =	vperm.xlane v12, v11  }
0x103: {  	[tilespmem:s31], [sflag:$0x1] =	stream.indirect_vreg.gather [hbm4b:s1+s4], $0x80, v13, vm0, $0xb8;
	[tilespmem:$0x14640] =	vst v63  }
0x104: {  	v12 =	vadd.s32 v10, v12  }
0x105: {  	[tilespmem:s19], [sflag:$0x1] =	stream.indirect_vreg.gather [hbm4b:s7+s4], $0x80, v13, vm0, $0xb8;
	[tilespmem:$0x14640] =	vst v63  }
0x106: {  	_ = 	snop  }
0x107: {  	[tilespmem:s20], [sflag:$0x1] =	stream.indirect_vreg.gather [hbm4b:s8+s4], $0x80, v13, vm0, $0xb8;
	[tilespmem:$0x14640] =	vst v63  }
0x108: {  	_ = 	snop  }
0x109: {  	[tilespmem:s21], [sflag:$0x1] =	stream.indirect_vreg.gather [hbm4b:s1+s4], $0x80, v12, vm0, $0xb8;
	[tilespmem:$0x14640] =	vst v63  }
0x10a: {  	_ = 	snop  }
0x10b: {  	[tilespmem:s22], [sflag:$0x1] =	stream.indirect_vreg.gather [hbm4b:s7+s4], $0x80, v12, vm0, $0xb8;
	[tilespmem:$0x14640] =	vst v63  }
0x10c: {  	_ = 	snop  }
0x10d: {  	[tilespmem:s23], [sflag:$0x1] =	stream.indirect_vreg.gather [hbm4b:s8+s4], $0x80, v12, vm0, $0xb8;
	[tilespmem:$0x14640] =	vst v63  }
0x10e: {  	v12 =	vld.msk [tilespmem:$0x560], $0xff;
	_ =	sdelay $0x4  }
0x10f: {  	v59 =	vshrl.u32 v12, $0x3  }
0x110: {  	v13 =	vmul.u32 $0x30, v59  }
0x111: {  	v12 =	vand.u32 $0x7, v12  }
0x112: {  	v12 =	vor.u32 v12, v13  }
0x113: {  	v12 =	vperm.xlane v12, v9;
	_ =	sdelay $0x1  }
0x114: {  	v12 =	vadd.s32 v10, v12;
	_ =	sdelay $0x4  }
0x115: {  	[tilespmem:s24], [sflag:$0x1] =	stream.indirect_vreg.gather [hbm4b:s1+s4], $0x80, v12, vm0, $0xb8;
	[tilespmem:$0x14640] =	vst v63  }
0x116: {  	_ = 	snop  }
0x117: {  	[tilespmem:s25], [sflag:$0x1] =	stream.indirect_vreg.gather [hbm4b:s7+s4], $0x80, v12, vm0, $0xb8;
	[tilespmem:$0x14640] =	vst v63  }
0x118: {  	s2 =	simm.s32 $0x2  }
0x119: {  	[tilespmem:s26], [sflag:$0x1] =	stream.indirect_vreg.gather [hbm4b:s8+s4], $0x80, v12, vm0, $0xb8;
	[tilespmem:$0x14640] =	vst v63  }
0x11a: {  	_ =	swait.ge [sflag:s2], $0x7800  }
0x11b: {  	[sflag:s2] =	ssyncset.done $0x0  }
0x11c: {  	s31 =	rddreg [dreg:$0xe];
	[sflag:s2] =	ssyncadd.s32 $0xFFFF8800  }
0x11d: {  	[hbm4b:s31+s4] =	stream.linear.scatter [tilespmem:s28], [sflag:$0x4], $0x7800, $0x38;
	[tilespmem:$0x14640] =	vst v63  }
0x11e: {  	_ =	swait.ge [sflag:s10], $0x7800  }
0x11f: {  	[sflag:s10] =	ssyncset.done $0x0  }
0x120: {  	s12 =	rddreg [dreg:$0xf];
	[sflag:s10] =	ssyncadd.s32 $0xFFFF8800  }
0x121: {  	[tilespmem:s30], [sflag:$0x4] =	stream.linear.gather [spmem:s12], $0x28, $0x38;
	[tilespmem:$0x14640] =	vst v63  }
0x122: {  	_ =	swait.ge [sflag:s10], $0x28  }
0x123: {  	[sflag:s10] =	ssyncset.done $0x0  }
0x124: {  	[sflag:s10] =	ssyncadd.s32 $0xFFFFFFD8  }
0x125: {  	v60 =	vld [tilespmem:$0x5C0];
	_ =	sdelay $0x4  }
0x126: {  	v61 =	vshrl.u32 v60, $0x3  }
0x127: {  	v13 =	vmul.u32 $0x30, v61  }
0x128: {  	v12 =	vand.u32 $0x7, v60  }
0x129: {  	v12 =	vor.u32 v12, v13  }
0x12a: {  	v13 =	vperm.xlane v12, v9;
	_ =	sdelay $0x1  }
0x12b: {  	v13 =	vadd.s32 v10, v13;
	_ =	sdelay $0x3  }
0x12c: {  	v12 =	vperm.xlane v12, v11  }
0x12d: {  	[tilespmem:s28], [sflag:$0x2] =	stream.indirect_vreg.gather [hbm4b:s1+s4], $0x80, v13, vm0, $0xb8;
	[tilespmem:$0x14640] =	vst v63  }
0x12e: {  	v12 =	vadd.s32 v10, v12  }
0x12f: {  	[tilespmem:s5], [sflag:$0x2] =	stream.indirect_vreg.gather [hbm4b:s7+s4], $0x80, v13, vm0, $0xb8;
	[tilespmem:$0x14640] =	vst v63  }
0x130: {  	_ = 	snop  }
0x131: {  	[tilespmem:s6], [sflag:$0x2] =	stream.indirect_vreg.gather [hbm4b:s8+s4], $0x80, v13, vm0, $0xb8;
	[tilespmem:$0x14640] =	vst v63  }
0x132: {  	s14 =	simm.s32 $0x9640  }
0x133: {  	[tilespmem:s14], [sflag:$0x2] =	stream.indirect_vreg.gather [hbm4b:s1+s4], $0x80, v12, vm0, $0xb8;
	[tilespmem:$0x14640] =	vst v63  }
0x134: {  	_ = 	snop  }
0x135: {  	[tilespmem:s17], [sflag:$0x2] =	stream.indirect_vreg.gather [hbm4b:s7+s4], $0x80, v12, vm0, $0xb8;
	[tilespmem:$0x14640] =	vst v63  }
0x136: {  	_ = 	snop  }
0x137: {  	[tilespmem:s13], [sflag:$0x2] =	stream.indirect_vreg.gather [hbm4b:s8+s4], $0x80, v12, vm0, $0xb8;
	[tilespmem:$0x14640] =	vst v63  }
0x138: {  	v12 =	vld [tilespmem:$0x5D0];
	_ =	sdelay $0x4  }
0x139: {  	v62 =	vshrl.u32 v12, $0x3  }
0x13a: {  	v13 =	vmul.u32 $0x30, v62  }
0x13b: {  	v12 =	vand.u32 $0x7, v12  }
0x13c: {  	v12 =	vor.u32 v12, v13  }
0x13d: {  	v13 =	vperm.xlane v12, v9;
	_ =	sdelay $0x1  }
0x13e: {  	v13 =	vadd.s32 v10, v13;
	_ =	sdelay $0x3  }
0x13f: {  	v12 =	vperm.xlane v12, v11  }
0x140: {  	[tilespmem:s29], [sflag:$0x2] =	stream.indirect_vreg.gather [hbm4b:s1+s4], $0x80, v13, vm0, $0xb8;
	[tilespmem:$0x14640] =	vst v63  }
0x141: {  	s15 =	simm.s32 $0xB640;
	v12 =	vadd.s32 v10, v12  }
0x142: {  	[tilespmem:s15], [sflag:$0x2] =	stream.indirect_vreg.gather [hbm4b:s7+s4], $0x80, v13, vm0, $0xb8;
	[tilespmem:$0x14640] =	vst v63  }
0x143: {  	s16 =	simm.s32 $0xBE40  }
0x144: {  	[tilespmem:s16], [sflag:$0x2] =	stream.indirect_vreg.gather [hbm4b:s8+s4], $0x80, v13, vm0, $0xb8;
	[tilespmem:$0x14640] =	vst v63  }
0x145: {  	s18 =	simm.s32 $0xC640  }
0x146: {  	[tilespmem:s18], [sflag:$0x2] =	stream.indirect_vreg.gather [hbm4b:s1+s4], $0x80, v12, vm0, $0xb8;
	[tilespmem:$0x14640] =	vst v63  }
0x147: {  	s31 =	simm.s32 $0xCE40  }
0x148: {  	[tilespmem:s31], [sflag:$0x2] =	stream.indirect_vreg.gather [hbm4b:s7+s4], $0x80, v12, vm0, $0xb8;
	[tilespmem:$0x14640] =	vst v63  }
0x149: {  	s5 =	simm.s32 $0xD640  }
0x14a: {  	[tilespmem:s5], [sflag:$0x2] =	stream.indirect_vreg.gather [hbm4b:s8+s4], $0x80, v12, vm0, $0xb8;
	[tilespmem:$0x14640] =	vst v63  }
0x14b: {  	v12 =	vld.msk [tilespmem:$0x5E0], $0xff;
	_ =	sdelay $0x4  }
0x14c: {  	v63 =	vshrl.u32 v12, $0x3  }
0x14d: {  	v13 =	vmul.u32 $0x30, v63  }
0x14e: {  	v12 =	vand.u32 $0x7, v12  }
0x14f: {  	v12 =	vor.u32 v12, v13  }
0x150: {  	v12 =	vperm.xlane v12, v9;
	_ =	sdelay $0x1  }
0x151: {  	v12 =	vadd.s32 v10, v12;
	_ =	sdelay $0x3  }
0x152: {  	s6 =	simm.s32 $0xDE40  }
0x153: {  	[tilespmem:s6], [sflag:$0x2] =	stream.indirect_vreg.gather [hbm4b:s1+s4], $0x80, v12, vm0, $0xb8;
	[tilespmem:$0x14640] =	vst v63  }
0x154: {  	s12 =	simm.s32 $0xE640  }
0x155: {  	[tilespmem:s12], [sflag:$0x2] =	stream.indirect_vreg.gather [hbm4b:s7+s4], $0x80, v12, vm0, $0xb8;
	[tilespmem:$0x14640] =	vst v63  }
0x156: {  	s13 =	simm.s32 $0xEE40  }
0x157: {  	[tilespmem:s13], [sflag:$0x2] =	stream.indirect_vreg.gather [hbm4b:s8+s4], $0x80, v12, vm0, $0xb8;
	[tilespmem:$0x14640] =	vst v63  }
0x158: {  	_ =	swait.ge [sflag:s9], $0x7800  }
0x159: {  	[sflag:s9] =	ssyncset.done $0x0  }
0x15a: {  	s14 =	rddreg [dreg:$0x10];
	[sflag:s9] =	ssyncadd.s32 $0xFFFF8800  }
0x15b: {  	[hbm4b:s14+s4] =	stream.linear.scatter [tilespmem:s3], [sflag:$0x4], $0x7800, $0x38;
	[tilespmem:$0x14640] =	vst v63  }
0x15c: {  	_ =	swait.ge [sflag:s10], $0x7800  }
0x15d: {  	[sflag:s10] =	ssyncset.done $0x0  }
0x15e: {  	[sflag:s10] =	ssyncadd.s32 $0xFFFF8800  }
0x15f: {  	_ =	swait.ge [sflag:s2], $0x7800  }
0x160: {  	[sflag:s2] =	ssyncset.done $0x0  }
0x161: {  	s15 =	rddreg [dreg:$0x11];
	[sflag:s2] =	ssyncadd.s32 $0xFFFF8800  }
0x162: {  	[hbm4b:s15+s4] =	stream.linear.scatter [tilespmem:s28], [sflag:$0x4], $0x7800, $0x38;
	[tilespmem:$0x14640] =	vst v63  }
0x163: {  	_ =	swait.ge [sflag:s10], $0x7800  }
0x164: {  	[sflag:s10] =	ssyncset.done $0x0  }
0x165: {  	s16 =	simm.s32 $0x3;
	[sflag:s10] =	ssyncadd.s32 $0xFFFF8800  }
0x166: {  	s11 =	sadd.s32 $0xFFFFFFFF, s11;
	_ =	swait.ge [sflag:s16], $0x5000  }
0x167: {  	p1 =	sne.s32 s11, $0x0;
	s31 =	simm.s32 $0xF640;
	[sflag:s16] =	ssyncset.done $0x0  }
.Ltmp0:
0x168: {  	s18 =	rddreg [dreg:$0x12];
	[sflag:s16] =	ssyncadd.s32 $0xFFFFB000;
	(pc) =	sbr.rel @p1 .LBB2_1-.Ltmp0, $4  }
0x169: {  	[hbm4b:s18+s4] =	stream.linear.scatter [tilespmem:s31], [sflag:$0x4], $0x5000, $0x38;
	[tilespmem:$0x14640] =	vst v63  }
0x16a: {  	_ =	swait.ge [sflag:s10], $0x5000  }
0x16b: {  	[sflag:s10] =	ssyncset.done $0x0  }
0x16c: {  	[sflag:s10] =	ssyncadd.s32 $0xFFFFB000  }
0x16d: {  	_ =	sfence.sel $0x180000  }
0x16e: {  	[bflag:$0x0] =	sbarrier.arrive $0xFFFF  }
0x16f: {  	_ =	strace $0x90000047  }
0x170: {  	s0 =	stileid.u32;
	[bflag:$0x2] =	sbarrier.arrive $0xFFFF  }
0x171: {  	p0 =	sne.s32 s0, $0x0;
	s0 =	rddreg [dreg:$0x4]  }
0x172: {  	s0 =	sadd.s32 @!p0 $0x100000, s0  }
0x173: {  	[sflag:s0] =	ssyncadd.tile.s32 @!p0 $0x1;
	_ =	shalt  }
.Lfunc_end2:
_tile_overlayer_lowered:
.L_overlay_start_2:
0x174: {  	(tag) =	ssettag $0x2  }
0x175: {  	s0 =	rddreg [dreg:$0x0];
	s2 =	stileid.u32  }
0x176: {  	s1 =	rddreg [dreg:$0x1];
	p0 =	sne.s32 s2, $0x0  }
0x177: {  	s3 =	rddreg [dreg:$0x2];
	[bflag:$0x3] =	sbarrier.arrive $0xFFFF;
	s2 =	simm.s32 @!p0 $0x1C04  }
0x178: {  	[timem:s3], [sflag:s2] =	dma.local @!p0 [hbm:s0], s1  }
0x179: {  	s0 =	simm.s32 @!p0 $0x4  }
0x17a: {  	_ =	swait.ge @!p0 [sflag:s0], s1  }
0x17b: {  	s1 =	ssub.s32 @!p0 $0x0, s1;
	[sflag:s0] =	ssyncset.done @!p0 $0x0  }
0x17c: {  	[sflag:s0] =	ssyncadd.s32 @!p0 s1  }
0x17d: {  	[bflag:$0x3] =	sbarrier.arrive $0xFFFF  }
0x17e: {  	_ =	shalt  }

// kernel: kernel.9.cloned.1.call-start
scs
__scs_entry_jumppad:
0x0: {  	(pc) =	sbr.rel $0x88, $3  }
0x1: {  	(tag) =	ssettag $0x0;
	lr =	simm.s32 $0x1  }
0x2: {  	[smem:$0x3F91] =	sst lr;
	_ =	strace $0xD0000000  }
0x3: {  	_ = 	snop  }
0x4: {  	_ = 	snop  }
0x5: {  	_ = 	snop  }
0x6: {  	_ = 	snop  }
0x7: {  	_ = 	snop  }
__scs_overlays_trampoline_lowered:
0x8: {  	[smem:$0x3FA0] =	sst s0  }
0x9: {  	[smem:$0x3FA1] =	sst s1  }
0xa: {  	[smem:$0x3FA2] =	sst s2  }
0xb: {  	[smem:$0x3FA3] =	sst s3  }
0xc: {  	[smem:$0x3FA4] =	sst s4  }
0xd: {  	[smem:$0x3FA5] =	sst s5  }
0xe: {  	[smem:$0x3FA6] =	sst s6  }
0xf: {  	[smem:$0x3FA7] =	sst s7  }
0x10: {  	[smem:$0x3FA8] =	sst s8  }
0x11: {  	[smem:$0x3FA9] =	sst s9;
	s0 =	simm.s32 @!p0 $0x0  }
0x12: {  	s1 =	sld [smem:$0x3F8F];
	s0 =	simm.s32 @p0 $0x1  }
0x13: {  	[smem:$0x3FAA] =	sst s0;
	s0 =	simm.s32 @!p1 $0x0  }
0x14: {  	s2 =	sld [smem:$0x3F8E];
	s0 =	simm.s32 @p1 $0x1  }
0x15: {  	[smem:$0x3FAB] =	sst s0;
	s0 =	simm.s32 @!p2 $0x0  }
0x16: {  	s3 =	sld [smem:$0x3FDB];
	s0 =	simm.s32 @p2 $0x1  }
0x17: {  	s4 =	simm.s32 $0x1BF5;
	[smem:$0x3FAD] =	sst s0  }
0x18: {  	s0 =	sld [smem:$0x3F90];
	_ =	swait.ge [sflag:s4], $0x0  }
0x19: {  	s7 =	sld [smem:$0x3F91]  }
0x1a: {  	s8 =	sadd.s32 $0xFFFFE003, lr  }
0x1b: {  	s9 =	sadd.s32 $0xFFFFFEF7, lr;
	s5 =	simm.s32 $0xFFFFFFFF;
	p2 =	slt.u32 s8, $0xFFFFF086  }
0x1c: {  	p1 =	slt.u32 s9, $0xF7A;
	s5 =	simm.s32 @!p2 $0x0  }
0x1d: {  	s5 =	simm.s32 @p1 $0x1;
	p0 =	seq.s32 s7, s2  }
0x1e: {  	s7 =	smul.u32 @!p0 $0xF7A, s2;
	p2 =	seq.s32 @!p0 s5, $0x0  }
0x1f: {  	s9 =	smul.u32 $0xF7A, s1;
	s8 =	simm.s32 @!p0 $0x1BF5;
	p2 =	por !p2, p0  }
0x20: {  	[sflag:s8] =	ssyncset.s32 @!p0 $0xFFFFF086;
	s6 =	sadd.s32 @!p0 s3, s7;
	s7 =	simm.s32 @!p0 $0x108  }
0x21: {  	s3 =	sadd.s32 s3, s9;
	s6 =	sadd.s32 @!p0 $0x88, s6;
	s7 =	simm.s32 @p2 $0x1082  }
0x22: {  	[simem:s7], [sflag:s8] =	dma.local @!p0 [hbm:s6], $0xF7A  }
0x23: {  	s9 =	sor.u32 $0xD0000000, s2;
	s6 =	simm.s32 $0x108;
	_ =	swait.ge @!p0 [sflag:s8], $0x0  }
0x24: {  	s3 =	sadd.s32 $0x88, s3;
	s6 =	simm.s32 @!p1 $0x1082;
	[sflag:s4] =	ssyncset.s32 $0xFFFFF086  }
0x25: {  	[simem:s6], [sflag:s4] =	dma.local [hbm:s3], $0xF7A  }
0x26: {  	[smem:$0x3F91] =	sst s1;
	(tag) =	ssettag s2;
	_ =	strace s9  }
0x27: {  	s1 =	sld [smem:$0x3FA1]  }
0x28: {  	s2 =	sld [smem:$0x3FA2]  }
0x29: {  	s4 =	sld [smem:$0x3FA4]  }
0x2a: {  	p0 =	seq.s32 s5, $0x0;
	s5 =	sld [smem:$0x3FA5]  }
0x2b: {  	s6 =	sld [smem:$0x3FA6]  }
0x2c: {  	s7 =	sld [smem:$0x3FA7]  }
0x2d: {  	s3 =	simm.s32 $0x108;
	s8 =	sld [smem:$0x3FA8]  }
0x2e: {  	s3 =	simm.s32 @!p0 $0x1082;
	s9 =	sld [smem:$0x3FA9]  }
0x2f: {  	lr =	sadd.s32 s0, s3;
	s0 =	sld [smem:$0x3FA0]  }
0x30: {  	s3 =	sld [smem:$0x3FA3]  }
0x31: {  	[smem:$0x3FAC] =	sst s10  }
0x32: {  	s10 =	sld [smem:$0x3FAA];
	_ =	sdelay $0x3  }
0x33: {  	p0 =	seq.s32 s10, $0x1;
	s10 =	sld [smem:$0x3FAC];
	_ =	sdelay $0x3  }
0x34: {  	[smem:$0x3FAC] =	sst s10  }
0x35: {  	s10 =	sld [smem:$0x3FAB];
	_ =	sdelay $0x3  }
0x36: {  	p1 =	seq.s32 s10, $0x1;
	s10 =	sld [smem:$0x3FAC];
	_ =	sdelay $0x3  }
0x37: {  	[smem:$0x3FAC] =	sst s10  }
0x38: {  	s10 =	sld [smem:$0x3FAD]  }
0x39: {  	_ = 	snop;
	(pc) =	sbr.ind lr, $3  }
0x3a: {  	_ = 	snop  }
0x3b: {  	_ = 	snop  }
0x3c: {  	p2 =	seq.s32 s10, $0x1;
	s10 =	sld [smem:$0x3FAC]  }
0x3d: {  	_ =	shalt  }
0x3e: {  	_ =	shalt  }
0x3f: {  	_ =	shalt  }
0x40: {  	_ =	shalt  }
0x41: {  	_ =	shalt  }
0x42: {  	_ =	shalt  }
0x43: {  	_ =	shalt  }
0x44: {  	_ =	shalt  }
0x45: {  	_ =	shalt  }
0x46: {  	_ =	shalt  }
0x47: {  	_ =	shalt  }
0x48: {  	_ =	shalt  }
0x49: {  	_ =	shalt  }
0x4a: {  	_ =	shalt  }
0x4b: {  	_ =	shalt  }
0x4c: {  	_ =	shalt  }
0x4d: {  	_ =	shalt  }
0x4e: {  	_ =	shalt  }
0x4f: {  	_ =	shalt  }
0x50: {  	_ =	shalt  }
0x51: {  	_ =	shalt  }
0x52: {  	_ =	shalt  }
0x53: {  	_ =	shalt  }
0x54: {  	_ =	shalt  }
0x55: {  	_ =	shalt  }
0x56: {  	_ =	shalt  }
0x57: {  	_ =	shalt  }
0x58: {  	_ =	shalt  }
0x59: {  	_ =	shalt  }
0x5a: {  	_ =	shalt  }
0x5b: {  	_ =	shalt  }
0x5c: {  	_ =	shalt  }
0x5d: {  	_ =	shalt  }
0x5e: {  	_ =	shalt  }
0x5f: {  	_ =	shalt  }
0x60: {  	_ =	shalt  }
0x61: {  	_ =	shalt  }
0x62: {  	_ =	shalt  }
0x63: {  	_ =	shalt  }
0x64: {  	_ =	shalt  }
0x65: {  	_ =	shalt  }
0x66: {  	_ =	shalt  }
0x67: {  	_ =	shalt  }
0x68: {  	_ =	shalt  }
0x69: {  	_ =	shalt  }
0x6a: {  	_ =	shalt  }
0x6b: {  	_ =	shalt  }
0x6c: {  	_ =	shalt  }
0x6d: {  	_ =	shalt  }
0x6e: {  	_ =	shalt  }
0x6f: {  	_ =	shalt  }
0x70: {  	_ =	shalt  }
0x71: {  	_ =	shalt  }
0x72: {  	_ =	shalt  }
0x73: {  	_ =	shalt  }
0x74: {  	_ =	shalt  }
0x75: {  	_ =	shalt  }
0x76: {  	_ =	shalt  }
0x77: {  	_ =	shalt  }
0x78: {  	_ =	shalt  }
0x79: {  	_ =	shalt  }
0x7a: {  	_ =	shalt  }
0x7b: {  	_ =	shalt  }
0x7c: {  	_ =	shalt  }
0x7d: {  	_ =	shalt  }
0x7e: {  	_ =	shalt  }
0x7f: {  	_ =	shalt  }
0x80: {  	_ =	shalt  }
0x81: {  	_ =	shalt  }
0x82: {  	_ =	shalt  }
0x83: {  	_ =	shalt  }
0x84: {  	_ =	shalt  }
0x85: {  	_ =	shalt  }
0x86: {  	_ =	shalt  }
0x87: {  	_ =	shalt  }
.Lfunc_end0:
.L_simem_size_0:
called_computation.1_lowered:
.L_overlay_start_0:
0x88: {  	s2 =	sld [smem:$0x3FD9]  }
0x89: {  	s3 =	sld [smem:$0x3FFE];
	_ =	sdelay $0x1  }
0x8a: {  	s1 =	srdreg.scid  }
0x8b: {  	s0 =	sand.u32 $0x1, s1  }
0x8c: {  	s14 =	sshll.u32 s0, $0xA;
	s2 =	sadd.s32 s3, s2  }
0x8d: {  	s2 =	sadd.s32 s2, s14  }
0x8e: {  	[smem:$0x3FB8] =	sst s2  }
0x8f: {  	_ = 	snop  }
0x90: {  	s2 =	sld [smem:$0x3FD0];
	_ =	sdelay $0x2  }
0x91: {  	s15 =	simm.s32 $0xA;
	s4 =	simm.s32 $0x10  }
0x92: {  	[smem:s4], [sflag:s15] =	dma.local [hbm:s2], $0x1  }
0x93: {  	_ =	swait.eq [sflag:s15], $0x1  }
0x94: {  	[sflag:s15] =	ssyncset.done $0x0  }
0x95: {  	[sflag:s15] =	ssyncadd.s32 $0xFFFFFFFF  }
0x96: {  	s16 =	sld [smem:$0x10];
	(tm) =	ssettm $0x1  }
0x97: {  	s17 =	sld [smem:$0x3FFB];
	_ =	sdelay $0x3  }
0x98: {  	_ =	strace s17  }
0x99: {  	s3 =	sld [smem:$0x3FFC];
	_ =	sdelay $0x3  }
0x9a: {  	_ =	strace s3  }
0x9b: {  	s3 =	sld [smem:$0x3FFD];
	_ =	sdelay $0x3  }
0x9c: {  	_ =	strace s3  }
0x9d: {  	_ =	strace $0x8FFFFFFF  }
0x9e: {  	s18 =	sld [smem:$0x3FDB];
	_ =	sdelay $0x1  }
0x9f: {  	s19 =	simm.s32 $_scs_section_size  }
0xa0: {  	s5 =	simm.s32 $_size__tile_overlayer_lowered;
	s6 =	simm.s32 $_tile_overlayer_lowered  }
0xa1: {  	s22 =	simm.s32 $0x1BFF;
	s21 =	sshll.u32 s6, $0x1;
	s3 =	sadd.s32 s19, s18  }
0xa2: {  	s7 =	simm.s32 $0x0;
	s20 =	sshll.u32 s5, $0x1;
	s5 =	sadd.s32 s21, s3  }
0xa3: {  	[timem:s7], [sflag:s22] =	dma.local [hbm:s5], s20  }
0xa4: {  	_ =	swait.ge [sflag:s22], s20  }
0xa5: {  	s4 =	ssub.s32 $0x0, s20;
	[sflag:s22] =	ssyncset.done $0x0  }
0xa6: {  	[sflag:s22] =	ssyncadd.s32 s4;
	_ =	sdelay $0x1  }
0xa7: {  	s23 =	simm.s32 $0x1B8B  }
0xa8: {  	_ =	swait.ge [sflag:s23], $0x1  }
0xa9: {  	[sflag:s23] =	ssyncset.done $0x0  }
0xaa: {  	s25 =	simm.s32 $0x1B8E;
	s24 =	sld [smem:$0x3FFE];
	[sflag:s23] =	ssyncadd.s32 $0xFFFFFFFF  }
0xab: {  	s26 =	simm.s32 $execute0_lowered;
	[smem:$0x3FD2] =	sst s25  }
0xac: {  	s5 =	sshll.u32 s26, $0x1;
	_ =	strace $0x80000049;
	[dreg:$0x1] =	wrdreg $0xFFFFFFFF  }
0xad: {  	s28 =	simm.s32 $_size_execute0_lowered;
	s3 =	sadd.s32 s3, s5;
	[dreg:$0x0] =	wrdreg $0x0  }
0xae: {  	s5 =	sshll.u32 s28, $0x1;
	[dreg:$0x2] =	wrdreg s3  }
0xaf: {  	[dreg:$0x3] =	wrdreg s5  }
0xb0: {  	[dreg:$0x4] =	wrdreg $0xC0  }
0xb1: {  	_ =	task [dreg:s7], $0x5FFFF  }
0xb2: {  	[dreg:$0x1] =	wrdreg $0xFFFFFFFF  }
0xb3: {  	[dreg:$0x0] =	wrdreg $0x60  }
0xb4: {  	[dreg:$0x2] =	wrdreg s24  }
0xb5: {  	[dreg:$0x3] =	wrdreg s16  }
0xb6: {  	[dreg:$0x4] =	wrdreg $0x9  }
0xb7: {  	_ =	task.clear_ibuf [dreg:s7], $0x5FFFF;
	_ =	strace $0x90000049  }
0xb8: {  	s29 =	simm.s32 $0x9;
	_ =	strace $0x8000004B  }
0xb9: {  	_ =	swait.ge [sflag:s29], $0x1  }
0xba: {  	[sflag:s29] =	ssyncadd.s32 $0xFFFFFFFF  }
0xbb: {  	_ =	strace $0x9000004B  }
0xbc: {  	_ =	sfence  }
0xbd: {  	s30 =	sld [smem:$0x0];
	_ =	sdelay $0x2  }
0xbe: {  	s31 =	sshll.u32 s1, $0xD;
	s1 =	sshrl.u32 s1, $0x2  }
0xbf: {  	s3 =	sand.u32 $0x4000, s31;
	s1 =	sadd.s32 s1, s30  }
0xc0: {  	s0 =	sor.u32 s3, s0;
	s1 =	sshll.u32 s1, $0x11  }
0xc1: {  	s0 =	sor.u32 s1, s0  }
0xc2: {  	s0 =	sadd.s32 $0x8F2B, s0  }
0xc3: {  	[sflag:s0] =	ssyncadd.remote.s32 $0x1  }
0xc4: {  	_ =	sfence.sel $0xFFFF  }
0xc5: {  	[dreg:$0x0] =	wrdreg $0xFFFFFFFF;
	(pc) =	sbr.abs _section_cstart, $3  }
0xc6: {  	[dreg:$0x1] =	wrdreg $0xFFFFFFFF  }
0xc7: {  	_ =	task.clear_ibuf [dreg:s7], $0x2FFFF;
	_ =	strace $0x9FFFFFFF  }
0xc8: {  	(tm) =	ssettm $0x7FFFFFFF  }
0xc9: {  	_ =	shalt  }
tec
execute0_lowered:
.L_overlay_start_1:
0x0: {  	(tag) =	ssettag $0x1  }
0x1: {  	s0 =	rddreg [dreg:$0x0]  }
0x2: {  	s1 =	rddreg [dreg:$0x1];
	s3 =	srdreg.scid  }
0x3: {  	s2 =	simm.s32 $0x0;
	s4 =	stileid.u32;
	s10 =	simm.s32 $0x2  }
0x4: {  	s12 =	simm.s32 $0x100;
	s15 =	simm.s32 $0x1;
	s29 =	simm.s32 $0x12100  }
0x5: {  	s30 =	simm.s32 $0x12900;
	s31 =	simm.s32 $0x13100;
	s11 =	simm.s32 $0x14900  }
0x6: {  	s13 =	simm.s32 $0x15100;
	s14 =	simm.s32 $0x15900;
	s16 =	simm.s32 $0x16100  }
0x7: {  	s17 =	simm.s32 $0x16900;
	s18 =	simm.s32 $0x17100;
	s19 =	simm.s32 $0x17900  }
0x8: {  	s20 =	simm.s32 $0x0;
	s3 =	sand.u32 $0x1, s3;
	[smem:$0x7FF] =	sst s2  }
0x9: {  	s4 =	sshll.u32 s4, $0x4;
	s5 =	sshll.u32 s3, $0x3;
	s28 =	ssub.s32 $0x2, s3  }
0xa: {  	_ =	strace $0x8000004A;
	s5 =	sor.u32 s5, s4;
	s7 =	sshrl.u32 s28, $0x1  }
0xb: {  	s3 =	sadd.s32 $0x84200, s0;
	s6 =	sadd.s32 s5, s0;
	s9 =	ssub.s32 s28, s7  }
0xc: {  	v2 =	vlaneseq.u32;
	s8 =	smul.u32 $0x300, s5;
	s7 =	sadd.s32 $0x84400, s0;
	s4 =	sadd.s32 $0xBC00, s6  }
0xd: {  	vm0 =	vmmov $0xffff;
	v1 =	vshrl.u32 v2, $0x3;
	s5 =	sadd.s32 $0x3400, s6;
	s6 =	sadd.s32 $0x84300, s0;
	s9 =	smax.u32 s9, $0x1  }
0xe: {  	v0 =	vand.u32 $0x7, v2;
	v2 =	vor.u32 $0x8, v2;
	v1 =	vmul.u32 $0x8, v1;
	s0 =	simm.s32 $0x13900;
	s8 =	sadd.s32 s1, s8;
	s1 =	simm.s32 $0x14100  }
.LBB2_1:
0xf: {  	[tilespmem:s2], [sflag:$0x2] =	stream.linear.gather [hbm4b:s4+s2], $0x40, $0x38;
	[tilespmem:$0x18100] =	vst v63  }
0x10: {  	_ =	swait.ge [sflag:s10], $0x40  }
0x11: {  	[sflag:s10] =	ssyncset.done $0x0  }
0x12: {  	s21 =	simm.s32 $0x80;
	[sflag:s10] =	ssyncadd.s32 $0xFFFFFFC0  }
0x13: {  	[tilespmem:s21], [sflag:$0x2] =	stream.linear.gather [hbm4b:s5+s2], $0x40, $0x38;
	[tilespmem:$0x18100] =	vst v63  }
0x14: {  	_ =	swait.ge [sflag:s10], $0x40  }
0x15: {  	[sflag:s10] =	ssyncset.done $0x0  }
0x16: {  	[sflag:s10] =	ssyncadd.s32 $0xFFFFFFC0  }
0x17: {  	v3 =	vld [tilespmem:$0x0];
	_ =	sdelay $0x4  }
0x18: {  	v4 =	vshrl.u32 v3, $0x3  }
0x19: {  	v4 =	vmul.u32 $0x30, v4  }
0x1a: {  	v3 =	vand.u32 $0x7, v3  }
0x1b: {  	v3 =	vor.u32 v3, v4  }
0x1c: {  	v4 =	vperm.xlane v3, v0;
	_ =	sdelay $0x1  }
0x1d: {  	v4 =	vadd.s32 v1, v4;
	_ =	sdelay $0x3  }
0x1e: {  	v3 =	vperm.xlane v3, v2  }
0x1f: {  	[tilespmem:s12], [sflag:$0x1] =	stream.indirect_vreg.gather [hbm4b:s3+s2], $0x80, v4, vm0, $0xb8;
	[tilespmem:$0x18100] =	vst v63  }
0x20: {  	s23 =	simm.s32 $0x900;
	v3 =	vadd.s32 v1, v3  }
0x21: {  	[tilespmem:s23], [sflag:$0x1] =	stream.indirect_vreg.gather [hbm4b:s6+s2], $0x80, v4, vm0, $0xb8;
	[tilespmem:$0x18100] =	vst v63  }
0x22: {  	s24 =	simm.s32 $0x1100  }
0x23: {  	[tilespmem:s24], [sflag:$0x1] =	stream.indirect_vreg.gather [hbm4b:s7+s2], $0x80, v4, vm0, $0xb8;
	[tilespmem:$0x18100] =	vst v63  }
0x24: {  	s25 =	simm.s32 $0x1900  }
0x25: {  	[tilespmem:s25], [sflag:$0x1] =	stream.indirect_vreg.gather [hbm4b:s3+s2], $0x80, v3, vm0, $0xb8;
	[tilespmem:$0x18100] =	vst v63  }
0x26: {  	s26 =	simm.s32 $0x2100  }
0x27: {  	[tilespmem:s26], [sflag:$0x1] =	stream.indirect_vreg.gather [hbm4b:s6+s2], $0x80, v3, vm0, $0xb8;
	[tilespmem:$0x18100] =	vst v63  }
0x28: {  	s28 =	simm.s32 $0x2900  }
0x29: {  	[tilespmem:s28], [sflag:$0x1] =	stream.indirect_vreg.gather [hbm4b:s7+s2], $0x80, v3, vm0, $0xb8;
	[tilespmem:$0x18100] =	vst v63  }
0x2a: {  	v3 =	vld [tilespmem:$0x10];
	_ =	sdelay $0x4  }
0x2b: {  	v57 =	vshrl.u32 v3, $0x3  }
0x2c: {  	v4 =	vmul.u32 $0x30, v57  }
0x2d: {  	v3 =	vand.u32 $0x7, v3  }
0x2e: {  	v3 =	vor.u32 v3, v4  }
0x2f: {  	v4 =	vperm.xlane v3, v0;
	_ =	sdelay $0x1  }
0x30: {  	v4 =	vadd.s32 v1, v4;
	_ =	sdelay $0x3  }
0x31: {  	s22 =	simm.s32 $0x3100;
	v3 =	vperm.xlane v3, v2  }
0x32: {  	[tilespmem:s22], [sflag:$0x1] =	stream.indirect_vreg.gather [hbm4b:s3+s2], $0x80, v4, vm0, $0xb8;
	[tilespmem:$0x18100] =	vst v63  }
0x33: {  	s23 =	simm.s32 $0x3900;
	v3 =	vadd.s32 v1, v3  }
0x34: {  	[tilespmem:s23], [sflag:$0x1] =	stream.indirect_vreg.gather [hbm4b:s6+s2], $0x80, v4, vm0, $0xb8;
	[tilespmem:$0x18100] =	vst v63  }
0x35: {  	s24 =	simm.s32 $0x4100  }
0x36: {  	[tilespmem:s24], [sflag:$0x1] =	stream.indirect_vreg.gather [hbm4b:s7+s2], $0x80, v4, vm0, $0xb8;
	[tilespmem:$0x18100] =	vst v63  }
0x37: {  	s25 =	simm.s32 $0x4900  }
0x38: {  	[tilespmem:s25], [sflag:$0x1] =	stream.indirect_vreg.gather [hbm4b:s3+s2], $0x80, v3, vm0, $0xb8;
	[tilespmem:$0x18100] =	vst v63  }
0x39: {  	s26 =	simm.s32 $0x5100  }
0x3a: {  	[tilespmem:s26], [sflag:$0x1] =	stream.indirect_vreg.gather [hbm4b:s6+s2], $0x80, v3, vm0, $0xb8;
	[tilespmem:$0x18100] =	vst v63  }
0x3b: {  	s28 =	simm.s32 $0x5900  }
0x3c: {  	[tilespmem:s28], [sflag:$0x1] =	stream.indirect_vreg.gather [hbm4b:s7+s2], $0x80, v3, vm0, $0xb8;
	[tilespmem:$0x18100] =	vst v63  }
0x3d: {  	v3 =	vld [tilespmem:$0x20];
	_ =	sdelay $0x4  }
0x3e: {  	v58 =	vshrl.u32 v3, $0x3  }
0x3f: {  	v4 =	vmul.u32 $0x30, v58  }
0x40: {  	v3 =	vand.u32 $0x7, v3  }
0x41: {  	v3 =	vor.u32 v3, v4  }
0x42: {  	v4 =	vperm.xlane v3, v0;
	_ =	sdelay $0x1  }
0x43: {  	v4 =	vadd.s32 v1, v4;
	_ =	sdelay $0x3  }
0x44: {  	s22 =	simm.s32 $0x6100;
	v3 =	vperm.xlane v3, v2  }
0x45: {  	[tilespmem:s22], [sflag:$0x1] =	stream.indirect_vreg.gather [hbm4b:s3+s2], $0x80, v4, vm0, $0xb8;
	[tilespmem:$0x18100] =	vst v63  }
0x46: {  	s23 =	simm.s32 $0x6900;
	v3 =	vadd.s32 v1, v3  }
0x47: {  	[tilespmem:s23], [sflag:$0x1] =	stream.indirect_vreg.gather [hbm4b:s6+s2], $0x80, v4, vm0, $0xb8;
	[tilespmem:$0x18100] =	vst v63  }
0x48: {  	s24 =	simm.s32 $0x7100  }
0x49: {  	[tilespmem:s24], [sflag:$0x1] =	stream.indirect_vreg.gather [hbm4b:s7+s2], $0x80, v4, vm0, $0xb8;
	[tilespmem:$0x18100] =	vst v63  }
0x4a: {  	s25 =	simm.s32 $0x7900  }
0x4b: {  	[tilespmem:s25], [sflag:$0x1] =	stream.indirect_vreg.gather [hbm4b:s3+s2], $0x80, v3, vm0, $0xb8;
	[tilespmem:$0x18100] =	vst v63  }
0x4c: {  	s26 =	simm.s32 $0x8100  }
0x4d: {  	[tilespmem:s26], [sflag:$0x1] =	stream.indirect_vreg.gather [hbm4b:s6+s2], $0x80, v3, vm0, $0xb8;
	[tilespmem:$0x18100] =	vst v63  }
0x4e: {  	s28 =	simm.s32 $0x8900  }
0x4f: {  	[tilespmem:s28], [sflag:$0x1] =	stream.indirect_vreg.gather [hbm4b:s7+s2], $0x80, v3, vm0, $0xb8;
	[tilespmem:$0x18100] =	vst v63  }
0x50: {  	v3 =	vld [tilespmem:$0x30];
	_ =	sdelay $0x4  }
0x51: {  	v59 =	vshrl.u32 v3, $0x3  }
0x52: {  	v4 =	vmul.u32 $0x30, v59  }
0x53: {  	v3 =	vand.u32 $0x7, v3  }
0x54: {  	v3 =	vor.u32 v3, v4  }
0x55: {  	v4 =	vperm.xlane v3, v0;
	_ =	sdelay $0x1  }
0x56: {  	v4 =	vadd.s32 v1, v4;
	_ =	sdelay $0x3  }
0x57: {  	s22 =	simm.s32 $0x9100;
	v3 =	vperm.xlane v3, v2  }
0x58: {  	[tilespmem:s22], [sflag:$0x1] =	stream.indirect_vreg.gather [hbm4b:s3+s2], $0x80, v4, vm0, $0xb8;
	[tilespmem:$0x18100] =	vst v63  }
0x59: {  	s23 =	simm.s32 $0x9900;
	v3 =	vadd.s32 v1, v3  }
0x5a: {  	[tilespmem:s23], [sflag:$0x1] =	stream.indirect_vreg.gather [hbm4b:s6+s2], $0x80, v4, vm0, $0xb8;
	[tilespmem:$0x18100] =	vst v63  }
0x5b: {  	s24 =	simm.s32 $0xA100  }
0x5c: {  	[tilespmem:s24], [sflag:$0x1] =	stream.indirect_vreg.gather [hbm4b:s7+s2], $0x80, v4, vm0, $0xb8;
	[tilespmem:$0x18100] =	vst v63  }
0x5d: {  	s25 =	simm.s32 $0xA900  }
0x5e: {  	[tilespmem:s25], [sflag:$0x1] =	stream.indirect_vreg.gather [hbm4b:s3+s2], $0x80, v3, vm0, $0xb8;
	[tilespmem:$0x18100] =	vst v63  }
0x5f: {  	s26 =	simm.s32 $0xB100  }
0x60: {  	[tilespmem:s26], [sflag:$0x1] =	stream.indirect_vreg.gather [hbm4b:s6+s2], $0x80, v3, vm0, $0xb8;
	[tilespmem:$0x18100] =	vst v63  }
0x61: {  	s28 =	simm.s32 $0xB900  }
0x62: {  	[tilespmem:s28], [sflag:$0x1] =	stream.indirect_vreg.gather [hbm4b:s7+s2], $0x80, v3, vm0, $0xb8;
	[tilespmem:$0x18100] =	vst v63  }
0x63: {  	_ =	swait.ge [sflag:s15], $0xC000  }
0x64: {  	[sflag:s15] =	ssyncset.done $0x0  }
0x65: {  	[sflag:s15] =	ssyncadd.s32 $0xFFFF4000  }
0x66: {  	v3 =	vld [tilespmem:$0x80];
	_ =	sdelay $0x4  }
0x67: {  	v60 =	vshrl.u32 v3, $0x3  }
0x68: {  	v4 =	vmul.u32 $0x30, v60  }
0x69: {  	v3 =	vand.u32 $0x7, v3  }
0x6a: {  	v3 =	vor.u32 v3, v4  }
0x6b: {  	v4 =	vperm.xlane v3, v0;
	_ =	sdelay $0x1  }
0x6c: {  	v4 =	vadd.s32 v1, v4;
	_ =	sdelay $0x3  }
0x6d: {  	s22 =	simm.s32 $0xC100;
	v3 =	vperm.xlane v3, v2  }
0x6e: {  	[tilespmem:s22], [sflag:$0x1] =	stream.indirect_vreg.gather [hbm4b:s3+s2], $0x80, v4, vm0, $0xb8;
	[tilespmem:$0x18100] =	vst v63  }
0x6f: {  	s23 =	simm.s32 $0xC900;
	v3 =	vadd.s32 v1, v3  }
0x70: {  	[tilespmem:s23], [sflag:$0x1] =	stream.indirect_vreg.gather [hbm4b:s6+s2], $0x80, v4, vm0, $0xb8;
	[tilespmem:$0x18100] =	vst v63  }
0x71: {  	s24 =	simm.s32 $0xD100  }
0x72: {  	[tilespmem:s24], [sflag:$0x1] =	stream.indirect_vreg.gather [hbm4b:s7+s2], $0x80, v4, vm0, $0xb8;
	[tilespmem:$0x18100] =	vst v63  }
0x73: {  	s25 =	simm.s32 $0xD900  }
0x74: {  	[tilespmem:s25], [sflag:$0x1] =	stream.indirect_vreg.gather [hbm4b:s3+s2], $0x80, v3, vm0, $0xb8;
	[tilespmem:$0x18100] =	vst v63  }
0x75: {  	s26 =	simm.s32 $0xE100  }
0x76: {  	[tilespmem:s26], [sflag:$0x1] =	stream.indirect_vreg.gather [hbm4b:s6+s2], $0x80, v3, vm0, $0xb8;
	[tilespmem:$0x18100] =	vst v63  }
0x77: {  	s28 =	simm.s32 $0xE900  }
0x78: {  	[tilespmem:s28], [sflag:$0x1] =	stream.indirect_vreg.gather [hbm4b:s7+s2], $0x80, v3, vm0, $0xb8;
	[tilespmem:$0x18100] =	vst v63  }
0x79: {  	v3 =	vld [tilespmem:$0x90];
	_ =	sdelay $0x4  }
0x7a: {  	v61 =	vshrl.u32 v3, $0x3  }
0x7b: {  	v4 =	vmul.u32 $0x30, v61  }
0x7c: {  	v3 =	vand.u32 $0x7, v3  }
0x7d: {  	v3 =	vor.u32 v3, v4  }
0x7e: {  	v4 =	vperm.xlane v3, v0;
	_ =	sdelay $0x1  }
0x7f: {  	v4 =	vadd.s32 v1, v4;
	_ =	sdelay $0x3  }
0x80: {  	s22 =	simm.s32 $0xF100;
	v3 =	vperm.xlane v3, v2  }
0x81: {  	[tilespmem:s22], [sflag:$0x1] =	stream.indirect_vreg.gather [hbm4b:s3+s2], $0x80, v4, vm0, $0xb8;
	[tilespmem:$0x18100] =	vst v63  }
0x82: {  	s23 =	simm.s32 $0xF900;
	v3 =	vadd.s32 v1, v3  }
0x83: {  	[tilespmem:s23], [sflag:$0x1] =	stream.indirect_vreg.gather [hbm4b:s6+s2], $0x80, v4, vm0, $0xb8;
	[tilespmem:$0x18100] =	vst v63  }
0x84: {  	s24 =	simm.s32 $0x10100  }
0x85: {  	[tilespmem:s24], [sflag:$0x1] =	stream.indirect_vreg.gather [hbm4b:s7+s2], $0x80, v4, vm0, $0xb8;
	[tilespmem:$0x18100] =	vst v63  }
0x86: {  	s25 =	simm.s32 $0x10900  }
0x87: {  	[tilespmem:s25], [sflag:$0x1] =	stream.indirect_vreg.gather [hbm4b:s3+s2], $0x80, v3, vm0, $0xb8;
	[tilespmem:$0x18100] =	vst v63  }
0x88: {  	s26 =	simm.s32 $0x11100  }
0x89: {  	[tilespmem:s26], [sflag:$0x1] =	stream.indirect_vreg.gather [hbm4b:s6+s2], $0x80, v3, vm0, $0xb8;
	[tilespmem:$0x18100] =	vst v63  }
0x8a: {  	s28 =	simm.s32 $0x11900  }
0x8b: {  	[tilespmem:s28], [sflag:$0x1] =	stream.indirect_vreg.gather [hbm4b:s7+s2], $0x80, v3, vm0, $0xb8;
	[tilespmem:$0x18100] =	vst v63  }
0x8c: {  	v3 =	vld [tilespmem:$0xA0];
	_ =	sdelay $0x4  }
0x8d: {  	v62 =	vshrl.u32 v3, $0x3  }
0x8e: {  	v4 =	vmul.u32 $0x30, v62  }
0x8f: {  	v3 =	vand.u32 $0x7, v3  }
0x90: {  	v3 =	vor.u32 v3, v4  }
0x91: {  	v4 =	vperm.xlane v3, v0;
	_ =	sdelay $0x1  }
0x92: {  	v4 =	vadd.s32 v1, v4;
	_ =	sdelay $0x3  }
0x93: {  	v3 =	vperm.xlane v3, v2  }
0x94: {  	[tilespmem:s29], [sflag:$0x1] =	stream.indirect_vreg.gather [hbm4b:s3+s2], $0x80, v4, vm0, $0xb8;
	[tilespmem:$0x18100] =	vst v63  }
0x95: {  	v3 =	vadd.s32 v1, v3  }
0x96: {  	[tilespmem:s30], [sflag:$0x1] =	stream.indirect_vreg.gather [hbm4b:s6+s2], $0x80, v4, vm0, $0xb8;
	[tilespmem:$0x18100] =	vst v63  }
0x97: {  	_ = 	snop  }
0x98: {  	[tilespmem:s31], [sflag:$0x1] =	stream.indirect_vreg.gather [hbm4b:s7+s2], $0x80, v4, vm0, $0xb8;
	[tilespmem:$0x18100] =	vst v63  }
0x99: {  	_ = 	snop  }
0x9a: {  	[tilespmem:s0], [sflag:$0x1] =	stream.indirect_vreg.gather [hbm4b:s3+s2], $0x80, v3, vm0, $0xb8;
	[tilespmem:$0x18100] =	vst v63  }
0x9b: {  	_ = 	snop  }
0x9c: {  	[tilespmem:s1], [sflag:$0x1] =	stream.indirect_vreg.gather [hbm4b:s6+s2], $0x80, v3, vm0, $0xb8;
	[tilespmem:$0x18100] =	vst v63  }
0x9d: {  	_ = 	snop  }
0x9e: {  	[tilespmem:s11], [sflag:$0x1] =	stream.indirect_vreg.gather [hbm4b:s7+s2], $0x80, v3, vm0, $0xb8;
	[tilespmem:$0x18100] =	vst v63  }
0x9f: {  	v3 =	vld [tilespmem:$0xB0];
	_ =	sdelay $0x4  }
0xa0: {  	v63 =	vshrl.u32 v3, $0x3  }
0xa1: {  	v4 =	vmul.u32 $0x30, v63  }
0xa2: {  	v3 =	vand.u32 $0x7, v3  }
0xa3: {  	v3 =	vor.u32 v3, v4  }
0xa4: {  	v4 =	vperm.xlane v3, v0;
	_ =	sdelay $0x1  }
0xa5: {  	v4 =	vadd.s32 v1, v4;
	_ =	sdelay $0x3  }
0xa6: {  	v3 =	vperm.xlane v3, v2  }
0xa7: {  	[tilespmem:s13], [sflag:$0x1] =	stream.indirect_vreg.gather [hbm4b:s3+s2], $0x80, v4, vm0, $0xb8;
	[tilespmem:$0x18100] =	vst v63  }
0xa8: {  	v3 =	vadd.s32 v1, v3  }
0xa9: {  	[tilespmem:s14], [sflag:$0x1] =	stream.indirect_vreg.gather [hbm4b:s6+s2], $0x80, v4, vm0, $0xb8;
	[tilespmem:$0x18100] =	vst v63  }
0xaa: {  	_ = 	snop  }
0xab: {  	[tilespmem:s16], [sflag:$0x1] =	stream.indirect_vreg.gather [hbm4b:s7+s2], $0x80, v4, vm0, $0xb8;
	[tilespmem:$0x18100] =	vst v63  }
0xac: {  	_ = 	snop  }
0xad: {  	[tilespmem:s17], [sflag:$0x1] =	stream.indirect_vreg.gather [hbm4b:s3+s2], $0x80, v3, vm0, $0xb8;
	[tilespmem:$0x18100] =	vst v63  }
0xae: {  	_ = 	snop  }
0xaf: {  	[tilespmem:s18], [sflag:$0x1] =	stream.indirect_vreg.gather [hbm4b:s6+s2], $0x80, v3, vm0, $0xb8;
	[tilespmem:$0x18100] =	vst v63  }
0xb0: {  	_ = 	snop  }
0xb1: {  	[tilespmem:s19], [sflag:$0x1] =	stream.indirect_vreg.gather [hbm4b:s7+s2], $0x80, v3, vm0, $0xb8;
	[tilespmem:$0x18100] =	vst v63  }
0xb2: {  	_ =	swait.ge [sflag:s15], $0xC000  }
0xb3: {  	[sflag:s15] =	ssyncset.done $0x0  }
0xb4: {  	s21 =	simm.s32 $0x0;
	[sflag:s15] =	ssyncadd.s32 $0xFFFF4000  }
.LBB2_2:
0xb5: {  	s22 =	sshrl.u32 s21, $0x3  }
0xb6: {  	s23 =	sshll.u32 s21, $0x7;
	s22 =	smul.u32 $0x1800, s22  }
0xb7: {  	s24 =	simm.s32 $0x0;
	s23 =	sand.u32 $0x380, s23  }
0xb8: {  	s26 =	sand.u32 $0x1C00, s24;
	s22 =	sor.u32 s23, s22  }
0xb9: {  	s24 =	sand.u32 $0x70, s24;
	s23 =	sadd.s32 s22, s26  }
0xba: {  	s23 =	sor.u32 s24, s23  }
0xbb: {  	v3 =	vld [tilespmem:s23+$0xC100]  }
0xbc: {  	v4 =	vld [tilespmem:s23+$0x100];
	_ =	sdelay $0x2  }
0xbd: {  	s24 =	simm.s32 $0x80  }
0xbe: {  	s25 =	simm.s32 $0x10;
	s28 =	sand.u32 $0x1C00, s24  }
0xbf: {  	s26 =	sand.u32 $0x70, s25;
	s25 =	simm.s32 $0x20;
	s28 =	sadd.s32 s22, s28;
	v3 =	vadd.f32 v3, v4  }
.LBB2_3:
0xc0: {  	p0 =	sne.s32 s25, $0x2F0;
	s26 =	sor.u32 s26, s28  }
0xc1: {  	v4 =	vld [tilespmem:s26+$0xC100];
	[tilespmem:s23+$0x100] =	vst v3;
	s23 =	smov.u32 s26  }
0xc2: {  	v3 =	vld [tilespmem:s23+$0x100]  }
.Ltmp0:
0xc3: {  	(pc) =	sbr.rel @p0 .LBB2_3-.Ltmp0, $4  }
0xc4: {  	_ = 	snop  }
0xc5: {  	s24 =	sadd.s32 $0x80, s24  }
0xc6: {  	s28 =	sand.u32 $0x1C00, s24  }
0xc7: {  	s26 =	sand.u32 $0x70, s25;
	s25 =	sadd.s32 $0x10, s25;
	s28 =	sadd.s32 s22, s28;
	v3 =	vadd.f32 v4, v3  }
0xc8: {  	s22 =	sor.u32 s26, s28  }
0xc9: {  	v4 =	vld [tilespmem:s22+$0xC100];
	[tilespmem:s23+$0x100] =	vst v3  }
0xca: {  	v3 =	vld [tilespmem:s22+$0x100]  }
0xcb: {  	s21 =	sadd.s32 $0x1, s21  }
0xcc: {  	p0 =	sne.s32 s21, $0x40  }
.Ltmp1:
0xcd: {  	_ = 	snop;
	(pc) =	sbr.rel @p0 .LBB2_2-.Ltmp1, $3  }
0xce: {  	_ = 	snop  }
0xcf: {  	v3 =	vadd.f32 v4, v3;
	_ =	sdelay $0x1  }
0xd0: {  	[tilespmem:s22+$0x100] =	vst v3  }
0xd1: {  	s20 =	sadd.s32 $0x1, s20  }
0xd2: {  	p0 =	sne.s32 s20, s9  }
.Ltmp2:
0xd3: {  	_ = 	snop;
	(pc) =	sbr.rel @p0 .LBB2_1-.Ltmp2, $4  }
0xd4: {  	[hbm4b:s8+s2] =	stream.linear.scatter [tilespmem:s12], [sflag:$0x2], $0xC000, $0x38;
	[tilespmem:$0x18100] =	vst v63  }
0xd5: {  	_ =	swait.ge [sflag:s10], $0xC000  }
0xd6: {  	[sflag:s10] =	ssyncset.done $0x0  }
0xd7: {  	[sflag:s10] =	ssyncadd.s32 $0xFFFF4000  }
0xd8: {  	_ =	sfence.sel $0x180000  }
0xd9: {  	[bflag:$0x0] =	sbarrier.arrive $0xFFFF  }
0xda: {  	_ =	strace $0x9000004A  }
0xdb: {  	s0 =	stileid.u32;
	[bflag:$0x2] =	sbarrier.arrive $0xFFFF  }
0xdc: {  	p0 =	sne.s32 s0, $0x0;
	s0 =	rddreg [dreg:$0x2]  }
0xdd: {  	s0 =	sadd.s32 @!p0 $0x100000, s0  }
0xde: {  	[sflag:s0] =	ssyncadd.tile.s32 @!p0 $0x1;
	_ =	shalt  }
.Lfunc_end2:
_tile_overlayer_lowered:
.L_overlay_start_2:
0xdf: {  	(tag) =	ssettag $0x2  }
0xe0: {  	s0 =	rddreg [dreg:$0x0];
	s2 =	stileid.u32  }
0xe1: {  	s1 =	rddreg [dreg:$0x1];
	p0 =	sne.s32 s2, $0x0  }
0xe2: {  	s3 =	rddreg [dreg:$0x2];
	[bflag:$0x3] =	sbarrier.arrive $0xFFFF;
	s2 =	simm.s32 @!p0 $0x1C02  }
0xe3: {  	[timem:s3], [sflag:s2] =	dma.local @!p0 [hbm:s0], s1  }
0xe4: {  	s0 =	simm.s32 @!p0 $0x2  }
0xe5: {  	_ =	swait.ge @!p0 [sflag:s0], s1  }
0xe6: {  	s1 =	ssub.s32 @!p0 $0x0, s1;
	[sflag:s0] =	ssyncset.done @!p0 $0x0  }
0xe7: {  	[sflag:s0] =	ssyncadd.s32 @!p0 s1  }
0xe8: {  	[bflag:$0x3] =	sbarrier.arrive $0xFFFF  }
0xe9: {  	_ =	shalt  }

</sc_bundles>
